<compile_context>
chip_gen: v7x
topology: tpu7x:2x2x1
jax: 0.10.2.dev20260603
libtpu: 0.0.44.dev20260713+nightly
codegen_flags: <defaults>
</compile_context>

<pallas_src>
import functools
import math

import jax
import jax.numpy as jnp
from jax import lax
from jax.experimental import pallas as pl
from jax.experimental.pallas import tpu as pltpu
from jax.experimental.pallas import tpu_sc as plsc

NC, NS, L = 2, 16, 16
NW = NC * NS
TOP_K = 10
BIGI = 1 << 30
NEG = float("-inf")
I32 = jnp.int32
F32 = jnp.float32

INVLOG = [1.0 / math.log2(r + 2) for r in range(TOP_K)] + [0.0] * (L - TOP_K)


def _metrics_kernel(B, C):
    QW = B // NW
    NG = -(-C // L)

    mesh = plsc.VectorSubcoreMesh(core_axis_name="c", subcore_axis_name="s",
                                  num_cores=NC, num_subcores=NS)

    @functools.partial(
        pl.kernel,
        mesh=mesh,
        out_type=jax.ShapeDtypeStruct((NW, L), F32),
        compiler_params=pltpu.CompilerParams(needs_layout_passes=False),
        scratch_types=[
            pltpu.VMEM((QW, C), I32),
            pltpu.VMEM((QW, C), F32),
            pltpu.VMEM((QW,), I32),
            pltpu.VMEM((L,), F32),
            pltpu.SemaphoreType.DMA,
        ],
    )
    def k(lp_hbm, ids_hbm, lab_hbm, out_hbm, ids_buf, lp_buf, lab_buf,
          out_vec, sem):
        wid = lax.axis_index("s") * NC + lax.axis_index("c")
        q0 = wid * QW
        lane = lax.iota(I32, L)
        gidx = [lane + L * g for g in range(NG)]
        cgidx = [jnp.minimum(gi, C - 1) for gi in gidx]
        zero_i = jnp.zeros((L,), I32)
        zero_f = jnp.zeros((L,), F32)
        invlog_v = zero_f
        for r in range(TOP_K):
            invlog_v = jnp.where(lane == r, F32(INVLOG[r]), invlog_v)

        cps = (
            (ids_hbm.at[pl.ds(q0, QW)], ids_buf),
            (lp_hbm.at[pl.ds(q0, QW)], lp_buf),
            (lab_hbm.at[pl.ds(q0, QW)], lab_buf),
        )
        for src, dst in cps:
            pltpu.async_copy(src, dst, sem)
        for src, dst in cps:
            pltpu.make_async_copy(src, dst, sem).wait()

        def vmin_all(hs):
            t = list(hs)
            while len(t) > 1:
                t = [jnp.minimum(t[i], t[i + 1]) for i in range(0, len(t) - 1, 2)] \
                    + ([t[-1]] if len(t) % 2 else [])
            return jnp.min(t[0])

        def do_query(qi, acc):
            qs = jnp.broadcast_to(qi, (L,))
            labv = plsc.load_gather(lab_buf, [qs])

            hvecs = []
            ntv = zero_i
            for g in range(NG):
                m = plsc.load_gather(ids_buf, [qs, cgidx[g]]) == labv
                if (g + 1) * L > C:
                    m &= gidx[g] < C
                ntv += m.astype(I32)
                hvecs.append(jnp.where(m, gidx[g], BIGI))
            nt_s = jnp.sum(ntv, dtype=I32)

            def target_branch():
                vvecs = []
                for g in range(NG):
                    v = plsc.load_gather(lp_buf, [qs, cgidx[g]])
                    if (g + 1) * L > C:
                        v = jnp.where(gidx[g] < C, v, F32(NEG))
                    vvecs.append(v)

                def cond(st):
                    return st[0] < BIGI

                def body(st):
                    c, hs, dcg_v, nh_v = st
                    cs = jnp.broadcast_to(c, (L,))
                    vc = plsc.load_gather(lp_buf, [qs, cs])
                    rv = zero_i
                    for g in range(NG):
                        beats = (vvecs[g] > vc) | ((vvecs[g] == vc) & (gidx[g] < cs))
                        rv += beats.astype(I32)
                    rank = jnp.broadcast_to(jnp.sum(rv, dtype=I32), (L,))
                    sel = rank == lane
                    dcg_v = dcg_v + jnp.where(sel, invlog_v, zero_f)
                    nh_v = nh_v + (sel & (lane < TOP_K)).astype(I32)
                    hs = tuple(jnp.where(h == cs, BIGI, h) for h in hs)
                    return (vmin_all(hs), hs, dcg_v, nh_v)

                st = lax.while_loop(
                    cond, body, (vmin_all(hvecs), tuple(hvecs), zero_f, zero_i))
                dcg_v, nh_v = st[2], st[3]

                nt_b = jnp.broadcast_to(nt_s, (L,))
                dcg_b = jnp.broadcast_to(jnp.sum(dcg_v), (L,))
                nh_b = jnp.broadcast_to(jnp.sum(nh_v, dtype=I32), (L,))
                ideal = zero_f
                for kk in range(TOP_K):
                    ideal = ideal + jnp.where(nt_b > kk, F32(INVLOG[kk]),
                                              F32(0.0))
                ndcg = dcg_b / jnp.where(ideal == F32(0.0), F32(1.0), ideal)
                den = jnp.maximum(jnp.minimum(nt_b, TOP_K), 1).astype(F32)
                recall = nh_b.astype(F32) / den
                hit = (nh_b > 0).astype(F32)
                return (acc[0] + ndcg, acc[1] + recall, acc[2] + hit)

            return lax.cond(nt_s > 0, target_branch, lambda: acc)

        def do_pair(qi, acc):
            acc = do_query(qi, acc)
            return do_query(qi + QW // 2, acc)

        acc_n, acc_r, acc_h = lax.fori_loop(
            I32(0), I32(QW // 2), do_pair, (zero_f, zero_f, zero_f))

        s_n = jnp.max(acc_n)
        s_r = jnp.max(acc_r)
        s_h = jnp.max(acc_h)
        out_vec[...] = jnp.where(lane == 0, s_n,
                                 jnp.where(lane == 1, s_r,
                                           jnp.where(lane == 2, s_h, F32(0.0))))
        pltpu.sync_copy(out_vec, out_hbm.at[wid])

    return k


@jax.jit
def kernel(log_probs, generated_ids, labels):
    B, C, H = generated_ids.shape
    ids_pk = lax.bitcast_convert_type(generated_ids.astype(jnp.uint8), I32)
    lab_pk = lax.bitcast_convert_type(labels.astype(jnp.uint8), I32)
    part = _metrics_kernel(B, C)(log_probs, ids_pk, lab_pk)
    s = jnp.sum(part[:, :3], axis=0) / B
    return (s[0], s[1], s[2])

# --- scband reference (transcript-rebuilt; emitter-appended) ---
"""Pipeline reference for scband-sidretrieval-evaluator-257698037812 (READ-ONLY COPY).

The authoritative reference and input builder live on the scoring server;
editing this copy changes nothing except your own understanding.
"""

import jax, jax.numpy as jnp
import numpy as np

jax.config.update("jax_enable_x64", True)

TOP_K = 10
SID_PREFIX = 4


def setup_inputs(seed: int = 0) -> dict:
    key = jax.random.key(seed)
    k1, k2, k3 = jax.random.split(key, 3)
    B, C, H = 4096, 200, 4
    log_probs = jax.random.normal(k1, (B, C), dtype=jnp.float32)
    generated_ids = jax.random.randint(k2, (B, C, H), 0, 8, dtype=jnp.int64)
    labels = jax.random.randint(k3, (B, H), 0, 8, dtype=jnp.int64)
    return {"log_probs": log_probs, "generated_ids": generated_ids, "labels": labels}


def reference(log_probs, generated_ids, labels):
    B, C, H = generated_ids.shape
    # slice to sid prefix
    gids = generated_ids[:, :, :SID_PREFIX]
    labs = labels[:, None, :SID_PREFIX]
    # target[b, c] = True iff candidate c fully matches the label prefix
    target = jnp.all(gids == labs, axis=2)  # bool [B, C]
    preds = log_probs  # [B, C]
    t = target.astype(jnp.float32)

    # top-k over candidates by predicted log-prob
    _, topk_idx = jax.lax.top_k(preds, TOP_K)               # [B, K]
    topk_true = jnp.take_along_axis(t, topk_idx, axis=1)    # [B, K]

    # HitRate@K
    hit = (topk_true > 0).any(axis=1).astype(jnp.float32)
    hitrate = hit.sum() / B

    # NDCG@K
    denom = jnp.log2(jnp.arange(2, TOP_K + 2, dtype=jnp.float32))[None, :]
    dcg = (topk_true / denom).sum(axis=1)
    ideal_vals, _ = jax.lax.top_k(t, TOP_K)
    ideal_dcg = (ideal_vals / denom).sum(axis=1)
    ndcg = dcg / jnp.where(ideal_dcg == 0, jnp.ones_like(ideal_dcg), ideal_dcg)
    ndcg_mean = ndcg.sum() / B

    # Recall@K
    num_hit = topk_true.sum(axis=1)
    total_rel = t.sum(axis=1)
    den = jnp.clip(jnp.minimum(total_rel, float(TOP_K)), 1.0, None)
    recall = (num_hit / den).sum() / B

    return (ndcg_mean, recall, hitrate)

if __name__ == "__main__":
    import jax
    _d = setup_inputs()
    print(jax.jit(kernel)(*tuple(_d.values())))

</pallas_src>

<mosaic_0001>
#map = affine_map<(d0, d1) -> (0, 0)>
#map1 = affine_map<(d0, d1) -> (0)>
module attributes {stable_mosaic.version = 14 : i64} {
  func.func @k(%arg0: i32, %arg1: i32, %arg2: memref<4096x200xf32, #tpu.memory_space<hbm>>, %arg3: memref<4096x200xi32, #tpu.memory_space<hbm>>, %arg4: memref<4096xi32, #tpu.memory_space<hbm>>, %arg5: memref<32x16xf32, #tpu.memory_space<hbm>>, %arg6: memref<128x200xi32, #tpu.memory_space<vmem>>, %arg7: memref<128x200xf32, #tpu.memory_space<vmem>>, %arg8: memref<128xi32, #tpu.memory_space<vmem>>, %arg9: memref<16xf32, #tpu.memory_space<vmem>>, %arg10: memref<!tpu.dma_semaphore, #tpu.memory_space<semaphore_mem>>) attributes {dimension_semantics = [#tpu.dimension_semantics<core_parallel>, #tpu.dimension_semantics<subcore_parallel>], iteration_bounds = array<i64: 2, 16>, scalar_prefetch = 0 : i64, scratch_operands = 5 : i64, tpu.core_type = #tpu.core_type<sc_vector_subcore>, window_params = [{transform_indices = #map}, {transform_indices = #map}, {transform_indices = #map1}, {transform_indices = #map}]} {
    %mul3A = arith.constant 2 : i32
    %mul3A_0 = arith.muli %arg1, %mul3A : i32
    %add3A = arith.addi %mul3A_0, %arg0 : i32
    %mul3A_1 = arith.constant 128 : i32
    %mul3A_2 = arith.muli %add3A, %mul3A_1 : i32
    %iota3A = tpu.iota {dimensions = array<i32: 0>} : vector<16xi32>
    %add3A_3 = arith.constant 0 : i32
    %add3A_4 = vector.broadcast %add3A_3 : i32 to vector<16xi32>
    %add3A_5 = arith.addi %iota3A, %add3A_4 : vector<16xi32>
    %add3A_6 = arith.constant 16 : i32
    %add3A_7 = vector.broadcast %add3A_6 : i32 to vector<16xi32>
    %add3A_8 = arith.addi %iota3A, %add3A_7 : vector<16xi32>
    %add3A_9 = arith.constant 32 : i32
    %add3A_10 = vector.broadcast %add3A_9 : i32 to vector<16xi32>
    %add3A_11 = arith.addi %iota3A, %add3A_10 : vector<16xi32>
    %add3A_12 = arith.constant 48 : i32
    %add3A_13 = vector.broadcast %add3A_12 : i32 to vector<16xi32>
    %add3A_14 = arith.addi %iota3A, %add3A_13 : vector<16xi32>
    %add3A_15 = arith.constant 64 : i32
    %add3A_16 = vector.broadcast %add3A_15 : i32 to vector<16xi32>
    %add3A_17 = arith.addi %iota3A, %add3A_16 : vector<16xi32>
    %add3A_18 = arith.constant 80 : i32
    %add3A_19 = vector.broadcast %add3A_18 : i32 to vector<16xi32>
    %add3A_20 = arith.addi %iota3A, %add3A_19 : vector<16xi32>
    %add3A_21 = arith.constant 96 : i32
    %add3A_22 = vector.broadcast %add3A_21 : i32 to vector<16xi32>
    %add3A_23 = arith.addi %iota3A, %add3A_22 : vector<16xi32>
    %add3A_24 = arith.constant 112 : i32
    %add3A_25 = vector.broadcast %add3A_24 : i32 to vector<16xi32>
    %add3A_26 = arith.addi %iota3A, %add3A_25 : vector<16xi32>
    %add3A_27 = arith.constant 128 : i32
    %add3A_28 = vector.broadcast %add3A_27 : i32 to vector<16xi32>
    %add3A_29 = arith.addi %iota3A, %add3A_28 : vector<16xi32>
    %add3A_30 = arith.constant 144 : i32
    %add3A_31 = vector.broadcast %add3A_30 : i32 to vector<16xi32>
    %add3A_32 = arith.addi %iota3A, %add3A_31 : vector<16xi32>
    %add3A_33 = arith.constant 160 : i32
    %add3A_34 = vector.broadcast %add3A_33 : i32 to vector<16xi32>
    %add3A_35 = arith.addi %iota3A, %add3A_34 : vector<16xi32>
    %add3A_36 = arith.constant 176 : i32
    %add3A_37 = vector.broadcast %add3A_36 : i32 to vector<16xi32>
    %add3A_38 = arith.addi %iota3A, %add3A_37 : vector<16xi32>
    %add3A_39 = arith.constant 192 : i32
    %add3A_40 = vector.broadcast %add3A_39 : i32 to vector<16xi32>
    %add3A_41 = arith.addi %iota3A, %add3A_40 : vector<16xi32>
    %min3A = arith.constant 199 : i32
    %min3A_42 = vector.broadcast %min3A : i32 to vector<16xi32>
    %min3A_43 = arith.minsi %add3A_5, %min3A_42 : vector<16xi32>
    %min3A_44 = arith.constant 199 : i32
    %min3A_45 = vector.broadcast %min3A_44 : i32 to vector<16xi32>
    %min3A_46 = arith.minsi %add3A_8, %min3A_45 : vector<16xi32>
    %min3A_47 = arith.constant 199 : i32
    %min3A_48 = vector.broadcast %min3A_47 : i32 to vector<16xi32>
    %min3A_49 = arith.minsi %add3A_11, %min3A_48 : vector<16xi32>
    %min3A_50 = arith.constant 199 : i32
    %min3A_51 = vector.broadcast %min3A_50 : i32 to vector<16xi32>
    %min3A_52 = arith.minsi %add3A_14, %min3A_51 : vector<16xi32>
    %min3A_53 = arith.constant 199 : i32
    %min3A_54 = vector.broadcast %min3A_53 : i32 to vector<16xi32>
    %min3A_55 = arith.minsi %add3A_17, %min3A_54 : vector<16xi32>
    %min3A_56 = arith.constant 199 : i32
    %min3A_57 = vector.broadcast %min3A_56 : i32 to vector<16xi32>
    %min3A_58 = arith.minsi %add3A_20, %min3A_57 : vector<16xi32>
    %min3A_59 = arith.constant 199 : i32
    %min3A_60 = vector.broadcast %min3A_59 : i32 to vector<16xi32>
    %min3A_61 = arith.minsi %add3A_23, %min3A_60 : vector<16xi32>
    %min3A_62 = arith.constant 199 : i32
    %min3A_63 = vector.broadcast %min3A_62 : i32 to vector<16xi32>
    %min3A_64 = arith.minsi %add3A_26, %min3A_63 : vector<16xi32>
    %min3A_65 = arith.constant 199 : i32
    %min3A_66 = vector.broadcast %min3A_65 : i32 to vector<16xi32>
    %min3A_67 = arith.minsi %add3A_29, %min3A_66 : vector<16xi32>
    %min3A_68 = arith.constant 199 : i32
    %min3A_69 = vector.broadcast %min3A_68 : i32 to vector<16xi32>
    %min3A_70 = arith.minsi %add3A_32, %min3A_69 : vector<16xi32>
    %min3A_71 = arith.constant 199 : i32
    %min3A_72 = vector.broadcast %min3A_71 : i32 to vector<16xi32>
    %min3A_73 = arith.minsi %add3A_35, %min3A_72 : vector<16xi32>
    %min3A_74 = arith.constant 199 : i32
    %min3A_75 = vector.broadcast %min3A_74 : i32 to vector<16xi32>
    %min3A_76 = arith.minsi %add3A_38, %min3A_75 : vector<16xi32>
    %min3A_77 = arith.constant 199 : i32
    %min3A_78 = vector.broadcast %min3A_77 : i32 to vector<16xi32>
    %min3A_79 = arith.minsi %add3A_41, %min3A_78 : vector<16xi32>
    %broadcast_in_dim3A = arith.constant 0 : i32
    %broadcast_in_dim3A_80 = vector.broadcast %broadcast_in_dim3A : i32 to vector<16xi32>
    %broadcast_in_dim3A_81 = arith.constant 0.000000e+00 : f32
    %broadcast_in_dim3A_82 = vector.broadcast %broadcast_in_dim3A_81 : f32 to vector<16xf32>
    %eq3A = arith.constant 0 : i32
    %eq3A_83 = vector.broadcast %eq3A : i32 to vector<16xi32>
    %eq3A_84 = arith.cmpi eq, %iota3A, %eq3A_83 : vector<16xi32>
    %jit3A = arith.constant 1.000000e+00 : f32
    %broadcast_in_dim3A_85 = vector.broadcast %jit3A : f32 to vector<16xf32>
    %select_n3A = arith.select %eq3A_84, %broadcast_in_dim3A_85, %broadcast_in_dim3A_82 : vector<16xi1>, vector<16xf32>
    %eq3A_86 = arith.constant 1 : i32
    %eq3A_87 = vector.broadcast %eq3A_86 : i32 to vector<16xi32>
    %eq3A_88 = arith.cmpi eq, %iota3A, %eq3A_87 : vector<16xi32>
    %jit3A_89 = arith.constant 0.630929768 : f32
    %broadcast_in_dim3A_90 = vector.broadcast %jit3A_89 : f32 to vector<16xf32>
    %select_n3A_91 = arith.select %eq3A_88, %broadcast_in_dim3A_90, %select_n3A : vector<16xi1>, vector<16xf32>
    %eq3A_92 = arith.constant 2 : i32
    %eq3A_93 = vector.broadcast %eq3A_92 : i32 to vector<16xi32>
    %eq3A_94 = arith.cmpi eq, %iota3A, %eq3A_93 : vector<16xi32>
    %jit3A_95 = arith.constant 5.000000e-01 : f32
    %broadcast_in_dim3A_96 = vector.broadcast %jit3A_95 : f32 to vector<16xf32>
    %select_n3A_97 = arith.select %eq3A_94, %broadcast_in_dim3A_96, %select_n3A_91 : vector<16xi1>, vector<16xf32>
    %eq3A_98 = arith.constant 3 : i32
    %eq3A_99 = vector.broadcast %eq3A_98 : i32 to vector<16xi32>
    %eq3A_100 = arith.cmpi eq, %iota3A, %eq3A_99 : vector<16xi32>
    %jit3A_101 = arith.constant 0.43067655 : f32
    %broadcast_in_dim3A_102 = vector.broadcast %jit3A_101 : f32 to vector<16xf32>
    %select_n3A_103 = arith.select %eq3A_100, %broadcast_in_dim3A_102, %select_n3A_97 : vector<16xi1>, vector<16xf32>
    %eq3A_104 = arith.constant 4 : i32
    %eq3A_105 = vector.broadcast %eq3A_104 : i32 to vector<16xi32>
    %eq3A_106 = arith.cmpi eq, %iota3A, %eq3A_105 : vector<16xi32>
    %jit3A_107 = arith.constant 0.386852801 : f32
    %broadcast_in_dim3A_108 = vector.broadcast %jit3A_107 : f32 to vector<16xf32>
    %select_n3A_109 = arith.select %eq3A_106, %broadcast_in_dim3A_108, %select_n3A_103 : vector<16xi1>, vector<16xf32>
    %eq3A_110 = arith.constant 5 : i32
    %eq3A_111 = vector.broadcast %eq3A_110 : i32 to vector<16xi32>
    %eq3A_112 = arith.cmpi eq, %iota3A, %eq3A_111 : vector<16xi32>
    %jit3A_113 = arith.constant 0.356207192 : f32
    %broadcast_in_dim3A_114 = vector.broadcast %jit3A_113 : f32 to vector<16xf32>
    %select_n3A_115 = arith.select %eq3A_112, %broadcast_in_dim3A_114, %select_n3A_109 : vector<16xi1>, vector<16xf32>
    %eq3A_116 = arith.constant 6 : i32
    %eq3A_117 = vector.broadcast %eq3A_116 : i32 to vector<16xi32>
    %eq3A_118 = arith.cmpi eq, %iota3A, %eq3A_117 : vector<16xi32>
    %jit3A_119 = arith.constant 0.333333343 : f32
    %broadcast_in_dim3A_120 = vector.broadcast %jit3A_119 : f32 to vector<16xf32>
    %select_n3A_121 = arith.select %eq3A_118, %broadcast_in_dim3A_120, %select_n3A_115 : vector<16xi1>, vector<16xf32>
    %eq3A_122 = arith.constant 7 : i32
    %eq3A_123 = vector.broadcast %eq3A_122 : i32 to vector<16xi32>
    %eq3A_124 = arith.cmpi eq, %iota3A, %eq3A_123 : vector<16xi32>
    %jit3A_125 = arith.constant 0.315464884 : f32
    %broadcast_in_dim3A_126 = vector.broadcast %jit3A_125 : f32 to vector<16xf32>
    %select_n3A_127 = arith.select %eq3A_124, %broadcast_in_dim3A_126, %select_n3A_121 : vector<16xi1>, vector<16xf32>
    %eq3A_128 = arith.constant 8 : i32
    %eq3A_129 = vector.broadcast %eq3A_128 : i32 to vector<16xi32>
    %eq3A_130 = arith.cmpi eq, %iota3A, %eq3A_129 : vector<16xi32>
    %jit3A_131 = arith.constant 3.010300e-01 : f32
    %broadcast_in_dim3A_132 = vector.broadcast %jit3A_131 : f32 to vector<16xf32>
    %select_n3A_133 = arith.select %eq3A_130, %broadcast_in_dim3A_132, %select_n3A_127 : vector<16xi1>, vector<16xf32>
    %eq3A_134 = arith.constant 9 : i32
    %eq3A_135 = vector.broadcast %eq3A_134 : i32 to vector<16xi32>
    %eq3A_136 = arith.cmpi eq, %iota3A, %eq3A_135 : vector<16xi32>
    %jit3A_137 = arith.constant 0.289064825 : f32
    %broadcast_in_dim3A_138 = vector.broadcast %jit3A_137 : f32 to vector<16xf32>
    %select_n3A_139 = arith.select %eq3A_136, %broadcast_in_dim3A_138, %select_n3A_133 : vector<16xi1>, vector<16xf32>
    %dma_start3A = arith.constant 0 : i32
    %dma_start3A_140 = tpu.memref_slice %arg3[%mul3A_2, %dma_start3A] : memref<4096x200xi32, #tpu.memory_space<hbm>> -> memref<128x200xi32, #tpu.memory_space<hbm>>
    %dma_start3A_141 = arith.constant 0 : i32
    %dma_start3A_142 = tpu.memref_slice %arg3[%mul3A_2, %dma_start3A_141] : memref<4096x200xi32, #tpu.memory_space<hbm>> -> memref<128x200xi32, #tpu.memory_space<hbm>>
    tpu.enqueue_dma source(%dma_start3A_142 : memref<128x200xi32, #tpu.memory_space<hbm>>) target(%arg6 : memref<128x200xi32, #tpu.memory_space<vmem>>) target_semaphore(%arg10 : memref<!tpu.dma_semaphore, #tpu.memory_space<semaphore_mem>>)
    %dma_start3A_143 = arith.constant 0 : i32
    %dma_start3A_144 = tpu.memref_slice %arg2[%mul3A_2, %dma_start3A_143] : memref<4096x200xf32, #tpu.memory_space<hbm>> -> memref<128x200xf32, #tpu.memory_space<hbm>>
    %dma_start3A_145 = arith.constant 0 : i32
    %dma_start3A_146 = tpu.memref_slice %arg2[%mul3A_2, %dma_start3A_145] : memref<4096x200xf32, #tpu.memory_space<hbm>> -> memref<128x200xf32, #tpu.memory_space<hbm>>
    tpu.enqueue_dma source(%dma_start3A_146 : memref<128x200xf32, #tpu.memory_space<hbm>>) target(%arg7 : memref<128x200xf32, #tpu.memory_space<vmem>>) target_semaphore(%arg10 : memref<!tpu.dma_semaphore, #tpu.memory_space<semaphore_mem>>)
    %dma_start3A_147 = tpu.memref_slice %arg4[%mul3A_2] : memref<4096xi32, #tpu.memory_space<hbm>> -> memref<128xi32, #tpu.memory_space<hbm>>
    %dma_start3A_148 = tpu.memref_slice %arg4[%mul3A_2] : memref<4096xi32, #tpu.memory_space<hbm>> -> memref<128xi32, #tpu.memory_space<hbm>>
    tpu.enqueue_dma source(%dma_start3A_148 : memref<128xi32, #tpu.memory_space<hbm>>) target(%arg8 : memref<128xi32, #tpu.memory_space<vmem>>) target_semaphore(%arg10 : memref<!tpu.dma_semaphore, #tpu.memory_space<semaphore_mem>>)
    %dma_wait3A = arith.constant 0 : i32
    %dma_wait3A_149 = tpu.memref_slice %arg3[%mul3A_2, %dma_wait3A] : memref<4096x200xi32, #tpu.memory_space<hbm>> -> memref<128x200xi32, #tpu.memory_space<hbm>>
    %dma_wait3A_150 = arith.constant 0 : i32
    %dma_wait3A_151 = tpu.memref_slice %arg3[%mul3A_2, %dma_wait3A_150] : memref<4096x200xi32, #tpu.memory_space<hbm>> -> memref<128x200xi32, #tpu.memory_space<hbm>>
    tpu.wait_dma2 semaphore(%arg10 : memref<!tpu.dma_semaphore, #tpu.memory_space<semaphore_mem>>) src(%dma_wait3A_151 : memref<128x200xi32, #tpu.memory_space<hbm>>) dst(%arg6 : memref<128x200xi32, #tpu.memory_space<vmem>>)
    %dma_wait3A_152 = arith.constant 0 : i32
    %dma_wait3A_153 = tpu.memref_slice %arg2[%mul3A_2, %dma_wait3A_152] : memref<4096x200xf32, #tpu.memory_space<hbm>> -> memref<128x200xf32, #tpu.memory_space<hbm>>
    %dma_wait3A_154 = arith.constant 0 : i32
    %dma_wait3A_155 = tpu.memref_slice %arg2[%mul3A_2, %dma_wait3A_154] : memref<4096x200xf32, #tpu.memory_space<hbm>> -> memref<128x200xf32, #tpu.memory_space<hbm>>
    tpu.wait_dma2 semaphore(%arg10 : memref<!tpu.dma_semaphore, #tpu.memory_space<semaphore_mem>>) src(%dma_wait3A_155 : memref<128x200xf32, #tpu.memory_space<hbm>>) dst(%arg7 : memref<128x200xf32, #tpu.memory_space<vmem>>)
    %dma_wait3A_156 = tpu.memref_slice %arg4[%mul3A_2] : memref<4096xi32, #tpu.memory_space<hbm>> -> memref<128xi32, #tpu.memory_space<hbm>>
    %dma_wait3A_157 = tpu.memref_slice %arg4[%mul3A_2] : memref<4096xi32, #tpu.memory_space<hbm>> -> memref<128xi32, #tpu.memory_space<hbm>>
    tpu.wait_dma2 semaphore(%arg10 : memref<!tpu.dma_semaphore, #tpu.memory_space<semaphore_mem>>) src(%dma_wait3A_157 : memref<128xi32, #tpu.memory_space<hbm>>) dst(%arg8 : memref<128xi32, #tpu.memory_space<vmem>>)
    %while3A = arith.constant 0 : i32
    %while3A_158 = arith.constant 64 : i32
    %while3A_159 = arith.subi %while3A_158, %while3A : i32
    %while3A_160 = arith.addi %while3A, %while3A_159 : i32
    %while3A_161 = arith.constant 1 : i32
    %while3A_162 = arith.divsi %while3A_159, %while3A_161 : i32
    %while3A_163 = arith.muli %while3A_162, %while3A_161 : i32
    %while3A_164 = arith.addi %while3A, %while3A_163 : i32
    %while3A_165 = arith.constant 1 : i32
    %while3A_166:3 = scf.for %while3A_198 = %while3A to %while3A_164 step %while3A_165 iter_args(%while3A_199 = %broadcast_in_dim3A_82, %while3A_200 = %broadcast_in_dim3A_82, %while3A_201 = %broadcast_in_dim3A_82) -> (vector<16xf32>, vector<16xf32>, vector<16xf32>)  : i32 {
      %broadcast_in_dim3A_202 = vector.broadcast %while3A_198 : i32 to vector<16xi32>
      %gather3A = tpu.vector_load_idx %arg8[%broadcast_in_dim3A_202] : memref<128xi32, #tpu.memory_space<vmem>>[vector<16xi32>], vector<16xi32>,
      %gather3A_203 = tpu.vector_load_idx %arg6[%broadcast_in_dim3A_202, %min3A_43] : memref<128x200xi32, #tpu.memory_space<vmem>>[vector<16xi32>, vector<16xi32>], vector<16xi32>,
      %eq3A_204 = arith.cmpi eq, %gather3A_203, %gather3A : vector<16xi32>
      %convert_element_type3A = arith.extui %eq3A_204 : vector<16xi1> to vector<16xi32>
      %add3A_205 = arith.addi %broadcast_in_dim3A_80, %convert_element_type3A : vector<16xi32>
      %jit3A_206 = arith.constant 1073741824 : i64
      %convert_element_type3A_207 = arith.trunci %jit3A_206 : i64 to i32
      %broadcast_in_dim3A_208 = vector.broadcast %convert_element_type3A_207 : i32 to vector<16xi32>
      %select_n3A_209 = arith.select %eq3A_204, %add3A_5, %broadcast_in_dim3A_208 : vector<16xi1>, vector<16xi32>
      %gather3A_210 = tpu.vector_load_idx %arg6[%broadcast_in_dim3A_202, %min3A_46] : memref<128x200xi32, #tpu.memory_space<vmem>>[vector<16xi32>, vector<16xi32>], vector<16xi32>,
      %eq3A_211 = arith.cmpi eq, %gather3A_210, %gather3A : vector<16xi32>
      %convert_element_type3A_212 = arith.extui %eq3A_211 : vector<16xi1> to vector<16xi32>
      %add3A_213 = arith.addi %add3A_205, %convert_element_type3A_212 : vector<16xi32>
      %jit3A_214 = arith.constant 1073741824 : i64
      %convert_element_type3A_215 = arith.trunci %jit3A_214 : i64 to i32
      %broadcast_in_dim3A_216 = vector.broadcast %convert_element_type3A_215 : i32 to vector<16xi32>
      %select_n3A_217 = arith.select %eq3A_211, %add3A_8, %broadcast_in_dim3A_216 : vector<16xi1>, vector<16xi32>
      %gather3A_218 = tpu.vector_load_idx %arg6[%broadcast_in_dim3A_202, %min3A_49] : memref<128x200xi32, #tpu.memory_space<vmem>>[vector<16xi32>, vector<16xi32>], vector<16xi32>,
      %eq3A_219 = arith.cmpi eq, %gather3A_218, %gather3A : vector<16xi32>
      %convert_element_type3A_220 = arith.extui %eq3A_219 : vector<16xi1> to vector<16xi32>
      %add3A_221 = arith.addi %add3A_213, %convert_element_type3A_220 : vector<16xi32>
      %jit3A_222 = arith.constant 1073741824 : i64
      %convert_element_type3A_223 = arith.trunci %jit3A_222 : i64 to i32
      %broadcast_in_dim3A_224 = vector.broadcast %convert_element_type3A_223 : i32 to vector<16xi32>
      %select_n3A_225 = arith.select %eq3A_219, %add3A_11, %broadcast_in_dim3A_224 : vector<16xi1>, vector<16xi32>
      %gather3A_226 = tpu.vector_load_idx %arg6[%broadcast_in_dim3A_202, %min3A_52] : memref<128x200xi32, #tpu.memory_space<vmem>>[vector<16xi32>, vector<16xi32>], vector<16xi32>,
      %eq3A_227 = arith.cmpi eq, %gather3A_226, %gather3A : vector<16xi32>
      %convert_element_type3A_228 = arith.extui %eq3A_227 : vector<16xi1> to vector<16xi32>
      %add3A_229 = arith.addi %add3A_221, %convert_element_type3A_228 : vector<16xi32>
      %jit3A_230 = arith.constant 1073741824 : i64
      %convert_element_type3A_231 = arith.trunci %jit3A_230 : i64 to i32
      %broadcast_in_dim3A_232 = vector.broadcast %convert_element_type3A_231 : i32 to vector<16xi32>
      %select_n3A_233 = arith.select %eq3A_227, %add3A_14, %broadcast_in_dim3A_232 : vector<16xi1>, vector<16xi32>
      %gather3A_234 = tpu.vector_load_idx %arg6[%broadcast_in_dim3A_202, %min3A_55] : memref<128x200xi32, #tpu.memory_space<vmem>>[vector<16xi32>, vector<16xi32>], vector<16xi32>,
      %eq3A_235 = arith.cmpi eq, %gather3A_234, %gather3A : vector<16xi32>
      %convert_element_type3A_236 = arith.extui %eq3A_235 : vector<16xi1> to vector<16xi32>
      %add3A_237 = arith.addi %add3A_229, %convert_element_type3A_236 : vector<16xi32>
      %jit3A_238 = arith.constant 1073741824 : i64
      %convert_element_type3A_239 = arith.trunci %jit3A_238 : i64 to i32
      %broadcast_in_dim3A_240 = vector.broadcast %convert_element_type3A_239 : i32 to vector<16xi32>
      %select_n3A_241 = arith.select %eq3A_235, %add3A_17, %broadcast_in_dim3A_240 : vector<16xi1>, vector<16xi32>
      %gather3A_242 = tpu.vector_load_idx %arg6[%broadcast_in_dim3A_202, %min3A_58] : memref<128x200xi32, #tpu.memory_space<vmem>>[vector<16xi32>, vector<16xi32>], vector<16xi32>,
      %eq3A_243 = arith.cmpi eq, %gather3A_242, %gather3A : vector<16xi32>
      %convert_element_type3A_244 = arith.extui %eq3A_243 : vector<16xi1> to vector<16xi32>
      %add3A_245 = arith.addi %add3A_237, %convert_element_type3A_244 : vector<16xi32>
      %jit3A_246 = arith.constant 1073741824 : i64
      %convert_element_type3A_247 = arith.trunci %jit3A_246 : i64 to i32
      %broadcast_in_dim3A_248 = vector.broadcast %convert_element_type3A_247 : i32 to vector<16xi32>
      %select_n3A_249 = arith.select %eq3A_243, %add3A_20, %broadcast_in_dim3A_248 : vector<16xi1>, vector<16xi32>
      %gather3A_250 = tpu.vector_load_idx %arg6[%broadcast_in_dim3A_202, %min3A_61] : memref<128x200xi32, #tpu.memory_space<vmem>>[vector<16xi32>, vector<16xi32>], vector<16xi32>,
      %eq3A_251 = arith.cmpi eq, %gather3A_250, %gather3A : vector<16xi32>
      %convert_element_type3A_252 = arith.extui %eq3A_251 : vector<16xi1> to vector<16xi32>
      %add3A_253 = arith.addi %add3A_245, %convert_element_type3A_252 : vector<16xi32>
      %jit3A_254 = arith.constant 1073741824 : i64
      %convert_element_type3A_255 = arith.trunci %jit3A_254 : i64 to i32
      %broadcast_in_dim3A_256 = vector.broadcast %convert_element_type3A_255 : i32 to vector<16xi32>
      %select_n3A_257 = arith.select %eq3A_251, %add3A_23, %broadcast_in_dim3A_256 : vector<16xi1>, vector<16xi32>
      %gather3A_258 = tpu.vector_load_idx %arg6[%broadcast_in_dim3A_202, %min3A_64] : memref<128x200xi32, #tpu.memory_space<vmem>>[vector<16xi32>, vector<16xi32>], vector<16xi32>,
      %eq3A_259 = arith.cmpi eq, %gather3A_258, %gather3A : vector<16xi32>
      %convert_element_type3A_260 = arith.extui %eq3A_259 : vector<16xi1> to vector<16xi32>
      %add3A_261 = arith.addi %add3A_253, %convert_element_type3A_260 : vector<16xi32>
      %jit3A_262 = arith.constant 1073741824 : i64
      %convert_element_type3A_263 = arith.trunci %jit3A_262 : i64 to i32
      %broadcast_in_dim3A_264 = vector.broadcast %convert_element_type3A_263 : i32 to vector<16xi32>
      %select_n3A_265 = arith.select %eq3A_259, %add3A_26, %broadcast_in_dim3A_264 : vector<16xi1>, vector<16xi32>
      %gather3A_266 = tpu.vector_load_idx %arg6[%broadcast_in_dim3A_202, %min3A_67] : memref<128x200xi32, #tpu.memory_space<vmem>>[vector<16xi32>, vector<16xi32>], vector<16xi32>,
      %eq3A_267 = arith.cmpi eq, %gather3A_266, %gather3A : vector<16xi32>
      %convert_element_type3A_268 = arith.extui %eq3A_267 : vector<16xi1> to vector<16xi32>
      %add3A_269 = arith.addi %add3A_261, %convert_element_type3A_268 : vector<16xi32>
      %jit3A_270 = arith.constant 1073741824 : i64
      %convert_element_type3A_271 = arith.trunci %jit3A_270 : i64 to i32
      %broadcast_in_dim3A_272 = vector.broadcast %convert_element_type3A_271 : i32 to vector<16xi32>
      %select_n3A_273 = arith.select %eq3A_267, %add3A_29, %broadcast_in_dim3A_272 : vector<16xi1>, vector<16xi32>
      %gather3A_274 = tpu.vector_load_idx %arg6[%broadcast_in_dim3A_202, %min3A_70] : memref<128x200xi32, #tpu.memory_space<vmem>>[vector<16xi32>, vector<16xi32>], vector<16xi32>,
      %eq3A_275 = arith.cmpi eq, %gather3A_274, %gather3A : vector<16xi32>
      %convert_element_type3A_276 = arith.extui %eq3A_275 : vector<16xi1> to vector<16xi32>
      %add3A_277 = arith.addi %add3A_269, %convert_element_type3A_276 : vector<16xi32>
      %jit3A_278 = arith.constant 1073741824 : i64
      %convert_element_type3A_279 = arith.trunci %jit3A_278 : i64 to i32
      %broadcast_in_dim3A_280 = vector.broadcast %convert_element_type3A_279 : i32 to vector<16xi32>
      %select_n3A_281 = arith.select %eq3A_275, %add3A_32, %broadcast_in_dim3A_280 : vector<16xi1>, vector<16xi32>
      %gather3A_282 = tpu.vector_load_idx %arg6[%broadcast_in_dim3A_202, %min3A_73] : memref<128x200xi32, #tpu.memory_space<vmem>>[vector<16xi32>, vector<16xi32>], vector<16xi32>,
      %eq3A_283 = arith.cmpi eq, %gather3A_282, %gather3A : vector<16xi32>
      %convert_element_type3A_284 = arith.extui %eq3A_283 : vector<16xi1> to vector<16xi32>
      %add3A_285 = arith.addi %add3A_277, %convert_element_type3A_284 : vector<16xi32>
      %jit3A_286 = arith.constant 1073741824 : i64
      %convert_element_type3A_287 = arith.trunci %jit3A_286 : i64 to i32
      %broadcast_in_dim3A_288 = vector.broadcast %convert_element_type3A_287 : i32 to vector<16xi32>
      %select_n3A_289 = arith.select %eq3A_283, %add3A_35, %broadcast_in_dim3A_288 : vector<16xi1>, vector<16xi32>
      %gather3A_290 = tpu.vector_load_idx %arg6[%broadcast_in_dim3A_202, %min3A_76] : memref<128x200xi32, #tpu.memory_space<vmem>>[vector<16xi32>, vector<16xi32>], vector<16xi32>,
      %eq3A_291 = arith.cmpi eq, %gather3A_290, %gather3A : vector<16xi32>
      %convert_element_type3A_292 = arith.extui %eq3A_291 : vector<16xi1> to vector<16xi32>
      %add3A_293 = arith.addi %add3A_285, %convert_element_type3A_292 : vector<16xi32>
      %jit3A_294 = arith.constant 1073741824 : i64
      %convert_element_type3A_295 = arith.trunci %jit3A_294 : i64 to i32
      %broadcast_in_dim3A_296 = vector.broadcast %convert_element_type3A_295 : i32 to vector<16xi32>
      %select_n3A_297 = arith.select %eq3A_291, %add3A_38, %broadcast_in_dim3A_296 : vector<16xi1>, vector<16xi32>
      %gather3A_298 = tpu.vector_load_idx %arg6[%broadcast_in_dim3A_202, %min3A_79] : memref<128x200xi32, #tpu.memory_space<vmem>>[vector<16xi32>, vector<16xi32>], vector<16xi32>,
      %eq3A_299 = arith.cmpi eq, %gather3A_298, %gather3A : vector<16xi32>
      %lt3A = arith.constant 200 : i32
      %lt3A_300 = vector.broadcast %lt3A : i32 to vector<16xi32>
      %lt3A_301 = arith.cmpi slt, %add3A_41, %lt3A_300 : vector<16xi32>
      %and3A = arith.andi %eq3A_299, %lt3A_301 : vector<16xi1>
      %convert_element_type3A_302 = arith.extui %and3A : vector<16xi1> to vector<16xi32>
      %add3A_303 = arith.addi %add3A_293, %convert_element_type3A_302 : vector<16xi32>
      %jit3A_304 = arith.constant 1073741824 : i64
      %convert_element_type3A_305 = arith.trunci %jit3A_304 : i64 to i32
      %broadcast_in_dim3A_306 = vector.broadcast %convert_element_type3A_305 : i32 to vector<16xi32>
      %select_n3A_307 = arith.select %and3A, %add3A_41, %broadcast_in_dim3A_306 : vector<16xi1>, vector<16xi32>
      %reduce_sum3A = arith.constant true
      %reduce_sum3A_308 = vector.broadcast %reduce_sum3A : i1 to vector<16xi1>
      %reduce_sum3A_309 = tpu.scan <sum>, %add3A_303 masked %reduce_sum3A_308 : vector<16xi32>, vector<16xi1> -> vector<16xi32>
      %reduce_sum3A_310 = vector.extract %reduce_sum3A_309[15] : i32 from vector<16xi32>
      %gt3A = arith.constant 0 : i32
      %gt3A_311 = arith.cmpi sgt, %reduce_sum3A_310, %gt3A : i32
      %convert_element_type3A_312 = arith.extui %gt3A_311 : i1 to i32
      %cond3A = arith.constant 0 : i32
      %cond3A_313 = arith.cmpi ne, %convert_element_type3A_312, %cond3A : i32
      %cond3A_314:3 = scf.if %cond3A_313 -> (vector<16xf32>, vector<16xf32>, vector<16xf32>) {
        %gather3A_437 = tpu.vector_load_idx %arg7[%broadcast_in_dim3A_202, %min3A_43] : memref<128x200xf32, #tpu.memory_space<vmem>>[vector<16xi32>, vector<16xi32>], vector<16xf32>,
        %gather3A_438 = tpu.vector_load_idx %arg7[%broadcast_in_dim3A_202, %min3A_46] : memref<128x200xf32, #tpu.memory_space<vmem>>[vector<16xi32>, vector<16xi32>], vector<16xf32>,
        %gather3A_439 = tpu.vector_load_idx %arg7[%broadcast_in_dim3A_202, %min3A_49] : memref<128x200xf32, #tpu.memory_space<vmem>>[vector<16xi32>, vector<16xi32>], vector<16xf32>,
        %gather3A_440 = tpu.vector_load_idx %arg7[%broadcast_in_dim3A_202, %min3A_52] : memref<128x200xf32, #tpu.memory_space<vmem>>[vector<16xi32>, vector<16xi32>], vector<16xf32>,
        %gather3A_441 = tpu.vector_load_idx %arg7[%broadcast_in_dim3A_202, %min3A_55] : memref<128x200xf32, #tpu.memory_space<vmem>>[vector<16xi32>, vector<16xi32>], vector<16xf32>,
        %gather3A_442 = tpu.vector_load_idx %arg7[%broadcast_in_dim3A_202, %min3A_58] : memref<128x200xf32, #tpu.memory_space<vmem>>[vector<16xi32>, vector<16xi32>], vector<16xf32>,
        %gather3A_443 = tpu.vector_load_idx %arg7[%broadcast_in_dim3A_202, %min3A_61] : memref<128x200xf32, #tpu.memory_space<vmem>>[vector<16xi32>, vector<16xi32>], vector<16xf32>,
        %gather3A_444 = tpu.vector_load_idx %arg7[%broadcast_in_dim3A_202, %min3A_64] : memref<128x200xf32, #tpu.memory_space<vmem>>[vector<16xi32>, vector<16xi32>], vector<16xf32>,
        %gather3A_445 = tpu.vector_load_idx %arg7[%broadcast_in_dim3A_202, %min3A_67] : memref<128x200xf32, #tpu.memory_space<vmem>>[vector<16xi32>, vector<16xi32>], vector<16xf32>,
        %gather3A_446 = tpu.vector_load_idx %arg7[%broadcast_in_dim3A_202, %min3A_70] : memref<128x200xf32, #tpu.memory_space<vmem>>[vector<16xi32>, vector<16xi32>], vector<16xf32>,
        %gather3A_447 = tpu.vector_load_idx %arg7[%broadcast_in_dim3A_202, %min3A_73] : memref<128x200xf32, #tpu.memory_space<vmem>>[vector<16xi32>, vector<16xi32>], vector<16xf32>,
        %gather3A_448 = tpu.vector_load_idx %arg7[%broadcast_in_dim3A_202, %min3A_76] : memref<128x200xf32, #tpu.memory_space<vmem>>[vector<16xi32>, vector<16xi32>], vector<16xf32>,
        %gather3A_449 = tpu.vector_load_idx %arg7[%broadcast_in_dim3A_202, %min3A_79] : memref<128x200xf32, #tpu.memory_space<vmem>>[vector<16xi32>, vector<16xi32>], vector<16xf32>,
        %lt3A_450 = arith.constant 200 : i32
        %lt3A_451 = vector.broadcast %lt3A_450 : i32 to vector<16xi32>
        %lt3A_452 = arith.cmpi slt, %add3A_41, %lt3A_451 : vector<16xi32>
        %jit3A_453 = arith.constant 0xFF800000 : f32
        %broadcast_in_dim3A_454 = vector.broadcast %jit3A_453 : f32 to vector<16xf32>
        %select_n3A_455 = arith.select %lt3A_452, %gather3A_449, %broadcast_in_dim3A_454 : vector<16xi1>, vector<16xf32>
        %min3A_456 = arith.minsi %select_n3A_209, %select_n3A_217 : vector<16xi32>
        %min3A_457 = arith.minsi %select_n3A_225, %select_n3A_233 : vector<16xi32>
        %min3A_458 = arith.minsi %select_n3A_241, %select_n3A_249 : vector<16xi32>
        %min3A_459 = arith.minsi %select_n3A_257, %select_n3A_265 : vector<16xi32>
        %min3A_460 = arith.minsi %select_n3A_273, %select_n3A_281 : vector<16xi32>
        %min3A_461 = arith.minsi %select_n3A_289, %select_n3A_297 : vector<16xi32>
        %min3A_462 = arith.minsi %min3A_456, %min3A_457 : vector<16xi32>
        %min3A_463 = arith.minsi %min3A_458, %min3A_459 : vector<16xi32>
        %min3A_464 = arith.minsi %min3A_460, %min3A_461 : vector<16xi32>
        %min3A_465 = arith.minsi %min3A_462, %min3A_463 : vector<16xi32>
        %min3A_466 = arith.minsi %min3A_464, %select_n3A_307 : vector<16xi32>
        %min3A_467 = arith.minsi %min3A_465, %min3A_466 : vector<16xi32>
        %reduce_min3A = arith.constant true
        %reduce_min3A_468 = vector.broadcast %reduce_min3A : i1 to vector<16xi1>
        %reduce_min3A_469 = arith.constant -2147483648 : i32
        %reduce_min3A_470 = vector.broadcast %reduce_min3A_469 : i32 to vector<16xi32>
        %reduce_min3A_471 = arith.xori %min3A_467, %reduce_min3A_470 : vector<16xi32>
        %reduce_min3A_472 = tpu.scan <min>, %reduce_min3A_471 masked %reduce_min3A_468 : vector<16xi32>, vector<16xi1> -> vector<16xi32>
        %reduce_min3A_473 = arith.xori %reduce_min3A_472, %reduce_min3A_470 : vector<16xi32>
        %reduce_min3A_474 = vector.extract %reduce_min3A_473[15] : i32 from vector<16xi32>
        %while3A_475:16 = scf.while (%while3A_599 = %reduce_min3A_474, %while3A_600 = %select_n3A_209, %while3A_601 = %select_n3A_217, %while3A_602 = %select_n3A_225, %while3A_603 = %select_n3A_233, %while3A_604 = %select_n3A_241, %while3A_605 = %select_n3A_249, %while3A_606 = %select_n3A_257, %while3A_607 = %select_n3A_265, %while3A_608 = %select_n3A_273, %while3A_609 = %select_n3A_281, %while3A_610 = %select_n3A_289, %while3A_611 = %select_n3A_297, %while3A_612 = %select_n3A_307, %while3A_613 = %broadcast_in_dim3A_82, %while3A_614 = %broadcast_in_dim3A_80) : (i32, vector<16xi32>, vector<16xi32>, vector<16xi32>, vector<16xi32>, vector<16xi32>, vector<16xi32>, vector<16xi32>, vector<16xi32>, vector<16xi32>, vector<16xi32>, vector<16xi32>, vector<16xi32>, vector<16xi32>, vector<16xf32>, vector<16xi32>) -> (i32, vector<16xi32>, vector<16xi32>, vector<16xi32>, vector<16xi32>, vector<16xi32>, vector<16xi32>, vector<16xi32>, vector<16xi32>, vector<16xi32>, vector<16xi32>, vector<16xi32>, vector<16xi32>, vector<16xi32>, vector<16xf32>, vector<16xi32>) {
          %lt3A_615 = arith.constant 1073741824 : i32
          %lt3A_616 = arith.cmpi slt, %while3A_599, %lt3A_615 : i32
          scf.condition(%lt3A_616) %while3A_599, %while3A_600, %while3A_601, %while3A_602, %while3A_603, %while3A_604, %while3A_605, %while3A_606, %while3A_607, %while3A_608, %while3A_609, %while3A_610, %while3A_611, %while3A_612, %while3A_613, %while3A_614 : i32, vector<16xi32>, vector<16xi32>, vector<16xi32>, vector<16xi32>, vector<16xi32>, vector<16xi32>, vector<16xi32>, vector<16xi32>, vector<16xi32>, vector<16xi32>, vector<16xi32>, vector<16xi32>, vector<16xi32>, vector<16xf32>, vector<16xi32>
        } do {
        ^bb0(%while3A_599: i32, %while3A_600: vector<16xi32>, %while3A_601: vector<16xi32>, %while3A_602: vector<16xi32>, %while3A_603: vector<16xi32>, %while3A_604: vector<16xi32>, %while3A_605: vector<16xi32>, %while3A_606: vector<16xi32>, %while3A_607: vector<16xi32>, %while3A_608: vector<16xi32>, %while3A_609: vector<16xi32>, %while3A_610: vector<16xi32>, %while3A_611: vector<16xi32>, %while3A_612: vector<16xi32>, %while3A_613: vector<16xf32>, %while3A_614: vector<16xi32>):
          %broadcast_in_dim3A_615 = vector.broadcast %while3A_599 : i32 to vector<16xi32>
          %gather3A_616 = tpu.vector_load_idx %arg7[%broadcast_in_dim3A_202, %broadcast_in_dim3A_615] : memref<128x200xf32, #tpu.memory_space<vmem>>[vector<16xi32>, vector<16xi32>], vector<16xf32>,
          %gt3A_617 = arith.cmpf ogt, %gather3A_437, %gather3A_616 : vector<16xf32>
          %eq3A_618 = arith.cmpf oeq, %gather3A_437, %gather3A_616 : vector<16xf32>
          %lt3A_619 = arith.cmpi slt, %add3A_5, %broadcast_in_dim3A_615 : vector<16xi32>
          %and3A_620 = arith.andi %eq3A_618, %lt3A_619 : vector<16xi1>
          %or3A = arith.ori %gt3A_617, %and3A_620 : vector<16xi1>
          %convert_element_type3A_621 = arith.extui %or3A : vector<16xi1> to vector<16xi32>
          %add3A_622 = arith.addi %broadcast_in_dim3A_80, %convert_element_type3A_621 : vector<16xi32>
          %gt3A_623 = arith.cmpf ogt, %gather3A_438, %gather3A_616 : vector<16xf32>
          %eq3A_624 = arith.cmpf oeq, %gather3A_438, %gather3A_616 : vector<16xf32>
          %lt3A_625 = arith.cmpi slt, %add3A_8, %broadcast_in_dim3A_615 : vector<16xi32>
          %and3A_626 = arith.andi %eq3A_624, %lt3A_625 : vector<16xi1>
          %or3A_627 = arith.ori %gt3A_623, %and3A_626 : vector<16xi1>
          %convert_element_type3A_628 = arith.extui %or3A_627 : vector<16xi1> to vector<16xi32>
          %add3A_629 = arith.addi %add3A_622, %convert_element_type3A_628 : vector<16xi32>
          %gt3A_630 = arith.cmpf ogt, %gather3A_439, %gather3A_616 : vector<16xf32>
          %eq3A_631 = arith.cmpf oeq, %gather3A_439, %gather3A_616 : vector<16xf32>
          %lt3A_632 = arith.cmpi slt, %add3A_11, %broadcast_in_dim3A_615 : vector<16xi32>
          %and3A_633 = arith.andi %eq3A_631, %lt3A_632 : vector<16xi1>
          %or3A_634 = arith.ori %gt3A_630, %and3A_633 : vector<16xi1>
          %convert_element_type3A_635 = arith.extui %or3A_634 : vector<16xi1> to vector<16xi32>
          %add3A_636 = arith.addi %add3A_629, %convert_element_type3A_635 : vector<16xi32>
          %gt3A_637 = arith.cmpf ogt, %gather3A_440, %gather3A_616 : vector<16xf32>
          %eq3A_638 = arith.cmpf oeq, %gather3A_440, %gather3A_616 : vector<16xf32>
          %lt3A_639 = arith.cmpi slt, %add3A_14, %broadcast_in_dim3A_615 : vector<16xi32>
          %and3A_640 = arith.andi %eq3A_638, %lt3A_639 : vector<16xi1>
          %or3A_641 = arith.ori %gt3A_637, %and3A_640 : vector<16xi1>
          %convert_element_type3A_642 = arith.extui %or3A_641 : vector<16xi1> to vector<16xi32>
          %add3A_643 = arith.addi %add3A_636, %convert_element_type3A_642 : vector<16xi32>
          %gt3A_644 = arith.cmpf ogt, %gather3A_441, %gather3A_616 : vector<16xf32>
          %eq3A_645 = arith.cmpf oeq, %gather3A_441, %gather3A_616 : vector<16xf32>
          %lt3A_646 = arith.cmpi slt, %add3A_17, %broadcast_in_dim3A_615 : vector<16xi32>
          %and3A_647 = arith.andi %eq3A_645, %lt3A_646 : vector<16xi1>
          %or3A_648 = arith.ori %gt3A_644, %and3A_647 : vector<16xi1>
          %convert_element_type3A_649 = arith.extui %or3A_648 : vector<16xi1> to vector<16xi32>
          %add3A_650 = arith.addi %add3A_643, %convert_element_type3A_649 : vector<16xi32>
          %gt3A_651 = arith.cmpf ogt, %gather3A_442, %gather3A_616 : vector<16xf32>
          %eq3A_652 = arith.cmpf oeq, %gather3A_442, %gather3A_616 : vector<16xf32>
          %lt3A_653 = arith.cmpi slt, %add3A_20, %broadcast_in_dim3A_615 : vector<16xi32>
          %and3A_654 = arith.andi %eq3A_652, %lt3A_653 : vector<16xi1>
          %or3A_655 = arith.ori %gt3A_651, %and3A_654 : vector<16xi1>
          %convert_element_type3A_656 = arith.extui %or3A_655 : vector<16xi1> to vector<16xi32>
          %add3A_657 = arith.addi %add3A_650, %convert_element_type3A_656 : vector<16xi32>
          %gt3A_658 = arith.cmpf ogt, %gather3A_443, %gather3A_616 : vector<16xf32>
          %eq3A_659 = arith.cmpf oeq, %gather3A_443, %gather3A_616 : vector<16xf32>
          %lt3A_660 = arith.cmpi slt, %add3A_23, %broadcast_in_dim3A_615 : vector<16xi32>
          %and3A_661 = arith.andi %eq3A_659, %lt3A_660 : vector<16xi1>
          %or3A_662 = arith.ori %gt3A_658, %and3A_661 : vector<16xi1>
          %convert_element_type3A_663 = arith.extui %or3A_662 : vector<16xi1> to vector<16xi32>
          %add3A_664 = arith.addi %add3A_657, %convert_element_type3A_663 : vector<16xi32>
          %gt3A_665 = arith.cmpf ogt, %gather3A_444, %gather3A_616 : vector<16xf32>
          %eq3A_666 = arith.cmpf oeq, %gather3A_444, %gather3A_616 : vector<16xf32>
          %lt3A_667 = arith.cmpi slt, %add3A_26, %broadcast_in_dim3A_615 : vector<16xi32>
          %and3A_668 = arith.andi %eq3A_666, %lt3A_667 : vector<16xi1>
          %or3A_669 = arith.ori %gt3A_665, %and3A_668 : vector<16xi1>
          %convert_element_type3A_670 = arith.extui %or3A_669 : vector<16xi1> to vector<16xi32>
          %add3A_671 = arith.addi %add3A_664, %convert_element_type3A_670 : vector<16xi32>
          %gt3A_672 = arith.cmpf ogt, %gather3A_445, %gather3A_616 : vector<16xf32>
          %eq3A_673 = arith.cmpf oeq, %gather3A_445, %gather3A_616 : vector<16xf32>
          %lt3A_674 = arith.cmpi slt, %add3A_29, %broadcast_in_dim3A_615 : vector<16xi32>
          %and3A_675 = arith.andi %eq3A_673, %lt3A_674 : vector<16xi1>
          %or3A_676 = arith.ori %gt3A_672, %and3A_675 : vector<16xi1>
          %convert_element_type3A_677 = arith.extui %or3A_676 : vector<16xi1> to vector<16xi32>
          %add3A_678 = arith.addi %add3A_671, %convert_element_type3A_677 : vector<16xi32>
          %gt3A_679 = arith.cmpf ogt, %gather3A_446, %gather3A_616 : vector<16xf32>
          %eq3A_680 = arith.cmpf oeq, %gather3A_446, %gather3A_616 : vector<16xf32>
          %lt3A_681 = arith.cmpi slt, %add3A_32, %broadcast_in_dim3A_615 : vector<16xi32>
          %and3A_682 = arith.andi %eq3A_680, %lt3A_681 : vector<16xi1>
          %or3A_683 = arith.ori %gt3A_679, %and3A_682 : vector<16xi1>
          %convert_element_type3A_684 = arith.extui %or3A_683 : vector<16xi1> to vector<16xi32>
          %add3A_685 = arith.addi %add3A_678, %convert_element_type3A_684 : vector<16xi32>
          %gt3A_686 = arith.cmpf ogt, %gather3A_447, %gather3A_616 : vector<16xf32>
          %eq3A_687 = arith.cmpf oeq, %gather3A_447, %gather3A_616 : vector<16xf32>
          %lt3A_688 = arith.cmpi slt, %add3A_35, %broadcast_in_dim3A_615 : vector<16xi32>
          %and3A_689 = arith.andi %eq3A_687, %lt3A_688 : vector<16xi1>
          %or3A_690 = arith.ori %gt3A_686, %and3A_689 : vector<16xi1>
          %convert_element_type3A_691 = arith.extui %or3A_690 : vector<16xi1> to vector<16xi32>
          %add3A_692 = arith.addi %add3A_685, %convert_element_type3A_691 : vector<16xi32>
          %gt3A_693 = arith.cmpf ogt, %gather3A_448, %gather3A_616 : vector<16xf32>
          %eq3A_694 = arith.cmpf oeq, %gather3A_448, %gather3A_616 : vector<16xf32>
          %lt3A_695 = arith.cmpi slt, %add3A_38, %broadcast_in_dim3A_615 : vector<16xi32>
          %and3A_696 = arith.andi %eq3A_694, %lt3A_695 : vector<16xi1>
          %or3A_697 = arith.ori %gt3A_693, %and3A_696 : vector<16xi1>
          %convert_element_type3A_698 = arith.extui %or3A_697 : vector<16xi1> to vector<16xi32>
          %add3A_699 = arith.addi %add3A_692, %convert_element_type3A_698 : vector<16xi32>
          %gt3A_700 = arith.cmpf ogt, %select_n3A_455, %gather3A_616 : vector<16xf32>
          %eq3A_701 = arith.cmpf oeq, %select_n3A_455, %gather3A_616 : vector<16xf32>
          %lt3A_702 = arith.cmpi slt, %add3A_41, %broadcast_in_dim3A_615 : vector<16xi32>
          %and3A_703 = arith.andi %eq3A_701, %lt3A_702 : vector<16xi1>
          %or3A_704 = arith.ori %gt3A_700, %and3A_703 : vector<16xi1>
          %convert_element_type3A_705 = arith.extui %or3A_704 : vector<16xi1> to vector<16xi32>
          %add3A_706 = arith.addi %add3A_699, %convert_element_type3A_705 : vector<16xi32>
          %reduce_sum3A_707 = arith.constant true
          %reduce_sum3A_708 = vector.broadcast %reduce_sum3A_707 : i1 to vector<16xi1>
          %reduce_sum3A_709 = tpu.scan <sum>, %add3A_706 masked %reduce_sum3A_708 : vector<16xi32>, vector<16xi1> -> vector<16xi32>
          %reduce_sum3A_710 = vector.extract %reduce_sum3A_709[15] : i32 from vector<16xi32>
          %broadcast_in_dim3A_711 = vector.broadcast %reduce_sum3A_710 : i32 to vector<16xi32>
          %eq3A_712 = arith.cmpi eq, %broadcast_in_dim3A_711, %iota3A : vector<16xi32>
          %select_n3A_713 = arith.select %eq3A_712, %select_n3A_139, %broadcast_in_dim3A_82 : vector<16xi1>, vector<16xf32>
          %add3A_714 = arith.addf %while3A_613, %select_n3A_713 : vector<16xf32>
          %lt3A_715 = arith.constant 10 : i32
          %lt3A_716 = vector.broadcast %lt3A_715 : i32 to vector<16xi32>
          %lt3A_717 = arith.cmpi slt, %iota3A, %lt3A_716 : vector<16xi32>
          %and3A_718 = arith.andi %eq3A_712, %lt3A_717 : vector<16xi1>
          %convert_element_type3A_719 = arith.extui %and3A_718 : vector<16xi1> to vector<16xi32>
          %add3A_720 = arith.addi %while3A_614, %convert_element_type3A_719 : vector<16xi32>
          %eq3A_721 = arith.cmpi eq, %while3A_600, %broadcast_in_dim3A_615 : vector<16xi32>
          %jit3A_722 = arith.constant 1073741824 : i64
          %convert_element_type3A_723 = arith.trunci %jit3A_722 : i64 to i32
          %broadcast_in_dim3A_724 = vector.broadcast %convert_element_type3A_723 : i32 to vector<16xi32>
          %select_n3A_725 = arith.select %eq3A_721, %broadcast_in_dim3A_724, %while3A_600 : vector<16xi1>, vector<16xi32>
          %eq3A_726 = arith.cmpi eq, %while3A_601, %broadcast_in_dim3A_615 : vector<16xi32>
          %jit3A_727 = arith.constant 1073741824 : i64
          %convert_element_type3A_728 = arith.trunci %jit3A_727 : i64 to i32
          %broadcast_in_dim3A_729 = vector.broadcast %convert_element_type3A_728 : i32 to vector<16xi32>
          %select_n3A_730 = arith.select %eq3A_726, %broadcast_in_dim3A_729, %while3A_601 : vector<16xi1>, vector<16xi32>
          %eq3A_731 = arith.cmpi eq, %while3A_602, %broadcast_in_dim3A_615 : vector<16xi32>
          %jit3A_732 = arith.constant 1073741824 : i64
          %convert_element_type3A_733 = arith.trunci %jit3A_732 : i64 to i32
          %broadcast_in_dim3A_734 = vector.broadcast %convert_element_type3A_733 : i32 to vector<16xi32>
          %select_n3A_735 = arith.select %eq3A_731, %broadcast_in_dim3A_734, %while3A_602 : vector<16xi1>, vector<16xi32>
          %eq3A_736 = arith.cmpi eq, %while3A_603, %broadcast_in_dim3A_615 : vector<16xi32>
          %jit3A_737 = arith.constant 1073741824 : i64
          %convert_element_type3A_738 = arith.trunci %jit3A_737 : i64 to i32
          %broadcast_in_dim3A_739 = vector.broadcast %convert_element_type3A_738 : i32 to vector<16xi32>
          %select_n3A_740 = arith.select %eq3A_736, %broadcast_in_dim3A_739, %while3A_603 : vector<16xi1>, vector<16xi32>
          %eq3A_741 = arith.cmpi eq, %while3A_604, %broadcast_in_dim3A_615 : vector<16xi32>
          %jit3A_742 = arith.constant 1073741824 : i64
          %convert_element_type3A_743 = arith.trunci %jit3A_742 : i64 to i32
          %broadcast_in_dim3A_744 = vector.broadcast %convert_element_type3A_743 : i32 to vector<16xi32>
          %select_n3A_745 = arith.select %eq3A_741, %broadcast_in_dim3A_744, %while3A_604 : vector<16xi1>, vector<16xi32>
          %eq3A_746 = arith.cmpi eq, %while3A_605, %broadcast_in_dim3A_615 : vector<16xi32>
          %jit3A_747 = arith.constant 1073741824 : i64
          %convert_element_type3A_748 = arith.trunci %jit3A_747 : i64 to i32
          %broadcast_in_dim3A_749 = vector.broadcast %convert_element_type3A_748 : i32 to vector<16xi32>
          %select_n3A_750 = arith.select %eq3A_746, %broadcast_in_dim3A_749, %while3A_605 : vector<16xi1>, vector<16xi32>
          %eq3A_751 = arith.cmpi eq, %while3A_606, %broadcast_in_dim3A_615 : vector<16xi32>
          %jit3A_752 = arith.constant 1073741824 : i64
          %convert_element_type3A_753 = arith.trunci %jit3A_752 : i64 to i32
          %broadcast_in_dim3A_754 = vector.broadcast %convert_element_type3A_753 : i32 to vector<16xi32>
          %select_n3A_755 = arith.select %eq3A_751, %broadcast_in_dim3A_754, %while3A_606 : vector<16xi1>, vector<16xi32>
          %eq3A_756 = arith.cmpi eq, %while3A_607, %broadcast_in_dim3A_615 : vector<16xi32>
          %jit3A_757 = arith.constant 1073741824 : i64
          %convert_element_type3A_758 = arith.trunci %jit3A_757 : i64 to i32
          %broadcast_in_dim3A_759 = vector.broadcast %convert_element_type3A_758 : i32 to vector<16xi32>
          %select_n3A_760 = arith.select %eq3A_756, %broadcast_in_dim3A_759, %while3A_607 : vector<16xi1>, vector<16xi32>
          %eq3A_761 = arith.cmpi eq, %while3A_608, %broadcast_in_dim3A_615 : vector<16xi32>
          %jit3A_762 = arith.constant 1073741824 : i64
          %convert_element_type3A_763 = arith.trunci %jit3A_762 : i64 to i32
          %broadcast_in_dim3A_764 = vector.broadcast %convert_element_type3A_763 : i32 to vector<16xi32>
          %select_n3A_765 = arith.select %eq3A_761, %broadcast_in_dim3A_764, %while3A_608 : vector<16xi1>, vector<16xi32>
          %eq3A_766 = arith.cmpi eq, %while3A_609, %broadcast_in_dim3A_615 : vector<16xi32>
          %jit3A_767 = arith.constant 1073741824 : i64
          %convert_element_type3A_768 = arith.trunci %jit3A_767 : i64 to i32
          %broadcast_in_dim3A_769 = vector.broadcast %convert_element_type3A_768 : i32 to vector<16xi32>
          %select_n3A_770 = arith.select %eq3A_766, %broadcast_in_dim3A_769, %while3A_609 : vector<16xi1>, vector<16xi32>
          %eq3A_771 = arith.cmpi eq, %while3A_610, %broadcast_in_dim3A_615 : vector<16xi32>
          %jit3A_772 = arith.constant 1073741824 : i64
          %convert_element_type3A_773 = arith.trunci %jit3A_772 : i64 to i32
          %broadcast_in_dim3A_774 = vector.broadcast %convert_element_type3A_773 : i32 to vector<16xi32>
          %select_n3A_775 = arith.select %eq3A_771, %broadcast_in_dim3A_774, %while3A_610 : vector<16xi1>, vector<16xi32>
          %eq3A_776 = arith.cmpi eq, %while3A_611, %broadcast_in_dim3A_615 : vector<16xi32>
          %jit3A_777 = arith.constant 1073741824 : i64
          %convert_element_type3A_778 = arith.trunci %jit3A_777 : i64 to i32
          %broadcast_in_dim3A_779 = vector.broadcast %convert_element_type3A_778 : i32 to vector<16xi32>
          %select_n3A_780 = arith.select %eq3A_776, %broadcast_in_dim3A_779, %while3A_611 : vector<16xi1>, vector<16xi32>
          %eq3A_781 = arith.cmpi eq, %while3A_612, %broadcast_in_dim3A_615 : vector<16xi32>
          %jit3A_782 = arith.constant 1073741824 : i64
          %convert_element_type3A_783 = arith.trunci %jit3A_782 : i64 to i32
          %broadcast_in_dim3A_784 = vector.broadcast %convert_element_type3A_783 : i32 to vector<16xi32>
          %select_n3A_785 = arith.select %eq3A_781, %broadcast_in_dim3A_784, %while3A_612 : vector<16xi1>, vector<16xi32>
          %min3A_786 = arith.minsi %select_n3A_725, %select_n3A_730 : vector<16xi32>
          %min3A_787 = arith.minsi %select_n3A_735, %select_n3A_740 : vector<16xi32>
          %min3A_788 = arith.minsi %select_n3A_745, %select_n3A_750 : vector<16xi32>
          %min3A_789 = arith.minsi %select_n3A_755, %select_n3A_760 : vector<16xi32>
          %min3A_790 = arith.minsi %select_n3A_765, %select_n3A_770 : vector<16xi32>
          %min3A_791 = arith.minsi %select_n3A_775, %select_n3A_780 : vector<16xi32>
          %min3A_792 = arith.minsi %min3A_786, %min3A_787 : vector<16xi32>
          %min3A_793 = arith.minsi %min3A_788, %min3A_789 : vector<16xi32>
          %min3A_794 = arith.minsi %min3A_790, %min3A_791 : vector<16xi32>
          %min3A_795 = arith.minsi %min3A_792, %min3A_793 : vector<16xi32>
          %min3A_796 = arith.minsi %min3A_794, %select_n3A_785 : vector<16xi32>
          %min3A_797 = arith.minsi %min3A_795, %min3A_796 : vector<16xi32>
          %reduce_min3A_798 = arith.constant true
          %reduce_min3A_799 = vector.broadcast %reduce_min3A_798 : i1 to vector<16xi1>
          %reduce_min3A_800 = arith.constant -2147483648 : i32
          %reduce_min3A_801 = vector.broadcast %reduce_min3A_800 : i32 to vector<16xi32>
          %reduce_min3A_802 = arith.xori %min3A_797, %reduce_min3A_801 : vector<16xi32>
          %reduce_min3A_803 = tpu.scan <min>, %reduce_min3A_802 masked %reduce_min3A_799 : vector<16xi32>, vector<16xi1> -> vector<16xi32>
          %reduce_min3A_804 = arith.xori %reduce_min3A_803, %reduce_min3A_801 : vector<16xi32>
          %reduce_min3A_805 = vector.extract %reduce_min3A_804[15] : i32 from vector<16xi32>
          scf.yield %reduce_min3A_805, %select_n3A_725, %select_n3A_730, %select_n3A_735, %select_n3A_740, %select_n3A_745, %select_n3A_750, %select_n3A_755, %select_n3A_760, %select_n3A_765, %select_n3A_770, %select_n3A_775, %select_n3A_780, %select_n3A_785, %add3A_714, %add3A_720 : i32, vector<16xi32>, vector<16xi32>, vector<16xi32>, vector<16xi32>, vector<16xi32>, vector<16xi32>, vector<16xi32>, vector<16xi32>, vector<16xi32>, vector<16xi32>, vector<16xi32>, vector<16xi32>, vector<16xi32>, vector<16xf32>, vector<16xi32>
        }
        %broadcast_in_dim3A_476 = vector.broadcast %reduce_sum3A_310 : i32 to vector<16xi32>
        %reduce_sum3A_477 = arith.constant true
        %reduce_sum3A_478 = vector.broadcast %reduce_sum3A_477 : i1 to vector<16xi1>
        %reduce_sum3A_479 = tpu.scan <sum>, %while3A_475#14 masked %reduce_sum3A_478 : vector<16xf32>, vector<16xi1> -> vector<16xf32>
        %reduce_sum3A_480 = vector.extract %reduce_sum3A_479[15] : f32 from vector<16xf32>
        %broadcast_in_dim3A_481 = vector.broadcast %reduce_sum3A_480 : f32 to vector<16xf32>
        %reduce_sum3A_482 = arith.constant true
        %reduce_sum3A_483 = vector.broadcast %reduce_sum3A_482 : i1 to vector<16xi1>
        %reduce_sum3A_484 = tpu.scan <sum>, %while3A_475#15 masked %reduce_sum3A_483 : vector<16xi32>, vector<16xi1> -> vector<16xi32>
        %reduce_sum3A_485 = vector.extract %reduce_sum3A_484[15] : i32 from vector<16xi32>
        %broadcast_in_dim3A_486 = vector.broadcast %reduce_sum3A_485 : i32 to vector<16xi32>
        %gt3A_487 = arith.constant 0 : i32
        %gt3A_488 = vector.broadcast %gt3A_487 : i32 to vector<16xi32>
        %gt3A_489 = arith.cmpi sgt, %broadcast_in_dim3A_476, %gt3A_488 : vector<16xi32>
        %jit3A_490 = arith.constant 1.000000e+00 : f32
        %jit3A_491 = arith.constant 0.000000e+00 : f32
        %broadcast_in_dim3A_492 = vector.broadcast %jit3A_490 : f32 to vector<16xf32>
        %broadcast_in_dim3A_493 = vector.broadcast %jit3A_491 : f32 to vector<16xf32>
        %select_n3A_494 = arith.select %gt3A_489, %broadcast_in_dim3A_492, %broadcast_in_dim3A_493 : vector<16xi1>, vector<16xf32>
        %add3A_495 = arith.addf %broadcast_in_dim3A_82, %select_n3A_494 : vector<16xf32>
        %gt3A_496 = arith.constant 1 : i32
        %gt3A_497 = vector.broadcast %gt3A_496 : i32 to vector<16xi32>
        %gt3A_498 = arith.cmpi sgt, %broadcast_in_dim3A_476, %gt3A_497 : vector<16xi32>
        %jit3A_499 = arith.constant 0.630929768 : f32
        %jit3A_500 = arith.constant 0.000000e+00 : f32
        %broadcast_in_dim3A_501 = vector.broadcast %jit3A_499 : f32 to vector<16xf32>
        %broadcast_in_dim3A_502 = vector.broadcast %jit3A_500 : f32 to vector<16xf32>
        %select_n3A_503 = arith.select %gt3A_498, %broadcast_in_dim3A_501, %broadcast_in_dim3A_502 : vector<16xi1>, vector<16xf32>
        %add3A_504 = arith.addf %add3A_495, %select_n3A_503 : vector<16xf32>
        %gt3A_505 = arith.constant 2 : i32
        %gt3A_506 = vector.broadcast %gt3A_505 : i32 to vector<16xi32>
        %gt3A_507 = arith.cmpi sgt, %broadcast_in_dim3A_476, %gt3A_506 : vector<16xi32>
        %jit3A_508 = arith.constant 5.000000e-01 : f32
        %jit3A_509 = arith.constant 0.000000e+00 : f32
        %broadcast_in_dim3A_510 = vector.broadcast %jit3A_508 : f32 to vector<16xf32>
        %broadcast_in_dim3A_511 = vector.broadcast %jit3A_509 : f32 to vector<16xf32>
        %select_n3A_512 = arith.select %gt3A_507, %broadcast_in_dim3A_510, %broadcast_in_dim3A_511 : vector<16xi1>, vector<16xf32>
        %add3A_513 = arith.addf %add3A_504, %select_n3A_512 : vector<16xf32>
        %gt3A_514 = arith.constant 3 : i32
        %gt3A_515 = vector.broadcast %gt3A_514 : i32 to vector<16xi32>
        %gt3A_516 = arith.cmpi sgt, %broadcast_in_dim3A_476, %gt3A_515 : vector<16xi32>
        %jit3A_517 = arith.constant 0.43067655 : f32
        %jit3A_518 = arith.constant 0.000000e+00 : f32
        %broadcast_in_dim3A_519 = vector.broadcast %jit3A_517 : f32 to vector<16xf32>
        %broadcast_in_dim3A_520 = vector.broadcast %jit3A_518 : f32 to vector<16xf32>
        %select_n3A_521 = arith.select %gt3A_516, %broadcast_in_dim3A_519, %broadcast_in_dim3A_520 : vector<16xi1>, vector<16xf32>
        %add3A_522 = arith.addf %add3A_513, %select_n3A_521 : vector<16xf32>
        %gt3A_523 = arith.constant 4 : i32
        %gt3A_524 = vector.broadcast %gt3A_523 : i32 to vector<16xi32>
        %gt3A_525 = arith.cmpi sgt, %broadcast_in_dim3A_476, %gt3A_524 : vector<16xi32>
        %jit3A_526 = arith.constant 0.386852801 : f32
        %jit3A_527 = arith.constant 0.000000e+00 : f32
        %broadcast_in_dim3A_528 = vector.broadcast %jit3A_526 : f32 to vector<16xf32>
        %broadcast_in_dim3A_529 = vector.broadcast %jit3A_527 : f32 to vector<16xf32>
        %select_n3A_530 = arith.select %gt3A_525, %broadcast_in_dim3A_528, %broadcast_in_dim3A_529 : vector<16xi1>, vector<16xf32>
        %add3A_531 = arith.addf %add3A_522, %select_n3A_530 : vector<16xf32>
        %gt3A_532 = arith.constant 5 : i32
        %gt3A_533 = vector.broadcast %gt3A_532 : i32 to vector<16xi32>
        %gt3A_534 = arith.cmpi sgt, %broadcast_in_dim3A_476, %gt3A_533 : vector<16xi32>
        %jit3A_535 = arith.constant 0.356207192 : f32
        %jit3A_536 = arith.constant 0.000000e+00 : f32
        %broadcast_in_dim3A_537 = vector.broadcast %jit3A_535 : f32 to vector<16xf32>
        %broadcast_in_dim3A_538 = vector.broadcast %jit3A_536 : f32 to vector<16xf32>
        %select_n3A_539 = arith.select %gt3A_534, %broadcast_in_dim3A_537, %broadcast_in_dim3A_538 : vector<16xi1>, vector<16xf32>
        %add3A_540 = arith.addf %add3A_531, %select_n3A_539 : vector<16xf32>
        %gt3A_541 = arith.constant 6 : i32
        %gt3A_542 = vector.broadcast %gt3A_541 : i32 to vector<16xi32>
        %gt3A_543 = arith.cmpi sgt, %broadcast_in_dim3A_476, %gt3A_542 : vector<16xi32>
        %jit3A_544 = arith.constant 0.333333343 : f32
        %jit3A_545 = arith.constant 0.000000e+00 : f32
        %broadcast_in_dim3A_546 = vector.broadcast %jit3A_544 : f32 to vector<16xf32>
        %broadcast_in_dim3A_547 = vector.broadcast %jit3A_545 : f32 to vector<16xf32>
        %select_n3A_548 = arith.select %gt3A_543, %broadcast_in_dim3A_546, %broadcast_in_dim3A_547 : vector<16xi1>, vector<16xf32>
        %add3A_549 = arith.addf %add3A_540, %select_n3A_548 : vector<16xf32>
        %gt3A_550 = arith.constant 7 : i32
        %gt3A_551 = vector.broadcast %gt3A_550 : i32 to vector<16xi32>
        %gt3A_552 = arith.cmpi sgt, %broadcast_in_dim3A_476, %gt3A_551 : vector<16xi32>
        %jit3A_553 = arith.constant 0.315464884 : f32
        %jit3A_554 = arith.constant 0.000000e+00 : f32
        %broadcast_in_dim3A_555 = vector.broadcast %jit3A_553 : f32 to vector<16xf32>
        %broadcast_in_dim3A_556 = vector.broadcast %jit3A_554 : f32 to vector<16xf32>
        %select_n3A_557 = arith.select %gt3A_552, %broadcast_in_dim3A_555, %broadcast_in_dim3A_556 : vector<16xi1>, vector<16xf32>
        %add3A_558 = arith.addf %add3A_549, %select_n3A_557 : vector<16xf32>
        %gt3A_559 = arith.constant 8 : i32
        %gt3A_560 = vector.broadcast %gt3A_559 : i32 to vector<16xi32>
        %gt3A_561 = arith.cmpi sgt, %broadcast_in_dim3A_476, %gt3A_560 : vector<16xi32>
        %jit3A_562 = arith.constant 3.010300e-01 : f32
        %jit3A_563 = arith.constant 0.000000e+00 : f32
        %broadcast_in_dim3A_564 = vector.broadcast %jit3A_562 : f32 to vector<16xf32>
        %broadcast_in_dim3A_565 = vector.broadcast %jit3A_563 : f32 to vector<16xf32>
        %select_n3A_566 = arith.select %gt3A_561, %broadcast_in_dim3A_564, %broadcast_in_dim3A_565 : vector<16xi1>, vector<16xf32>
        %add3A_567 = arith.addf %add3A_558, %select_n3A_566 : vector<16xf32>
        %gt3A_568 = arith.constant 9 : i32
        %gt3A_569 = vector.broadcast %gt3A_568 : i32 to vector<16xi32>
        %gt3A_570 = arith.cmpi sgt, %broadcast_in_dim3A_476, %gt3A_569 : vector<16xi32>
        %jit3A_571 = arith.constant 0.289064825 : f32
        %jit3A_572 = arith.constant 0.000000e+00 : f32
        %broadcast_in_dim3A_573 = vector.broadcast %jit3A_571 : f32 to vector<16xf32>
        %broadcast_in_dim3A_574 = vector.broadcast %jit3A_572 : f32 to vector<16xf32>
        %select_n3A_575 = arith.select %gt3A_570, %broadcast_in_dim3A_573, %broadcast_in_dim3A_574 : vector<16xi1>, vector<16xf32>
        %add3A_576 = arith.addf %add3A_567, %select_n3A_575 : vector<16xf32>
        %eq3A_577 = arith.constant 0.000000e+00 : f32
        %eq3A_578 = vector.broadcast %eq3A_577 : f32 to vector<16xf32>
        %eq3A_579 = arith.cmpf oeq, %add3A_576, %eq3A_578 : vector<16xf32>
        %jit3A_580 = arith.constant 1.000000e+00 : f32
        %broadcast_in_dim3A_581 = vector.broadcast %jit3A_580 : f32 to vector<16xf32>
        %select_n3A_582 = arith.select %eq3A_579, %broadcast_in_dim3A_581, %add3A_576 : vector<16xi1>, vector<16xf32>
        %div3A = arith.divf %broadcast_in_dim3A_481, %select_n3A_582 : vector<16xf32>
        %min3A_583 = arith.constant 10 : i32
        %min3A_584 = vector.broadcast %min3A_583 : i32 to vector<16xi32>
        %min3A_585 = arith.minsi %broadcast_in_dim3A_476, %min3A_584 : vector<16xi32>
        %max3A = arith.constant 1 : i32
        %max3A_586 = vector.broadcast %max3A : i32 to vector<16xi32>
        %max3A_587 = arith.maxsi %min3A_585, %max3A_586 : vector<16xi32>
        %convert_element_type3A_588 = arith.sitofp %max3A_587 : vector<16xi32> to vector<16xf32>
        %convert_element_type3A_589 = arith.sitofp %broadcast_in_dim3A_486 : vector<16xi32> to vector<16xf32>
        %div3A_590 = arith.divf %convert_element_type3A_589, %convert_element_type3A_588 : vector<16xf32>
        %gt3A_591 = arith.constant 0 : i32
        %gt3A_592 = vector.broadcast %gt3A_591 : i32 to vector<16xi32>
        %gt3A_593 = arith.cmpi sgt, %broadcast_in_dim3A_486, %gt3A_592 : vector<16xi32>
        %convert_element_type3A_594 = arith.extui %gt3A_593 : vector<16xi1> to vector<16xi32>
        %convert_element_type3A_595 = arith.sitofp %convert_element_type3A_594 : vector<16xi32> to vector<16xf32>
        %add3A_596 = arith.addf %while3A_199, %div3A : vector<16xf32>
        %add3A_597 = arith.addf %while3A_200, %div3A_590 : vector<16xf32>
        %add3A_598 = arith.addf %while3A_201, %convert_element_type3A_595 : vector<16xf32>
        scf.yield %add3A_596, %add3A_597, %add3A_598 : vector<16xf32>, vector<16xf32>, vector<16xf32>
      } else {
        scf.yield %while3A_199, %while3A_200, %while3A_201 : vector<16xf32>, vector<16xf32>, vector<16xf32>
      }
      %add3A_315 = arith.constant 64 : i32
      %add3A_316 = arith.addi %while3A_198, %add3A_315 : i32
      %broadcast_in_dim3A_317 = vector.broadcast %add3A_316 : i32 to vector<16xi32>
      %gather3A_318 = tpu.vector_load_idx %arg8[%broadcast_in_dim3A_317] : memref<128xi32, #tpu.memory_space<vmem>>[vector<16xi32>], vector<16xi32>,
      %gather3A_319 = tpu.vector_load_idx %arg6[%broadcast_in_dim3A_317, %min3A_43] : memref<128x200xi32, #tpu.memory_space<vmem>>[vector<16xi32>, vector<16xi32>], vector<16xi32>,
      %eq3A_320 = arith.cmpi eq, %gather3A_319, %gather3A_318 : vector<16xi32>
      %convert_element_type3A_321 = arith.extui %eq3A_320 : vector<16xi1> to vector<16xi32>
      %add3A_322 = arith.addi %broadcast_in_dim3A_80, %convert_element_type3A_321 : vector<16xi32>
      %jit3A_323 = arith.constant 1073741824 : i64
      %convert_element_type3A_324 = arith.trunci %jit3A_323 : i64 to i32
      %broadcast_in_dim3A_325 = vector.broadcast %convert_element_type3A_324 : i32 to vector<16xi32>
      %select_n3A_326 = arith.select %eq3A_320, %add3A_5, %broadcast_in_dim3A_325 : vector<16xi1>, vector<16xi32>
      %gather3A_327 = tpu.vector_load_idx %arg6[%broadcast_in_dim3A_317, %min3A_46] : memref<128x200xi32, #tpu.memory_space<vmem>>[vector<16xi32>, vector<16xi32>], vector<16xi32>,
      %eq3A_328 = arith.cmpi eq, %gather3A_327, %gather3A_318 : vector<16xi32>
      %convert_element_type3A_329 = arith.extui %eq3A_328 : vector<16xi1> to vector<16xi32>
      %add3A_330 = arith.addi %add3A_322, %convert_element_type3A_329 : vector<16xi32>
      %jit3A_331 = arith.constant 1073741824 : i64
      %convert_element_type3A_332 = arith.trunci %jit3A_331 : i64 to i32
      %broadcast_in_dim3A_333 = vector.broadcast %convert_element_type3A_332 : i32 to vector<16xi32>
      %select_n3A_334 = arith.select %eq3A_328, %add3A_8, %broadcast_in_dim3A_333 : vector<16xi1>, vector<16xi32>
      %gather3A_335 = tpu.vector_load_idx %arg6[%broadcast_in_dim3A_317, %min3A_49] : memref<128x200xi32, #tpu.memory_space<vmem>>[vector<16xi32>, vector<16xi32>], vector<16xi32>,
      %eq3A_336 = arith.cmpi eq, %gather3A_335, %gather3A_318 : vector<16xi32>
      %convert_element_type3A_337 = arith.extui %eq3A_336 : vector<16xi1> to vector<16xi32>
      %add3A_338 = arith.addi %add3A_330, %convert_element_type3A_337 : vector<16xi32>
      %jit3A_339 = arith.constant 1073741824 : i64
      %convert_element_type3A_340 = arith.trunci %jit3A_339 : i64 to i32
      %broadcast_in_dim3A_341 = vector.broadcast %convert_element_type3A_340 : i32 to vector<16xi32>
      %select_n3A_342 = arith.select %eq3A_336, %add3A_11, %broadcast_in_dim3A_341 : vector<16xi1>, vector<16xi32>
      %gather3A_343 = tpu.vector_load_idx %arg6[%broadcast_in_dim3A_317, %min3A_52] : memref<128x200xi32, #tpu.memory_space<vmem>>[vector<16xi32>, vector<16xi32>], vector<16xi32>,
      %eq3A_344 = arith.cmpi eq, %gather3A_343, %gather3A_318 : vector<16xi32>
      %convert_element_type3A_345 = arith.extui %eq3A_344 : vector<16xi1> to vector<16xi32>
      %add3A_346 = arith.addi %add3A_338, %convert_element_type3A_345 : vector<16xi32>
      %jit3A_347 = arith.constant 1073741824 : i64
      %convert_element_type3A_348 = arith.trunci %jit3A_347 : i64 to i32
      %broadcast_in_dim3A_349 = vector.broadcast %convert_element_type3A_348 : i32 to vector<16xi32>
      %select_n3A_350 = arith.select %eq3A_344, %add3A_14, %broadcast_in_dim3A_349 : vector<16xi1>, vector<16xi32>
      %gather3A_351 = tpu.vector_load_idx %arg6[%broadcast_in_dim3A_317, %min3A_55] : memref<128x200xi32, #tpu.memory_space<vmem>>[vector<16xi32>, vector<16xi32>], vector<16xi32>,
      %eq3A_352 = arith.cmpi eq, %gather3A_351, %gather3A_318 : vector<16xi32>
      %convert_element_type3A_353 = arith.extui %eq3A_352 : vector<16xi1> to vector<16xi32>
      %add3A_354 = arith.addi %add3A_346, %convert_element_type3A_353 : vector<16xi32>
      %jit3A_355 = arith.constant 1073741824 : i64
      %convert_element_type3A_356 = arith.trunci %jit3A_355 : i64 to i32
      %broadcast_in_dim3A_357 = vector.broadcast %convert_element_type3A_356 : i32 to vector<16xi32>
      %select_n3A_358 = arith.select %eq3A_352, %add3A_17, %broadcast_in_dim3A_357 : vector<16xi1>, vector<16xi32>
      %gather3A_359 = tpu.vector_load_idx %arg6[%broadcast_in_dim3A_317, %min3A_58] : memref<128x200xi32, #tpu.memory_space<vmem>>[vector<16xi32>, vector<16xi32>], vector<16xi32>,
      %eq3A_360 = arith.cmpi eq, %gather3A_359, %gather3A_318 : vector<16xi32>
      %convert_element_type3A_361 = arith.extui %eq3A_360 : vector<16xi1> to vector<16xi32>
      %add3A_362 = arith.addi %add3A_354, %convert_element_type3A_361 : vector<16xi32>
      %jit3A_363 = arith.constant 1073741824 : i64
      %convert_element_type3A_364 = arith.trunci %jit3A_363 : i64 to i32
      %broadcast_in_dim3A_365 = vector.broadcast %convert_element_type3A_364 : i32 to vector<16xi32>
      %select_n3A_366 = arith.select %eq3A_360, %add3A_20, %broadcast_in_dim3A_365 : vector<16xi1>, vector<16xi32>
      %gather3A_367 = tpu.vector_load_idx %arg6[%broadcast_in_dim3A_317, %min3A_61] : memref<128x200xi32, #tpu.memory_space<vmem>>[vector<16xi32>, vector<16xi32>], vector<16xi32>,
      %eq3A_368 = arith.cmpi eq, %gather3A_367, %gather3A_318 : vector<16xi32>
      %convert_element_type3A_369 = arith.extui %eq3A_368 : vector<16xi1> to vector<16xi32>
      %add3A_370 = arith.addi %add3A_362, %convert_element_type3A_369 : vector<16xi32>
      %jit3A_371 = arith.constant 1073741824 : i64
      %convert_element_type3A_372 = arith.trunci %jit3A_371 : i64 to i32
      %broadcast_in_dim3A_373 = vector.broadcast %convert_element_type3A_372 : i32 to vector<16xi32>
      %select_n3A_374 = arith.select %eq3A_368, %add3A_23, %broadcast_in_dim3A_373 : vector<16xi1>, vector<16xi32>
      %gather3A_375 = tpu.vector_load_idx %arg6[%broadcast_in_dim3A_317, %min3A_64] : memref<128x200xi32, #tpu.memory_space<vmem>>[vector<16xi32>, vector<16xi32>], vector<16xi32>,
      %eq3A_376 = arith.cmpi eq, %gather3A_375, %gather3A_318 : vector<16xi32>
      %convert_element_type3A_377 = arith.extui %eq3A_376 : vector<16xi1> to vector<16xi32>
      %add3A_378 = arith.addi %add3A_370, %convert_element_type3A_377 : vector<16xi32>
      %jit3A_379 = arith.constant 1073741824 : i64
      %convert_element_type3A_380 = arith.trunci %jit3A_379 : i64 to i32
      %broadcast_in_dim3A_381 = vector.broadcast %convert_element_type3A_380 : i32 to vector<16xi32>
      %select_n3A_382 = arith.select %eq3A_376, %add3A_26, %broadcast_in_dim3A_381 : vector<16xi1>, vector<16xi32>
      %gather3A_383 = tpu.vector_load_idx %arg6[%broadcast_in_dim3A_317, %min3A_67] : memref<128x200xi32, #tpu.memory_space<vmem>>[vector<16xi32>, vector<16xi32>], vector<16xi32>,
      %eq3A_384 = arith.cmpi eq, %gather3A_383, %gather3A_318 : vector<16xi32>
      %convert_element_type3A_385 = arith.extui %eq3A_384 : vector<16xi1> to vector<16xi32>
      %add3A_386 = arith.addi %add3A_378, %convert_element_type3A_385 : vector<16xi32>
      %jit3A_387 = arith.constant 1073741824 : i64
      %convert_element_type3A_388 = arith.trunci %jit3A_387 : i64 to i32
      %broadcast_in_dim3A_389 = vector.broadcast %convert_element_type3A_388 : i32 to vector<16xi32>
      %select_n3A_390 = arith.select %eq3A_384, %add3A_29, %broadcast_in_dim3A_389 : vector<16xi1>, vector<16xi32>
      %gather3A_391 = tpu.vector_load_idx %arg6[%broadcast_in_dim3A_317, %min3A_70] : memref<128x200xi32, #tpu.memory_space<vmem>>[vector<16xi32>, vector<16xi32>], vector<16xi32>,
      %eq3A_392 = arith.cmpi eq, %gather3A_391, %gather3A_318 : vector<16xi32>
      %convert_element_type3A_393 = arith.extui %eq3A_392 : vector<16xi1> to vector<16xi32>
      %add3A_394 = arith.addi %add3A_386, %convert_element_type3A_393 : vector<16xi32>
      %jit3A_395 = arith.constant 1073741824 : i64
      %convert_element_type3A_396 = arith.trunci %jit3A_395 : i64 to i32
      %broadcast_in_dim3A_397 = vector.broadcast %convert_element_type3A_396 : i32 to vector<16xi32>
      %select_n3A_398 = arith.select %eq3A_392, %add3A_32, %broadcast_in_dim3A_397 : vector<16xi1>, vector<16xi32>
      %gather3A_399 = tpu.vector_load_idx %arg6[%broadcast_in_dim3A_317, %min3A_73] : memref<128x200xi32, #tpu.memory_space<vmem>>[vector<16xi32>, vector<16xi32>], vector<16xi32>,
      %eq3A_400 = arith.cmpi eq, %gather3A_399, %gather3A_318 : vector<16xi32>
      %convert_element_type3A_401 = arith.extui %eq3A_400 : vector<16xi1> to vector<16xi32>
      %add3A_402 = arith.addi %add3A_394, %convert_element_type3A_401 : vector<16xi32>
      %jit3A_403 = arith.constant 1073741824 : i64
      %convert_element_type3A_404 = arith.trunci %jit3A_403 : i64 to i32
      %broadcast_in_dim3A_405 = vector.broadcast %convert_element_type3A_404 : i32 to vector<16xi32>
      %select_n3A_406 = arith.select %eq3A_400, %add3A_35, %broadcast_in_dim3A_405 : vector<16xi1>, vector<16xi32>
      %gather3A_407 = tpu.vector_load_idx %arg6[%broadcast_in_dim3A_317, %min3A_76] : memref<128x200xi32, #tpu.memory_space<vmem>>[vector<16xi32>, vector<16xi32>], vector<16xi32>,
      %eq3A_408 = arith.cmpi eq, %gather3A_407, %gather3A_318 : vector<16xi32>
      %convert_element_type3A_409 = arith.extui %eq3A_408 : vector<16xi1> to vector<16xi32>
      %add3A_410 = arith.addi %add3A_402, %convert_element_type3A_409 : vector<16xi32>
      %jit3A_411 = arith.constant 1073741824 : i64
      %convert_element_type3A_412 = arith.trunci %jit3A_411 : i64 to i32
      %broadcast_in_dim3A_413 = vector.broadcast %convert_element_type3A_412 : i32 to vector<16xi32>
      %select_n3A_414 = arith.select %eq3A_408, %add3A_38, %broadcast_in_dim3A_413 : vector<16xi1>, vector<16xi32>
      %gather3A_415 = tpu.vector_load_idx %arg6[%broadcast_in_dim3A_317, %min3A_79] : memref<128x200xi32, #tpu.memory_space<vmem>>[vector<16xi32>, vector<16xi32>], vector<16xi32>,
      %eq3A_416 = arith.cmpi eq, %gather3A_415, %gather3A_318 : vector<16xi32>
      %lt3A_417 = arith.constant 200 : i32
      %lt3A_418 = vector.broadcast %lt3A_417 : i32 to vector<16xi32>
      %lt3A_419 = arith.cmpi slt, %add3A_41, %lt3A_418 : vector<16xi32>
      %and3A_420 = arith.andi %eq3A_416, %lt3A_419 : vector<16xi1>
      %convert_element_type3A_421 = arith.extui %and3A_420 : vector<16xi1> to vector<16xi32>
      %add3A_422 = arith.addi %add3A_410, %convert_element_type3A_421 : vector<16xi32>
      %jit3A_423 = arith.constant 1073741824 : i64
      %convert_element_type3A_424 = arith.trunci %jit3A_423 : i64 to i32
      %broadcast_in_dim3A_425 = vector.broadcast %convert_element_type3A_424 : i32 to vector<16xi32>
      %select_n3A_426 = arith.select %and3A_420, %add3A_41, %broadcast_in_dim3A_425 : vector<16xi1>, vector<16xi32>
      %reduce_sum3A_427 = arith.constant true
      %reduce_sum3A_428 = vector.broadcast %reduce_sum3A_427 : i1 to vector<16xi1>
      %reduce_sum3A_429 = tpu.scan <sum>, %add3A_422 masked %reduce_sum3A_428 : vector<16xi32>, vector<16xi1> -> vector<16xi32>
      %reduce_sum3A_430 = vector.extract %reduce_sum3A_429[15] : i32 from vector<16xi32>
      %gt3A_431 = arith.constant 0 : i32
      %gt3A_432 = arith.cmpi sgt, %reduce_sum3A_430, %gt3A_431 : i32
      %convert_element_type3A_433 = arith.extui %gt3A_432 : i1 to i32
      %cond3A_434 = arith.constant 0 : i32
      %cond3A_435 = arith.cmpi ne, %convert_element_type3A_433, %cond3A_434 : i32
      %cond3A_436:3 = scf.if %cond3A_435 -> (vector<16xf32>, vector<16xf32>, vector<16xf32>) {
        %gather3A_437 = tpu.vector_load_idx %arg7[%broadcast_in_dim3A_317, %min3A_43] : memref<128x200xf32, #tpu.memory_space<vmem>>[vector<16xi32>, vector<16xi32>], vector<16xf32>,
        %gather3A_438 = tpu.vector_load_idx %arg7[%broadcast_in_dim3A_317, %min3A_46] : memref<128x200xf32, #tpu.memory_space<vmem>>[vector<16xi32>, vector<16xi32>], vector<16xf32>,
        %gather3A_439 = tpu.vector_load_idx %arg7[%broadcast_in_dim3A_317, %min3A_49] : memref<128x200xf32, #tpu.memory_space<vmem>>[vector<16xi32>, vector<16xi32>], vector<16xf32>,
        %gather3A_440 = tpu.vector_load_idx %arg7[%broadcast_in_dim3A_317, %min3A_52] : memref<128x200xf32, #tpu.memory_space<vmem>>[vector<16xi32>, vector<16xi32>], vector<16xf32>,
        %gather3A_441 = tpu.vector_load_idx %arg7[%broadcast_in_dim3A_317, %min3A_55] : memref<128x200xf32, #tpu.memory_space<vmem>>[vector<16xi32>, vector<16xi32>], vector<16xf32>,
        %gather3A_442 = tpu.vector_load_idx %arg7[%broadcast_in_dim3A_317, %min3A_58] : memref<128x200xf32, #tpu.memory_space<vmem>>[vector<16xi32>, vector<16xi32>], vector<16xf32>,
        %gather3A_443 = tpu.vector_load_idx %arg7[%broadcast_in_dim3A_317, %min3A_61] : memref<128x200xf32, #tpu.memory_space<vmem>>[vector<16xi32>, vector<16xi32>], vector<16xf32>,
        %gather3A_444 = tpu.vector_load_idx %arg7[%broadcast_in_dim3A_317, %min3A_64] : memref<128x200xf32, #tpu.memory_space<vmem>>[vector<16xi32>, vector<16xi32>], vector<16xf32>,
        %gather3A_445 = tpu.vector_load_idx %arg7[%broadcast_in_dim3A_317, %min3A_67] : memref<128x200xf32, #tpu.memory_space<vmem>>[vector<16xi32>, vector<16xi32>], vector<16xf32>,
        %gather3A_446 = tpu.vector_load_idx %arg7[%broadcast_in_dim3A_317, %min3A_70] : memref<128x200xf32, #tpu.memory_space<vmem>>[vector<16xi32>, vector<16xi32>], vector<16xf32>,
        %gather3A_447 = tpu.vector_load_idx %arg7[%broadcast_in_dim3A_317, %min3A_73] : memref<128x200xf32, #tpu.memory_space<vmem>>[vector<16xi32>, vector<16xi32>], vector<16xf32>,
        %gather3A_448 = tpu.vector_load_idx %arg7[%broadcast_in_dim3A_317, %min3A_76] : memref<128x200xf32, #tpu.memory_space<vmem>>[vector<16xi32>, vector<16xi32>], vector<16xf32>,
        %gather3A_449 = tpu.vector_load_idx %arg7[%broadcast_in_dim3A_317, %min3A_79] : memref<128x200xf32, #tpu.memory_space<vmem>>[vector<16xi32>, vector<16xi32>], vector<16xf32>,
        %lt3A_450 = arith.constant 200 : i32
        %lt3A_451 = vector.broadcast %lt3A_450 : i32 to vector<16xi32>
        %lt3A_452 = arith.cmpi slt, %add3A_41, %lt3A_451 : vector<16xi32>
        %jit3A_453 = arith.constant 0xFF800000 : f32
        %broadcast_in_dim3A_454 = vector.broadcast %jit3A_453 : f32 to vector<16xf32>
        %select_n3A_455 = arith.select %lt3A_452, %gather3A_449, %broadcast_in_dim3A_454 : vector<16xi1>, vector<16xf32>
        %min3A_456 = arith.minsi %select_n3A_326, %select_n3A_334 : vector<16xi32>
        %min3A_457 = arith.minsi %select_n3A_342, %select_n3A_350 : vector<16xi32>
        %min3A_458 = arith.minsi %select_n3A_358, %select_n3A_366 : vector<16xi32>
        %min3A_459 = arith.minsi %select_n3A_374, %select_n3A_382 : vector<16xi32>
        %min3A_460 = arith.minsi %select_n3A_390, %select_n3A_398 : vector<16xi32>
        %min3A_461 = arith.minsi %select_n3A_406, %select_n3A_414 : vector<16xi32>
        %min3A_462 = arith.minsi %min3A_456, %min3A_457 : vector<16xi32>
        %min3A_463 = arith.minsi %min3A_458, %min3A_459 : vector<16xi32>
        %min3A_464 = arith.minsi %min3A_460, %min3A_461 : vector<16xi32>
        %min3A_465 = arith.minsi %min3A_462, %min3A_463 : vector<16xi32>
        %min3A_466 = arith.minsi %min3A_464, %select_n3A_426 : vector<16xi32>
        %min3A_467 = arith.minsi %min3A_465, %min3A_466 : vector<16xi32>
        %reduce_min3A = arith.constant true
        %reduce_min3A_468 = vector.broadcast %reduce_min3A : i1 to vector<16xi1>
        %reduce_min3A_469 = arith.constant -2147483648 : i32
        %reduce_min3A_470 = vector.broadcast %reduce_min3A_469 : i32 to vector<16xi32>
        %reduce_min3A_471 = arith.xori %min3A_467, %reduce_min3A_470 : vector<16xi32>
        %reduce_min3A_472 = tpu.scan <min>, %reduce_min3A_471 masked %reduce_min3A_468 : vector<16xi32>, vector<16xi1> -> vector<16xi32>
        %reduce_min3A_473 = arith.xori %reduce_min3A_472, %reduce_min3A_470 : vector<16xi32>
        %reduce_min3A_474 = vector.extract %reduce_min3A_473[15] : i32 from vector<16xi32>
        %while3A_475:16 = scf.while (%while3A_599 = %reduce_min3A_474, %while3A_600 = %select_n3A_326, %while3A_601 = %select_n3A_334, %while3A_602 = %select_n3A_342, %while3A_603 = %select_n3A_350, %while3A_604 = %select_n3A_358, %while3A_605 = %select_n3A_366, %while3A_606 = %select_n3A_374, %while3A_607 = %select_n3A_382, %while3A_608 = %select_n3A_390, %while3A_609 = %select_n3A_398, %while3A_610 = %select_n3A_406, %while3A_611 = %select_n3A_414, %while3A_612 = %select_n3A_426, %while3A_613 = %broadcast_in_dim3A_82, %while3A_614 = %broadcast_in_dim3A_80) : (i32, vector<16xi32>, vector<16xi32>, vector<16xi32>, vector<16xi32>, vector<16xi32>, vector<16xi32>, vector<16xi32>, vector<16xi32>, vector<16xi32>, vector<16xi32>, vector<16xi32>, vector<16xi32>, vector<16xi32>, vector<16xf32>, vector<16xi32>) -> (i32, vector<16xi32>, vector<16xi32>, vector<16xi32>, vector<16xi32>, vector<16xi32>, vector<16xi32>, vector<16xi32>, vector<16xi32>, vector<16xi32>, vector<16xi32>, vector<16xi32>, vector<16xi32>, vector<16xi32>, vector<16xf32>, vector<16xi32>) {
          %lt3A_615 = arith.constant 1073741824 : i32
          %lt3A_616 = arith.cmpi slt, %while3A_599, %lt3A_615 : i32
          scf.condition(%lt3A_616) %while3A_599, %while3A_600, %while3A_601, %while3A_602, %while3A_603, %while3A_604, %while3A_605, %while3A_606, %while3A_607, %while3A_608, %while3A_609, %while3A_610, %while3A_611, %while3A_612, %while3A_613, %while3A_614 : i32, vector<16xi32>, vector<16xi32>, vector<16xi32>, vector<16xi32>, vector<16xi32>, vector<16xi32>, vector<16xi32>, vector<16xi32>, vector<16xi32>, vector<16xi32>, vector<16xi32>, vector<16xi32>, vector<16xi32>, vector<16xf32>, vector<16xi32>
        } do {
        ^bb0(%while3A_599: i32, %while3A_600: vector<16xi32>, %while3A_601: vector<16xi32>, %while3A_602: vector<16xi32>, %while3A_603: vector<16xi32>, %while3A_604: vector<16xi32>, %while3A_605: vector<16xi32>, %while3A_606: vector<16xi32>, %while3A_607: vector<16xi32>, %while3A_608: vector<16xi32>, %while3A_609: vector<16xi32>, %while3A_610: vector<16xi32>, %while3A_611: vector<16xi32>, %while3A_612: vector<16xi32>, %while3A_613: vector<16xf32>, %while3A_614: vector<16xi32>):
          %broadcast_in_dim3A_615 = vector.broadcast %while3A_599 : i32 to vector<16xi32>
          %gather3A_616 = tpu.vector_load_idx %arg7[%broadcast_in_dim3A_317, %broadcast_in_dim3A_615] : memref<128x200xf32, #tpu.memory_space<vmem>>[vector<16xi32>, vector<16xi32>], vector<16xf32>,
          %gt3A_617 = arith.cmpf ogt, %gather3A_437, %gather3A_616 : vector<16xf32>
          %eq3A_618 = arith.cmpf oeq, %gather3A_437, %gather3A_616 : vector<16xf32>
          %lt3A_619 = arith.cmpi slt, %add3A_5, %broadcast_in_dim3A_615 : vector<16xi32>
          %and3A_620 = arith.andi %eq3A_618, %lt3A_619 : vector<16xi1>
          %or3A = arith.ori %gt3A_617, %and3A_620 : vector<16xi1>
          %convert_element_type3A_621 = arith.extui %or3A : vector<16xi1> to vector<16xi32>
          %add3A_622 = arith.addi %broadcast_in_dim3A_80, %convert_element_type3A_621 : vector<16xi32>
          %gt3A_623 = arith.cmpf ogt, %gather3A_438, %gather3A_616 : vector<16xf32>
          %eq3A_624 = arith.cmpf oeq, %gather3A_438, %gather3A_616 : vector<16xf32>
          %lt3A_625 = arith.cmpi slt, %add3A_8, %broadcast_in_dim3A_615 : vector<16xi32>
          %and3A_626 = arith.andi %eq3A_624, %lt3A_625 : vector<16xi1>
          %or3A_627 = arith.ori %gt3A_623, %and3A_626 : vector<16xi1>
          %convert_element_type3A_628 = arith.extui %or3A_627 : vector<16xi1> to vector<16xi32>
          %add3A_629 = arith.addi %add3A_622, %convert_element_type3A_628 : vector<16xi32>
          %gt3A_630 = arith.cmpf ogt, %gather3A_439, %gather3A_616 : vector<16xf32>
          %eq3A_631 = arith.cmpf oeq, %gather3A_439, %gather3A_616 : vector<16xf32>
          %lt3A_632 = arith.cmpi slt, %add3A_11, %broadcast_in_dim3A_615 : vector<16xi32>
          %and3A_633 = arith.andi %eq3A_631, %lt3A_632 : vector<16xi1>
          %or3A_634 = arith.ori %gt3A_630, %and3A_633 : vector<16xi1>
          %convert_element_type3A_635 = arith.extui %or3A_634 : vector<16xi1> to vector<16xi32>
          %add3A_636 = arith.addi %add3A_629, %convert_element_type3A_635 : vector<16xi32>
          %gt3A_637 = arith.cmpf ogt, %gather3A_440, %gather3A_616 : vector<16xf32>
          %eq3A_638 = arith.cmpf oeq, %gather3A_440, %gather3A_616 : vector<16xf32>
          %lt3A_639 = arith.cmpi slt, %add3A_14, %broadcast_in_dim3A_615 : vector<16xi32>
          %and3A_640 = arith.andi %eq3A_638, %lt3A_639 : vector<16xi1>
          %or3A_641 = arith.ori %gt3A_637, %and3A_640 : vector<16xi1>
          %convert_element_type3A_642 = arith.extui %or3A_641 : vector<16xi1> to vector<16xi32>
          %add3A_643 = arith.addi %add3A_636, %convert_element_type3A_642 : vector<16xi32>
          %gt3A_644 = arith.cmpf ogt, %gather3A_441, %gather3A_616 : vector<16xf32>
          %eq3A_645 = arith.cmpf oeq, %gather3A_441, %gather3A_616 : vector<16xf32>
          %lt3A_646 = arith.cmpi slt, %add3A_17, %broadcast_in_dim3A_615 : vector<16xi32>
          %and3A_647 = arith.andi %eq3A_645, %lt3A_646 : vector<16xi1>
          %or3A_648 = arith.ori %gt3A_644, %and3A_647 : vector<16xi1>
          %convert_element_type3A_649 = arith.extui %or3A_648 : vector<16xi1> to vector<16xi32>
          %add3A_650 = arith.addi %add3A_643, %convert_element_type3A_649 : vector<16xi32>
          %gt3A_651 = arith.cmpf ogt, %gather3A_442, %gather3A_616 : vector<16xf32>
          %eq3A_652 = arith.cmpf oeq, %gather3A_442, %gather3A_616 : vector<16xf32>
          %lt3A_653 = arith.cmpi slt, %add3A_20, %broadcast_in_dim3A_615 : vector<16xi32>
          %and3A_654 = arith.andi %eq3A_652, %lt3A_653 : vector<16xi1>
          %or3A_655 = arith.ori %gt3A_651, %and3A_654 : vector<16xi1>
          %convert_element_type3A_656 = arith.extui %or3A_655 : vector<16xi1> to vector<16xi32>
          %add3A_657 = arith.addi %add3A_650, %convert_element_type3A_656 : vector<16xi32>
          %gt3A_658 = arith.cmpf ogt, %gather3A_443, %gather3A_616 : vector<16xf32>
          %eq3A_659 = arith.cmpf oeq, %gather3A_443, %gather3A_616 : vector<16xf32>
          %lt3A_660 = arith.cmpi slt, %add3A_23, %broadcast_in_dim3A_615 : vector<16xi32>
          %and3A_661 = arith.andi %eq3A_659, %lt3A_660 : vector<16xi1>
          %or3A_662 = arith.ori %gt3A_658, %and3A_661 : vector<16xi1>
          %convert_element_type3A_663 = arith.extui %or3A_662 : vector<16xi1> to vector<16xi32>
          %add3A_664 = arith.addi %add3A_657, %convert_element_type3A_663 : vector<16xi32>
          %gt3A_665 = arith.cmpf ogt, %gather3A_444, %gather3A_616 : vector<16xf32>
          %eq3A_666 = arith.cmpf oeq, %gather3A_444, %gather3A_616 : vector<16xf32>
          %lt3A_667 = arith.cmpi slt, %add3A_26, %broadcast_in_dim3A_615 : vector<16xi32>
          %and3A_668 = arith.andi %eq3A_666, %lt3A_667 : vector<16xi1>
          %or3A_669 = arith.ori %gt3A_665, %and3A_668 : vector<16xi1>
          %convert_element_type3A_670 = arith.extui %or3A_669 : vector<16xi1> to vector<16xi32>
          %add3A_671 = arith.addi %add3A_664, %convert_element_type3A_670 : vector<16xi32>
          %gt3A_672 = arith.cmpf ogt, %gather3A_445, %gather3A_616 : vector<16xf32>
          %eq3A_673 = arith.cmpf oeq, %gather3A_445, %gather3A_616 : vector<16xf32>
          %lt3A_674 = arith.cmpi slt, %add3A_29, %broadcast_in_dim3A_615 : vector<16xi32>
          %and3A_675 = arith.andi %eq3A_673, %lt3A_674 : vector<16xi1>
          %or3A_676 = arith.ori %gt3A_672, %and3A_675 : vector<16xi1>
          %convert_element_type3A_677 = arith.extui %or3A_676 : vector<16xi1> to vector<16xi32>
          %add3A_678 = arith.addi %add3A_671, %convert_element_type3A_677 : vector<16xi32>
          %gt3A_679 = arith.cmpf ogt, %gather3A_446, %gather3A_616 : vector<16xf32>
          %eq3A_680 = arith.cmpf oeq, %gather3A_446, %gather3A_616 : vector<16xf32>
          %lt3A_681 = arith.cmpi slt, %add3A_32, %broadcast_in_dim3A_615 : vector<16xi32>
          %and3A_682 = arith.andi %eq3A_680, %lt3A_681 : vector<16xi1>
          %or3A_683 = arith.ori %gt3A_679, %and3A_682 : vector<16xi1>
          %convert_element_type3A_684 = arith.extui %or3A_683 : vector<16xi1> to vector<16xi32>
          %add3A_685 = arith.addi %add3A_678, %convert_element_type3A_684 : vector<16xi32>
          %gt3A_686 = arith.cmpf ogt, %gather3A_447, %gather3A_616 : vector<16xf32>
          %eq3A_687 = arith.cmpf oeq, %gather3A_447, %gather3A_616 : vector<16xf32>
          %lt3A_688 = arith.cmpi slt, %add3A_35, %broadcast_in_dim3A_615 : vector<16xi32>
          %and3A_689 = arith.andi %eq3A_687, %lt3A_688 : vector<16xi1>
          %or3A_690 = arith.ori %gt3A_686, %and3A_689 : vector<16xi1>
          %convert_element_type3A_691 = arith.extui %or3A_690 : vector<16xi1> to vector<16xi32>
          %add3A_692 = arith.addi %add3A_685, %convert_element_type3A_691 : vector<16xi32>
          %gt3A_693 = arith.cmpf ogt, %gather3A_448, %gather3A_616 : vector<16xf32>
          %eq3A_694 = arith.cmpf oeq, %gather3A_448, %gather3A_616 : vector<16xf32>
          %lt3A_695 = arith.cmpi slt, %add3A_38, %broadcast_in_dim3A_615 : vector<16xi32>
          %and3A_696 = arith.andi %eq3A_694, %lt3A_695 : vector<16xi1>
          %or3A_697 = arith.ori %gt3A_693, %and3A_696 : vector<16xi1>
          %convert_element_type3A_698 = arith.extui %or3A_697 : vector<16xi1> to vector<16xi32>
          %add3A_699 = arith.addi %add3A_692, %convert_element_type3A_698 : vector<16xi32>
          %gt3A_700 = arith.cmpf ogt, %select_n3A_455, %gather3A_616 : vector<16xf32>
          %eq3A_701 = arith.cmpf oeq, %select_n3A_455, %gather3A_616 : vector<16xf32>
          %lt3A_702 = arith.cmpi slt, %add3A_41, %broadcast_in_dim3A_615 : vector<16xi32>
          %and3A_703 = arith.andi %eq3A_701, %lt3A_702 : vector<16xi1>
          %or3A_704 = arith.ori %gt3A_700, %and3A_703 : vector<16xi1>
          %convert_element_type3A_705 = arith.extui %or3A_704 : vector<16xi1> to vector<16xi32>
          %add3A_706 = arith.addi %add3A_699, %convert_element_type3A_705 : vector<16xi32>
          %reduce_sum3A_707 = arith.constant true
          %reduce_sum3A_708 = vector.broadcast %reduce_sum3A_707 : i1 to vector<16xi1>
          %reduce_sum3A_709 = tpu.scan <sum>, %add3A_706 masked %reduce_sum3A_708 : vector<16xi32>, vector<16xi1> -> vector<16xi32>
          %reduce_sum3A_710 = vector.extract %reduce_sum3A_709[15] : i32 from vector<16xi32>
          %broadcast_in_dim3A_711 = vector.broadcast %reduce_sum3A_710 : i32 to vector<16xi32>
          %eq3A_712 = arith.cmpi eq, %broadcast_in_dim3A_711, %iota3A : vector<16xi32>
          %select_n3A_713 = arith.select %eq3A_712, %select_n3A_139, %broadcast_in_dim3A_82 : vector<16xi1>, vector<16xf32>
          %add3A_714 = arith.addf %while3A_613, %select_n3A_713 : vector<16xf32>
          %lt3A_715 = arith.constant 10 : i32
          %lt3A_716 = vector.broadcast %lt3A_715 : i32 to vector<16xi32>
          %lt3A_717 = arith.cmpi slt, %iota3A, %lt3A_716 : vector<16xi32>
          %and3A_718 = arith.andi %eq3A_712, %lt3A_717 : vector<16xi1>
          %convert_element_type3A_719 = arith.extui %and3A_718 : vector<16xi1> to vector<16xi32>
          %add3A_720 = arith.addi %while3A_614, %convert_element_type3A_719 : vector<16xi32>
          %eq3A_721 = arith.cmpi eq, %while3A_600, %broadcast_in_dim3A_615 : vector<16xi32>
          %jit3A_722 = arith.constant 1073741824 : i64
          %convert_element_type3A_723 = arith.trunci %jit3A_722 : i64 to i32
          %broadcast_in_dim3A_724 = vector.broadcast %convert_element_type3A_723 : i32 to vector<16xi32>
          %select_n3A_725 = arith.select %eq3A_721, %broadcast_in_dim3A_724, %while3A_600 : vector<16xi1>, vector<16xi32>
          %eq3A_726 = arith.cmpi eq, %while3A_601, %broadcast_in_dim3A_615 : vector<16xi32>
          %jit3A_727 = arith.constant 1073741824 : i64
          %convert_element_type3A_728 = arith.trunci %jit3A_727 : i64 to i32
          %broadcast_in_dim3A_729 = vector.broadcast %convert_element_type3A_728 : i32 to vector<16xi32>
          %select_n3A_730 = arith.select %eq3A_726, %broadcast_in_dim3A_729, %while3A_601 : vector<16xi1>, vector<16xi32>
          %eq3A_731 = arith.cmpi eq, %while3A_602, %broadcast_in_dim3A_615 : vector<16xi32>
          %jit3A_732 = arith.constant 1073741824 : i64
          %convert_element_type3A_733 = arith.trunci %jit3A_732 : i64 to i32
          %broadcast_in_dim3A_734 = vector.broadcast %convert_element_type3A_733 : i32 to vector<16xi32>
          %select_n3A_735 = arith.select %eq3A_731, %broadcast_in_dim3A_734, %while3A_602 : vector<16xi1>, vector<16xi32>
          %eq3A_736 = arith.cmpi eq, %while3A_603, %broadcast_in_dim3A_615 : vector<16xi32>
          %jit3A_737 = arith.constant 1073741824 : i64
          %convert_element_type3A_738 = arith.trunci %jit3A_737 : i64 to i32
          %broadcast_in_dim3A_739 = vector.broadcast %convert_element_type3A_738 : i32 to vector<16xi32>
          %select_n3A_740 = arith.select %eq3A_736, %broadcast_in_dim3A_739, %while3A_603 : vector<16xi1>, vector<16xi32>
          %eq3A_741 = arith.cmpi eq, %while3A_604, %broadcast_in_dim3A_615 : vector<16xi32>
          %jit3A_742 = arith.constant 1073741824 : i64
          %convert_element_type3A_743 = arith.trunci %jit3A_742 : i64 to i32
          %broadcast_in_dim3A_744 = vector.broadcast %convert_element_type3A_743 : i32 to vector<16xi32>
          %select_n3A_745 = arith.select %eq3A_741, %broadcast_in_dim3A_744, %while3A_604 : vector<16xi1>, vector<16xi32>
          %eq3A_746 = arith.cmpi eq, %while3A_605, %broadcast_in_dim3A_615 : vector<16xi32>
          %jit3A_747 = arith.constant 1073741824 : i64
          %convert_element_type3A_748 = arith.trunci %jit3A_747 : i64 to i32
          %broadcast_in_dim3A_749 = vector.broadcast %convert_element_type3A_748 : i32 to vector<16xi32>
          %select_n3A_750 = arith.select %eq3A_746, %broadcast_in_dim3A_749, %while3A_605 : vector<16xi1>, vector<16xi32>
          %eq3A_751 = arith.cmpi eq, %while3A_606, %broadcast_in_dim3A_615 : vector<16xi32>
          %jit3A_752 = arith.constant 1073741824 : i64
          %convert_element_type3A_753 = arith.trunci %jit3A_752 : i64 to i32
          %broadcast_in_dim3A_754 = vector.broadcast %convert_element_type3A_753 : i32 to vector<16xi32>
          %select_n3A_755 = arith.select %eq3A_751, %broadcast_in_dim3A_754, %while3A_606 : vector<16xi1>, vector<16xi32>
          %eq3A_756 = arith.cmpi eq, %while3A_607, %broadcast_in_dim3A_615 : vector<16xi32>
          %jit3A_757 = arith.constant 1073741824 : i64
          %convert_element_type3A_758 = arith.trunci %jit3A_757 : i64 to i32
          %broadcast_in_dim3A_759 = vector.broadcast %convert_element_type3A_758 : i32 to vector<16xi32>
          %select_n3A_760 = arith.select %eq3A_756, %broadcast_in_dim3A_759, %while3A_607 : vector<16xi1>, vector<16xi32>
          %eq3A_761 = arith.cmpi eq, %while3A_608, %broadcast_in_dim3A_615 : vector<16xi32>
          %jit3A_762 = arith.constant 1073741824 : i64
          %convert_element_type3A_763 = arith.trunci %jit3A_762 : i64 to i32
          %broadcast_in_dim3A_764 = vector.broadcast %convert_element_type3A_763 : i32 to vector<16xi32>
          %select_n3A_765 = arith.select %eq3A_761, %broadcast_in_dim3A_764, %while3A_608 : vector<16xi1>, vector<16xi32>
          %eq3A_766 = arith.cmpi eq, %while3A_609, %broadcast_in_dim3A_615 : vector<16xi32>
          %jit3A_767 = arith.constant 1073741824 : i64
          %convert_element_type3A_768 = arith.trunci %jit3A_767 : i64 to i32
          %broadcast_in_dim3A_769 = vector.broadcast %convert_element_type3A_768 : i32 to vector<16xi32>
          %select_n3A_770 = arith.select %eq3A_766, %broadcast_in_dim3A_769, %while3A_609 : vector<16xi1>, vector<16xi32>
          %eq3A_771 = arith.cmpi eq, %while3A_610, %broadcast_in_dim3A_615 : vector<16xi32>
          %jit3A_772 = arith.constant 1073741824 : i64
          %convert_element_type3A_773 = arith.trunci %jit3A_772 : i64 to i32
          %broadcast_in_dim3A_774 = vector.broadcast %convert_element_type3A_773 : i32 to vector<16xi32>
          %select_n3A_775 = arith.select %eq3A_771, %broadcast_in_dim3A_774, %while3A_610 : vector<16xi1>, vector<16xi32>
          %eq3A_776 = arith.cmpi eq, %while3A_611, %broadcast_in_dim3A_615 : vector<16xi32>
          %jit3A_777 = arith.constant 1073741824 : i64
          %convert_element_type3A_778 = arith.trunci %jit3A_777 : i64 to i32
          %broadcast_in_dim3A_779 = vector.broadcast %convert_element_type3A_778 : i32 to vector<16xi32>
          %select_n3A_780 = arith.select %eq3A_776, %broadcast_in_dim3A_779, %while3A_611 : vector<16xi1>, vector<16xi32>
          %eq3A_781 = arith.cmpi eq, %while3A_612, %broadcast_in_dim3A_615 : vector<16xi32>
          %jit3A_782 = arith.constant 1073741824 : i64
          %convert_element_type3A_783 = arith.trunci %jit3A_782 : i64 to i32
          %broadcast_in_dim3A_784 = vector.broadcast %convert_element_type3A_783 : i32 to vector<16xi32>
          %select_n3A_785 = arith.select %eq3A_781, %broadcast_in_dim3A_784, %while3A_612 : vector<16xi1>, vector<16xi32>
          %min3A_786 = arith.minsi %select_n3A_725, %select_n3A_730 : vector<16xi32>
          %min3A_787 = arith.minsi %select_n3A_735, %select_n3A_740 : vector<16xi32>
          %min3A_788 = arith.minsi %select_n3A_745, %select_n3A_750 : vector<16xi32>
          %min3A_789 = arith.minsi %select_n3A_755, %select_n3A_760 : vector<16xi32>
          %min3A_790 = arith.minsi %select_n3A_765, %select_n3A_770 : vector<16xi32>
          %min3A_791 = arith.minsi %select_n3A_775, %select_n3A_780 : vector<16xi32>
          %min3A_792 = arith.minsi %min3A_786, %min3A_787 : vector<16xi32>
          %min3A_793 = arith.minsi %min3A_788, %min3A_789 : vector<16xi32>
          %min3A_794 = arith.minsi %min3A_790, %min3A_791 : vector<16xi32>
          %min3A_795 = arith.minsi %min3A_792, %min3A_793 : vector<16xi32>
          %min3A_796 = arith.minsi %min3A_794, %select_n3A_785 : vector<16xi32>
          %min3A_797 = arith.minsi %min3A_795, %min3A_796 : vector<16xi32>
          %reduce_min3A_798 = arith.constant true
          %reduce_min3A_799 = vector.broadcast %reduce_min3A_798 : i1 to vector<16xi1>
          %reduce_min3A_800 = arith.constant -2147483648 : i32
          %reduce_min3A_801 = vector.broadcast %reduce_min3A_800 : i32 to vector<16xi32>
          %reduce_min3A_802 = arith.xori %min3A_797, %reduce_min3A_801 : vector<16xi32>
          %reduce_min3A_803 = tpu.scan <min>, %reduce_min3A_802 masked %reduce_min3A_799 : vector<16xi32>, vector<16xi1> -> vector<16xi32>
          %reduce_min3A_804 = arith.xori %reduce_min3A_803, %reduce_min3A_801 : vector<16xi32>
          %reduce_min3A_805 = vector.extract %reduce_min3A_804[15] : i32 from vector<16xi32>
          scf.yield %reduce_min3A_805, %select_n3A_725, %select_n3A_730, %select_n3A_735, %select_n3A_740, %select_n3A_745, %select_n3A_750, %select_n3A_755, %select_n3A_760, %select_n3A_765, %select_n3A_770, %select_n3A_775, %select_n3A_780, %select_n3A_785, %add3A_714, %add3A_720 : i32, vector<16xi32>, vector<16xi32>, vector<16xi32>, vector<16xi32>, vector<16xi32>, vector<16xi32>, vector<16xi32>, vector<16xi32>, vector<16xi32>, vector<16xi32>, vector<16xi32>, vector<16xi32>, vector<16xi32>, vector<16xf32>, vector<16xi32>
        }
        %broadcast_in_dim3A_476 = vector.broadcast %reduce_sum3A_430 : i32 to vector<16xi32>
        %reduce_sum3A_477 = arith.constant true
        %reduce_sum3A_478 = vector.broadcast %reduce_sum3A_477 : i1 to vector<16xi1>
        %reduce_sum3A_479 = tpu.scan <sum>, %while3A_475#14 masked %reduce_sum3A_478 : vector<16xf32>, vector<16xi1> -> vector<16xf32>
        %reduce_sum3A_480 = vector.extract %reduce_sum3A_479[15] : f32 from vector<16xf32>
        %broadcast_in_dim3A_481 = vector.broadcast %reduce_sum3A_480 : f32 to vector<16xf32>
        %reduce_sum3A_482 = arith.constant true
        %reduce_sum3A_483 = vector.broadcast %reduce_sum3A_482 : i1 to vector<16xi1>
        %reduce_sum3A_484 = tpu.scan <sum>, %while3A_475#15 masked %reduce_sum3A_483 : vector<16xi32>, vector<16xi1> -> vector<16xi32>
        %reduce_sum3A_485 = vector.extract %reduce_sum3A_484[15] : i32 from vector<16xi32>
        %broadcast_in_dim3A_486 = vector.broadcast %reduce_sum3A_485 : i32 to vector<16xi32>
        %gt3A_487 = arith.constant 0 : i32
        %gt3A_488 = vector.broadcast %gt3A_487 : i32 to vector<16xi32>
        %gt3A_489 = arith.cmpi sgt, %broadcast_in_dim3A_476, %gt3A_488 : vector<16xi32>
        %jit3A_490 = arith.constant 1.000000e+00 : f32
        %jit3A_491 = arith.constant 0.000000e+00 : f32
        %broadcast_in_dim3A_492 = vector.broadcast %jit3A_490 : f32 to vector<16xf32>
        %broadcast_in_dim3A_493 = vector.broadcast %jit3A_491 : f32 to vector<16xf32>
        %select_n3A_494 = arith.select %gt3A_489, %broadcast_in_dim3A_492, %broadcast_in_dim3A_493 : vector<16xi1>, vector<16xf32>
        %add3A_495 = arith.addf %broadcast_in_dim3A_82, %select_n3A_494 : vector<16xf32>
        %gt3A_496 = arith.constant 1 : i32
        %gt3A_497 = vector.broadcast %gt3A_496 : i32 to vector<16xi32>
        %gt3A_498 = arith.cmpi sgt, %broadcast_in_dim3A_476, %gt3A_497 : vector<16xi32>
        %jit3A_499 = arith.constant 0.630929768 : f32
        %jit3A_500 = arith.constant 0.000000e+00 : f32
        %broadcast_in_dim3A_501 = vector.broadcast %jit3A_499 : f32 to vector<16xf32>
        %broadcast_in_dim3A_502 = vector.broadcast %jit3A_500 : f32 to vector<16xf32>
        %select_n3A_503 = arith.select %gt3A_498, %broadcast_in_dim3A_501, %broadcast_in_dim3A_502 : vector<16xi1>, vector<16xf32>
        %add3A_504 = arith.addf %add3A_495, %select_n3A_503 : vector<16xf32>
        %gt3A_505 = arith.constant 2 : i32
        %gt3A_506 = vector.broadcast %gt3A_505 : i32 to vector<16xi32>
        %gt3A_507 = arith.cmpi sgt, %broadcast_in_dim3A_476, %gt3A_506 : vector<16xi32>
        %jit3A_508 = arith.constant 5.000000e-01 : f32
        %jit3A_509 = arith.constant 0.000000e+00 : f32
        %broadcast_in_dim3A_510 = vector.broadcast %jit3A_508 : f32 to vector<16xf32>
        %broadcast_in_dim3A_511 = vector.broadcast %jit3A_509 : f32 to vector<16xf32>
        %select_n3A_512 = arith.select %gt3A_507, %broadcast_in_dim3A_510, %broadcast_in_dim3A_511 : vector<16xi1>, vector<16xf32>
        %add3A_513 = arith.addf %add3A_504, %select_n3A_512 : vector<16xf32>
        %gt3A_514 = arith.constant 3 : i32
        %gt3A_515 = vector.broadcast %gt3A_514 : i32 to vector<16xi32>
        %gt3A_516 = arith.cmpi sgt, %broadcast_in_dim3A_476, %gt3A_515 : vector<16xi32>
        %jit3A_517 = arith.constant 0.43067655 : f32
        %jit3A_518 = arith.constant 0.000000e+00 : f32
        %broadcast_in_dim3A_519 = vector.broadcast %jit3A_517 : f32 to vector<16xf32>
        %broadcast_in_dim3A_520 = vector.broadcast %jit3A_518 : f32 to vector<16xf32>
        %select_n3A_521 = arith.select %gt3A_516, %broadcast_in_dim3A_519, %broadcast_in_dim3A_520 : vector<16xi1>, vector<16xf32>
        %add3A_522 = arith.addf %add3A_513, %select_n3A_521 : vector<16xf32>
        %gt3A_523 = arith.constant 4 : i32
        %gt3A_524 = vector.broadcast %gt3A_523 : i32 to vector<16xi32>
        %gt3A_525 = arith.cmpi sgt, %broadcast_in_dim3A_476, %gt3A_524 : vector<16xi32>
        %jit3A_526 = arith.constant 0.386852801 : f32
        %jit3A_527 = arith.constant 0.000000e+00 : f32
        %broadcast_in_dim3A_528 = vector.broadcast %jit3A_526 : f32 to vector<16xf32>
        %broadcast_in_dim3A_529 = vector.broadcast %jit3A_527 : f32 to vector<16xf32>
        %select_n3A_530 = arith.select %gt3A_525, %broadcast_in_dim3A_528, %broadcast_in_dim3A_529 : vector<16xi1>, vector<16xf32>
        %add3A_531 = arith.addf %add3A_522, %select_n3A_530 : vector<16xf32>
        %gt3A_532 = arith.constant 5 : i32
        %gt3A_533 = vector.broadcast %gt3A_532 : i32 to vector<16xi32>
        %gt3A_534 = arith.cmpi sgt, %broadcast_in_dim3A_476, %gt3A_533 : vector<16xi32>
        %jit3A_535 = arith.constant 0.356207192 : f32
        %jit3A_536 = arith.constant 0.000000e+00 : f32
        %broadcast_in_dim3A_537 = vector.broadcast %jit3A_535 : f32 to vector<16xf32>
        %broadcast_in_dim3A_538 = vector.broadcast %jit3A_536 : f32 to vector<16xf32>
        %select_n3A_539 = arith.select %gt3A_534, %broadcast_in_dim3A_537, %broadcast_in_dim3A_538 : vector<16xi1>, vector<16xf32>
        %add3A_540 = arith.addf %add3A_531, %select_n3A_539 : vector<16xf32>
        %gt3A_541 = arith.constant 6 : i32
        %gt3A_542 = vector.broadcast %gt3A_541 : i32 to vector<16xi32>
        %gt3A_543 = arith.cmpi sgt, %broadcast_in_dim3A_476, %gt3A_542 : vector<16xi32>
        %jit3A_544 = arith.constant 0.333333343 : f32
        %jit3A_545 = arith.constant 0.000000e+00 : f32
        %broadcast_in_dim3A_546 = vector.broadcast %jit3A_544 : f32 to vector<16xf32>
        %broadcast_in_dim3A_547 = vector.broadcast %jit3A_545 : f32 to vector<16xf32>
        %select_n3A_548 = arith.select %gt3A_543, %broadcast_in_dim3A_546, %broadcast_in_dim3A_547 : vector<16xi1>, vector<16xf32>
        %add3A_549 = arith.addf %add3A_540, %select_n3A_548 : vector<16xf32>
        %gt3A_550 = arith.constant 7 : i32
        %gt3A_551 = vector.broadcast %gt3A_550 : i32 to vector<16xi32>
        %gt3A_552 = arith.cmpi sgt, %broadcast_in_dim3A_476, %gt3A_551 : vector<16xi32>
        %jit3A_553 = arith.constant 0.315464884 : f32
        %jit3A_554 = arith.constant 0.000000e+00 : f32
        %broadcast_in_dim3A_555 = vector.broadcast %jit3A_553 : f32 to vector<16xf32>
        %broadcast_in_dim3A_556 = vector.broadcast %jit3A_554 : f32 to vector<16xf32>
        %select_n3A_557 = arith.select %gt3A_552, %broadcast_in_dim3A_555, %broadcast_in_dim3A_556 : vector<16xi1>, vector<16xf32>
        %add3A_558 = arith.addf %add3A_549, %select_n3A_557 : vector<16xf32>
        %gt3A_559 = arith.constant 8 : i32
        %gt3A_560 = vector.broadcast %gt3A_559 : i32 to vector<16xi32>
        %gt3A_561 = arith.cmpi sgt, %broadcast_in_dim3A_476, %gt3A_560 : vector<16xi32>
        %jit3A_562 = arith.constant 3.010300e-01 : f32
        %jit3A_563 = arith.constant 0.000000e+00 : f32
        %broadcast_in_dim3A_564 = vector.broadcast %jit3A_562 : f32 to vector<16xf32>
        %broadcast_in_dim3A_565 = vector.broadcast %jit3A_563 : f32 to vector<16xf32>
        %select_n3A_566 = arith.select %gt3A_561, %broadcast_in_dim3A_564, %broadcast_in_dim3A_565 : vector<16xi1>, vector<16xf32>
        %add3A_567 = arith.addf %add3A_558, %select_n3A_566 : vector<16xf32>
        %gt3A_568 = arith.constant 9 : i32
        %gt3A_569 = vector.broadcast %gt3A_568 : i32 to vector<16xi32>
        %gt3A_570 = arith.cmpi sgt, %broadcast_in_dim3A_476, %gt3A_569 : vector<16xi32>
        %jit3A_571 = arith.constant 0.289064825 : f32
        %jit3A_572 = arith.constant 0.000000e+00 : f32
        %broadcast_in_dim3A_573 = vector.broadcast %jit3A_571 : f32 to vector<16xf32>
        %broadcast_in_dim3A_574 = vector.broadcast %jit3A_572 : f32 to vector<16xf32>
        %select_n3A_575 = arith.select %gt3A_570, %broadcast_in_dim3A_573, %broadcast_in_dim3A_574 : vector<16xi1>, vector<16xf32>
        %add3A_576 = arith.addf %add3A_567, %select_n3A_575 : vector<16xf32>
        %eq3A_577 = arith.constant 0.000000e+00 : f32
        %eq3A_578 = vector.broadcast %eq3A_577 : f32 to vector<16xf32>
        %eq3A_579 = arith.cmpf oeq, %add3A_576, %eq3A_578 : vector<16xf32>
        %jit3A_580 = arith.constant 1.000000e+00 : f32
        %broadcast_in_dim3A_581 = vector.broadcast %jit3A_580 : f32 to vector<16xf32>
        %select_n3A_582 = arith.select %eq3A_579, %broadcast_in_dim3A_581, %add3A_576 : vector<16xi1>, vector<16xf32>
        %div3A = arith.divf %broadcast_in_dim3A_481, %select_n3A_582 : vector<16xf32>
        %min3A_583 = arith.constant 10 : i32
        %min3A_584 = vector.broadcast %min3A_583 : i32 to vector<16xi32>
        %min3A_585 = arith.minsi %broadcast_in_dim3A_476, %min3A_584 : vector<16xi32>
        %max3A = arith.constant 1 : i32
        %max3A_586 = vector.broadcast %max3A : i32 to vector<16xi32>
        %max3A_587 = arith.maxsi %min3A_585, %max3A_586 : vector<16xi32>
        %convert_element_type3A_588 = arith.sitofp %max3A_587 : vector<16xi32> to vector<16xf32>
        %convert_element_type3A_589 = arith.sitofp %broadcast_in_dim3A_486 : vector<16xi32> to vector<16xf32>
        %div3A_590 = arith.divf %convert_element_type3A_589, %convert_element_type3A_588 : vector<16xf32>
        %gt3A_591 = arith.constant 0 : i32
        %gt3A_592 = vector.broadcast %gt3A_591 : i32 to vector<16xi32>
        %gt3A_593 = arith.cmpi sgt, %broadcast_in_dim3A_486, %gt3A_592 : vector<16xi32>
        %convert_element_type3A_594 = arith.extui %gt3A_593 : vector<16xi1> to vector<16xi32>
        %convert_element_type3A_595 = arith.sitofp %convert_element_type3A_594 : vector<16xi32> to vector<16xf32>
        %add3A_596 = arith.addf %cond3A_314#0, %div3A : vector<16xf32>
        %add3A_597 = arith.addf %cond3A_314#1, %div3A_590 : vector<16xf32>
        %add3A_598 = arith.addf %cond3A_314#2, %convert_element_type3A_595 : vector<16xf32>
        scf.yield %add3A_596, %add3A_597, %add3A_598 : vector<16xf32>, vector<16xf32>, vector<16xf32>
      } else {
        scf.yield %cond3A_314#0, %cond3A_314#1, %cond3A_314#2 : vector<16xf32>, vector<16xf32>, vector<16xf32>
      }
      scf.yield %cond3A_436#0, %cond3A_436#1, %cond3A_436#2 : vector<16xf32>, vector<16xf32>, vector<16xf32>
    }
    %while3A_167 = arith.constant 1 : i32
    %while3A_168:3 = scf.for %while3A_198 = %while3A_164 to %while3A_160 step %while3A_167 iter_args(%while3A_199 = %while3A_166#0, %while3A_200 = %while3A_166#1, %while3A_201 = %while3A_166#2) -> (vector<16xf32>, vector<16xf32>, vector<16xf32>)  : i32 {
      %broadcast_in_dim3A_202 = vector.broadcast %while3A_198 : i32 to vector<16xi32>
      %gather3A = tpu.vector_load_idx %arg8[%broadcast_in_dim3A_202] : memref<128xi32, #tpu.memory_space<vmem>>[vector<16xi32>], vector<16xi32>,
      %gather3A_203 = tpu.vector_load_idx %arg6[%broadcast_in_dim3A_202, %min3A_43] : memref<128x200xi32, #tpu.memory_space<vmem>>[vector<16xi32>, vector<16xi32>], vector<16xi32>,
      %eq3A_204 = arith.cmpi eq, %gather3A_203, %gather3A : vector<16xi32>
      %convert_element_type3A = arith.extui %eq3A_204 : vector<16xi1> to vector<16xi32>
      %add3A_205 = arith.addi %broadcast_in_dim3A_80, %convert_element_type3A : vector<16xi32>
      %jit3A_206 = arith.constant 1073741824 : i64
      %convert_element_type3A_207 = arith.trunci %jit3A_206 : i64 to i32
      %broadcast_in_dim3A_208 = vector.broadcast %convert_element_type3A_207 : i32 to vector<16xi32>
      %select_n3A_209 = arith.select %eq3A_204, %add3A_5, %broadcast_in_dim3A_208 : vector<16xi1>, vector<16xi32>
      %gather3A_210 = tpu.vector_load_idx %arg6[%broadcast_in_dim3A_202, %min3A_46] : memref<128x200xi32, #tpu.memory_space<vmem>>[vector<16xi32>, vector<16xi32>], vector<16xi32>,
      %eq3A_211 = arith.cmpi eq, %gather3A_210, %gather3A : vector<16xi32>
      %convert_element_type3A_212 = arith.extui %eq3A_211 : vector<16xi1> to vector<16xi32>
      %add3A_213 = arith.addi %add3A_205, %convert_element_type3A_212 : vector<16xi32>
      %jit3A_214 = arith.constant 1073741824 : i64
      %convert_element_type3A_215 = arith.trunci %jit3A_214 : i64 to i32
      %broadcast_in_dim3A_216 = vector.broadcast %convert_element_type3A_215 : i32 to vector<16xi32>
      %select_n3A_217 = arith.select %eq3A_211, %add3A_8, %broadcast_in_dim3A_216 : vector<16xi1>, vector<16xi32>
      %gather3A_218 = tpu.vector_load_idx %arg6[%broadcast_in_dim3A_202, %min3A_49] : memref<128x200xi32, #tpu.memory_space<vmem>>[vector<16xi32>, vector<16xi32>], vector<16xi32>,
      %eq3A_219 = arith.cmpi eq, %gather3A_218, %gather3A : vector<16xi32>
      %convert_element_type3A_220 = arith.extui %eq3A_219 : vector<16xi1> to vector<16xi32>
      %add3A_221 = arith.addi %add3A_213, %convert_element_type3A_220 : vector<16xi32>
      %jit3A_222 = arith.constant 1073741824 : i64
      %convert_element_type3A_223 = arith.trunci %jit3A_222 : i64 to i32
      %broadcast_in_dim3A_224 = vector.broadcast %convert_element_type3A_223 : i32 to vector<16xi32>
      %select_n3A_225 = arith.select %eq3A_219, %add3A_11, %broadcast_in_dim3A_224 : vector<16xi1>, vector<16xi32>
      %gather3A_226 = tpu.vector_load_idx %arg6[%broadcast_in_dim3A_202, %min3A_52] : memref<128x200xi32, #tpu.memory_space<vmem>>[vector<16xi32>, vector<16xi32>], vector<16xi32>,
      %eq3A_227 = arith.cmpi eq, %gather3A_226, %gather3A : vector<16xi32>
      %convert_element_type3A_228 = arith.extui %eq3A_227 : vector<16xi1> to vector<16xi32>
      %add3A_229 = arith.addi %add3A_221, %convert_element_type3A_228 : vector<16xi32>
      %jit3A_230 = arith.constant 1073741824 : i64
      %convert_element_type3A_231 = arith.trunci %jit3A_230 : i64 to i32
      %broadcast_in_dim3A_232 = vector.broadcast %convert_element_type3A_231 : i32 to vector<16xi32>
      %select_n3A_233 = arith.select %eq3A_227, %add3A_14, %broadcast_in_dim3A_232 : vector<16xi1>, vector<16xi32>
      %gather3A_234 = tpu.vector_load_idx %arg6[%broadcast_in_dim3A_202, %min3A_55] : memref<128x200xi32, #tpu.memory_space<vmem>>[vector<16xi32>, vector<16xi32>], vector<16xi32>,
      %eq3A_235 = arith.cmpi eq, %gather3A_234, %gather3A : vector<16xi32>
      %convert_element_type3A_236 = arith.extui %eq3A_235 : vector<16xi1> to vector<16xi32>
      %add3A_237 = arith.addi %add3A_229, %convert_element_type3A_236 : vector<16xi32>
      %jit3A_238 = arith.constant 1073741824 : i64
      %convert_element_type3A_239 = arith.trunci %jit3A_238 : i64 to i32
      %broadcast_in_dim3A_240 = vector.broadcast %convert_element_type3A_239 : i32 to vector<16xi32>
      %select_n3A_241 = arith.select %eq3A_235, %add3A_17, %broadcast_in_dim3A_240 : vector<16xi1>, vector<16xi32>
      %gather3A_242 = tpu.vector_load_idx %arg6[%broadcast_in_dim3A_202, %min3A_58] : memref<128x200xi32, #tpu.memory_space<vmem>>[vector<16xi32>, vector<16xi32>], vector<16xi32>,
      %eq3A_243 = arith.cmpi eq, %gather3A_242, %gather3A : vector<16xi32>
      %convert_element_type3A_244 = arith.extui %eq3A_243 : vector<16xi1> to vector<16xi32>
      %add3A_245 = arith.addi %add3A_237, %convert_element_type3A_244 : vector<16xi32>
      %jit3A_246 = arith.constant 1073741824 : i64
      %convert_element_type3A_247 = arith.trunci %jit3A_246 : i64 to i32
      %broadcast_in_dim3A_248 = vector.broadcast %convert_element_type3A_247 : i32 to vector<16xi32>
      %select_n3A_249 = arith.select %eq3A_243, %add3A_20, %broadcast_in_dim3A_248 : vector<16xi1>, vector<16xi32>
      %gather3A_250 = tpu.vector_load_idx %arg6[%broadcast_in_dim3A_202, %min3A_61] : memref<128x200xi32, #tpu.memory_space<vmem>>[vector<16xi32>, vector<16xi32>], vector<16xi32>,
      %eq3A_251 = arith.cmpi eq, %gather3A_250, %gather3A : vector<16xi32>
      %convert_element_type3A_252 = arith.extui %eq3A_251 : vector<16xi1> to vector<16xi32>
      %add3A_253 = arith.addi %add3A_245, %convert_element_type3A_252 : vector<16xi32>
      %jit3A_254 = arith.constant 1073741824 : i64
      %convert_element_type3A_255 = arith.trunci %jit3A_254 : i64 to i32
      %broadcast_in_dim3A_256 = vector.broadcast %convert_element_type3A_255 : i32 to vector<16xi32>
      %select_n3A_257 = arith.select %eq3A_251, %add3A_23, %broadcast_in_dim3A_256 : vector<16xi1>, vector<16xi32>
      %gather3A_258 = tpu.vector_load_idx %arg6[%broadcast_in_dim3A_202, %min3A_64] : memref<128x200xi32, #tpu.memory_space<vmem>>[vector<16xi32>, vector<16xi32>], vector<16xi32>,
      %eq3A_259 = arith.cmpi eq, %gather3A_258, %gather3A : vector<16xi32>
      %convert_element_type3A_260 = arith.extui %eq3A_259 : vector<16xi1> to vector<16xi32>
      %add3A_261 = arith.addi %add3A_253, %convert_element_type3A_260 : vector<16xi32>
      %jit3A_262 = arith.constant 1073741824 : i64
      %convert_element_type3A_263 = arith.trunci %jit3A_262 : i64 to i32
      %broadcast_in_dim3A_264 = vector.broadcast %convert_element_type3A_263 : i32 to vector<16xi32>
      %select_n3A_265 = arith.select %eq3A_259, %add3A_26, %broadcast_in_dim3A_264 : vector<16xi1>, vector<16xi32>
      %gather3A_266 = tpu.vector_load_idx %arg6[%broadcast_in_dim3A_202, %min3A_67] : memref<128x200xi32, #tpu.memory_space<vmem>>[vector<16xi32>, vector<16xi32>], vector<16xi32>,
      %eq3A_267 = arith.cmpi eq, %gather3A_266, %gather3A : vector<16xi32>
      %convert_element_type3A_268 = arith.extui %eq3A_267 : vector<16xi1> to vector<16xi32>
      %add3A_269 = arith.addi %add3A_261, %convert_element_type3A_268 : vector<16xi32>
      %jit3A_270 = arith.constant 1073741824 : i64
      %convert_element_type3A_271 = arith.trunci %jit3A_270 : i64 to i32
      %broadcast_in_dim3A_272 = vector.broadcast %convert_element_type3A_271 : i32 to vector<16xi32>
      %select_n3A_273 = arith.select %eq3A_267, %add3A_29, %broadcast_in_dim3A_272 : vector<16xi1>, vector<16xi32>
      %gather3A_274 = tpu.vector_load_idx %arg6[%broadcast_in_dim3A_202, %min3A_70] : memref<128x200xi32, #tpu.memory_space<vmem>>[vector<16xi32>, vector<16xi32>], vector<16xi32>,
      %eq3A_275 = arith.cmpi eq, %gather3A_274, %gather3A : vector<16xi32>
      %convert_element_type3A_276 = arith.extui %eq3A_275 : vector<16xi1> to vector<16xi32>
      %add3A_277 = arith.addi %add3A_269, %convert_element_type3A_276 : vector<16xi32>
      %jit3A_278 = arith.constant 1073741824 : i64
      %convert_element_type3A_279 = arith.trunci %jit3A_278 : i64 to i32
      %broadcast_in_dim3A_280 = vector.broadcast %convert_element_type3A_279 : i32 to vector<16xi32>
      %select_n3A_281 = arith.select %eq3A_275, %add3A_32, %broadcast_in_dim3A_280 : vector<16xi1>, vector<16xi32>
      %gather3A_282 = tpu.vector_load_idx %arg6[%broadcast_in_dim3A_202, %min3A_73] : memref<128x200xi32, #tpu.memory_space<vmem>>[vector<16xi32>, vector<16xi32>], vector<16xi32>,
      %eq3A_283 = arith.cmpi eq, %gather3A_282, %gather3A : vector<16xi32>
      %convert_element_type3A_284 = arith.extui %eq3A_283 : vector<16xi1> to vector<16xi32>
      %add3A_285 = arith.addi %add3A_277, %convert_element_type3A_284 : vector<16xi32>
      %jit3A_286 = arith.constant 1073741824 : i64
      %convert_element_type3A_287 = arith.trunci %jit3A_286 : i64 to i32
      %broadcast_in_dim3A_288 = vector.broadcast %convert_element_type3A_287 : i32 to vector<16xi32>
      %select_n3A_289 = arith.select %eq3A_283, %add3A_35, %broadcast_in_dim3A_288 : vector<16xi1>, vector<16xi32>
      %gather3A_290 = tpu.vector_load_idx %arg6[%broadcast_in_dim3A_202, %min3A_76] : memref<128x200xi32, #tpu.memory_space<vmem>>[vector<16xi32>, vector<16xi32>], vector<16xi32>,
      %eq3A_291 = arith.cmpi eq, %gather3A_290, %gather3A : vector<16xi32>
      %convert_element_type3A_292 = arith.extui %eq3A_291 : vector<16xi1> to vector<16xi32>
      %add3A_293 = arith.addi %add3A_285, %convert_element_type3A_292 : vector<16xi32>
      %jit3A_294 = arith.constant 1073741824 : i64
      %convert_element_type3A_295 = arith.trunci %jit3A_294 : i64 to i32
      %broadcast_in_dim3A_296 = vector.broadcast %convert_element_type3A_295 : i32 to vector<16xi32>
      %select_n3A_297 = arith.select %eq3A_291, %add3A_38, %broadcast_in_dim3A_296 : vector<16xi1>, vector<16xi32>
      %gather3A_298 = tpu.vector_load_idx %arg6[%broadcast_in_dim3A_202, %min3A_79] : memref<128x200xi32, #tpu.memory_space<vmem>>[vector<16xi32>, vector<16xi32>], vector<16xi32>,
      %eq3A_299 = arith.cmpi eq, %gather3A_298, %gather3A : vector<16xi32>
      %lt3A = arith.constant 200 : i32
      %lt3A_300 = vector.broadcast %lt3A : i32 to vector<16xi32>
      %lt3A_301 = arith.cmpi slt, %add3A_41, %lt3A_300 : vector<16xi32>
      %and3A = arith.andi %eq3A_299, %lt3A_301 : vector<16xi1>
      %convert_element_type3A_302 = arith.extui %and3A : vector<16xi1> to vector<16xi32>
      %add3A_303 = arith.addi %add3A_293, %convert_element_type3A_302 : vector<16xi32>
      %jit3A_304 = arith.constant 1073741824 : i64
      %convert_element_type3A_305 = arith.trunci %jit3A_304 : i64 to i32
      %broadcast_in_dim3A_306 = vector.broadcast %convert_element_type3A_305 : i32 to vector<16xi32>
      %select_n3A_307 = arith.select %and3A, %add3A_41, %broadcast_in_dim3A_306 : vector<16xi1>, vector<16xi32>
      %reduce_sum3A = arith.constant true
      %reduce_sum3A_308 = vector.broadcast %reduce_sum3A : i1 to vector<16xi1>
      %reduce_sum3A_309 = tpu.scan <sum>, %add3A_303 masked %reduce_sum3A_308 : vector<16xi32>, vector<16xi1> -> vector<16xi32>
      %reduce_sum3A_310 = vector.extract %reduce_sum3A_309[15] : i32 from vector<16xi32>
      %gt3A = arith.constant 0 : i32
      %gt3A_311 = arith.cmpi sgt, %reduce_sum3A_310, %gt3A : i32
      %convert_element_type3A_312 = arith.extui %gt3A_311 : i1 to i32
      %cond3A = arith.constant 0 : i32
      %cond3A_313 = arith.cmpi ne, %convert_element_type3A_312, %cond3A : i32
      %cond3A_314:3 = scf.if %cond3A_313 -> (vector<16xf32>, vector<16xf32>, vector<16xf32>) {
        %gather3A_437 = tpu.vector_load_idx %arg7[%broadcast_in_dim3A_202, %min3A_43] : memref<128x200xf32, #tpu.memory_space<vmem>>[vector<16xi32>, vector<16xi32>], vector<16xf32>,
        %gather3A_438 = tpu.vector_load_idx %arg7[%broadcast_in_dim3A_202, %min3A_46] : memref<128x200xf32, #tpu.memory_space<vmem>>[vector<16xi32>, vector<16xi32>], vector<16xf32>,
        %gather3A_439 = tpu.vector_load_idx %arg7[%broadcast_in_dim3A_202, %min3A_49] : memref<128x200xf32, #tpu.memory_space<vmem>>[vector<16xi32>, vector<16xi32>], vector<16xf32>,
        %gather3A_440 = tpu.vector_load_idx %arg7[%broadcast_in_dim3A_202, %min3A_52] : memref<128x200xf32, #tpu.memory_space<vmem>>[vector<16xi32>, vector<16xi32>], vector<16xf32>,
        %gather3A_441 = tpu.vector_load_idx %arg7[%broadcast_in_dim3A_202, %min3A_55] : memref<128x200xf32, #tpu.memory_space<vmem>>[vector<16xi32>, vector<16xi32>], vector<16xf32>,
        %gather3A_442 = tpu.vector_load_idx %arg7[%broadcast_in_dim3A_202, %min3A_58] : memref<128x200xf32, #tpu.memory_space<vmem>>[vector<16xi32>, vector<16xi32>], vector<16xf32>,
        %gather3A_443 = tpu.vector_load_idx %arg7[%broadcast_in_dim3A_202, %min3A_61] : memref<128x200xf32, #tpu.memory_space<vmem>>[vector<16xi32>, vector<16xi32>], vector<16xf32>,
        %gather3A_444 = tpu.vector_load_idx %arg7[%broadcast_in_dim3A_202, %min3A_64] : memref<128x200xf32, #tpu.memory_space<vmem>>[vector<16xi32>, vector<16xi32>], vector<16xf32>,
        %gather3A_445 = tpu.vector_load_idx %arg7[%broadcast_in_dim3A_202, %min3A_67] : memref<128x200xf32, #tpu.memory_space<vmem>>[vector<16xi32>, vector<16xi32>], vector<16xf32>,
        %gather3A_446 = tpu.vector_load_idx %arg7[%broadcast_in_dim3A_202, %min3A_70] : memref<128x200xf32, #tpu.memory_space<vmem>>[vector<16xi32>, vector<16xi32>], vector<16xf32>,
        %gather3A_447 = tpu.vector_load_idx %arg7[%broadcast_in_dim3A_202, %min3A_73] : memref<128x200xf32, #tpu.memory_space<vmem>>[vector<16xi32>, vector<16xi32>], vector<16xf32>,
        %gather3A_448 = tpu.vector_load_idx %arg7[%broadcast_in_dim3A_202, %min3A_76] : memref<128x200xf32, #tpu.memory_space<vmem>>[vector<16xi32>, vector<16xi32>], vector<16xf32>,
        %gather3A_449 = tpu.vector_load_idx %arg7[%broadcast_in_dim3A_202, %min3A_79] : memref<128x200xf32, #tpu.memory_space<vmem>>[vector<16xi32>, vector<16xi32>], vector<16xf32>,
        %lt3A_450 = arith.constant 200 : i32
        %lt3A_451 = vector.broadcast %lt3A_450 : i32 to vector<16xi32>
        %lt3A_452 = arith.cmpi slt, %add3A_41, %lt3A_451 : vector<16xi32>
        %jit3A_453 = arith.constant 0xFF800000 : f32
        %broadcast_in_dim3A_454 = vector.broadcast %jit3A_453 : f32 to vector<16xf32>
        %select_n3A_455 = arith.select %lt3A_452, %gather3A_449, %broadcast_in_dim3A_454 : vector<16xi1>, vector<16xf32>
        %min3A_456 = arith.minsi %select_n3A_209, %select_n3A_217 : vector<16xi32>
        %min3A_457 = arith.minsi %select_n3A_225, %select_n3A_233 : vector<16xi32>
        %min3A_458 = arith.minsi %select_n3A_241, %select_n3A_249 : vector<16xi32>
        %min3A_459 = arith.minsi %select_n3A_257, %select_n3A_265 : vector<16xi32>
        %min3A_460 = arith.minsi %select_n3A_273, %select_n3A_281 : vector<16xi32>
        %min3A_461 = arith.minsi %select_n3A_289, %select_n3A_297 : vector<16xi32>
        %min3A_462 = arith.minsi %min3A_456, %min3A_457 : vector<16xi32>
        %min3A_463 = arith.minsi %min3A_458, %min3A_459 : vector<16xi32>
        %min3A_464 = arith.minsi %min3A_460, %min3A_461 : vector<16xi32>
        %min3A_465 = arith.minsi %min3A_462, %min3A_463 : vector<16xi32>
        %min3A_466 = arith.minsi %min3A_464, %select_n3A_307 : vector<16xi32>
        %min3A_467 = arith.minsi %min3A_465, %min3A_466 : vector<16xi32>
        %reduce_min3A = arith.constant true
        %reduce_min3A_468 = vector.broadcast %reduce_min3A : i1 to vector<16xi1>
        %reduce_min3A_469 = arith.constant -2147483648 : i32
        %reduce_min3A_470 = vector.broadcast %reduce_min3A_469 : i32 to vector<16xi32>
        %reduce_min3A_471 = arith.xori %min3A_467, %reduce_min3A_470 : vector<16xi32>
        %reduce_min3A_472 = tpu.scan <min>, %reduce_min3A_471 masked %reduce_min3A_468 : vector<16xi32>, vector<16xi1> -> vector<16xi32>
        %reduce_min3A_473 = arith.xori %reduce_min3A_472, %reduce_min3A_470 : vector<16xi32>
        %reduce_min3A_474 = vector.extract %reduce_min3A_473[15] : i32 from vector<16xi32>
        %while3A_475:16 = scf.while (%while3A_599 = %reduce_min3A_474, %while3A_600 = %select_n3A_209, %while3A_601 = %select_n3A_217, %while3A_602 = %select_n3A_225, %while3A_603 = %select_n3A_233, %while3A_604 = %select_n3A_241, %while3A_605 = %select_n3A_249, %while3A_606 = %select_n3A_257, %while3A_607 = %select_n3A_265, %while3A_608 = %select_n3A_273, %while3A_609 = %select_n3A_281, %while3A_610 = %select_n3A_289, %while3A_611 = %select_n3A_297, %while3A_612 = %select_n3A_307, %while3A_613 = %broadcast_in_dim3A_82, %while3A_614 = %broadcast_in_dim3A_80) : (i32, vector<16xi32>, vector<16xi32>, vector<16xi32>, vector<16xi32>, vector<16xi32>, vector<16xi32>, vector<16xi32>, vector<16xi32>, vector<16xi32>, vector<16xi32>, vector<16xi32>, vector<16xi32>, vector<16xi32>, vector<16xf32>, vector<16xi32>) -> (i32, vector<16xi32>, vector<16xi32>, vector<16xi32>, vector<16xi32>, vector<16xi32>, vector<16xi32>, vector<16xi32>, vector<16xi32>, vector<16xi32>, vector<16xi32>, vector<16xi32>, vector<16xi32>, vector<16xi32>, vector<16xf32>, vector<16xi32>) {
          %lt3A_615 = arith.constant 1073741824 : i32
          %lt3A_616 = arith.cmpi slt, %while3A_599, %lt3A_615 : i32
          scf.condition(%lt3A_616) %while3A_599, %while3A_600, %while3A_601, %while3A_602, %while3A_603, %while3A_604, %while3A_605, %while3A_606, %while3A_607, %while3A_608, %while3A_609, %while3A_610, %while3A_611, %while3A_612, %while3A_613, %while3A_614 : i32, vector<16xi32>, vector<16xi32>, vector<16xi32>, vector<16xi32>, vector<16xi32>, vector<16xi32>, vector<16xi32>, vector<16xi32>, vector<16xi32>, vector<16xi32>, vector<16xi32>, vector<16xi32>, vector<16xi32>, vector<16xf32>, vector<16xi32>
        } do {
        ^bb0(%while3A_599: i32, %while3A_600: vector<16xi32>, %while3A_601: vector<16xi32>, %while3A_602: vector<16xi32>, %while3A_603: vector<16xi32>, %while3A_604: vector<16xi32>, %while3A_605: vector<16xi32>, %while3A_606: vector<16xi32>, %while3A_607: vector<16xi32>, %while3A_608: vector<16xi32>, %while3A_609: vector<16xi32>, %while3A_610: vector<16xi32>, %while3A_611: vector<16xi32>, %while3A_612: vector<16xi32>, %while3A_613: vector<16xf32>, %while3A_614: vector<16xi32>):
          %broadcast_in_dim3A_615 = vector.broadcast %while3A_599 : i32 to vector<16xi32>
          %gather3A_616 = tpu.vector_load_idx %arg7[%broadcast_in_dim3A_202, %broadcast_in_dim3A_615] : memref<128x200xf32, #tpu.memory_space<vmem>>[vector<16xi32>, vector<16xi32>], vector<16xf32>,
          %gt3A_617 = arith.cmpf ogt, %gather3A_437, %gather3A_616 : vector<16xf32>
          %eq3A_618 = arith.cmpf oeq, %gather3A_437, %gather3A_616 : vector<16xf32>
          %lt3A_619 = arith.cmpi slt, %add3A_5, %broadcast_in_dim3A_615 : vector<16xi32>
          %and3A_620 = arith.andi %eq3A_618, %lt3A_619 : vector<16xi1>
          %or3A = arith.ori %gt3A_617, %and3A_620 : vector<16xi1>
          %convert_element_type3A_621 = arith.extui %or3A : vector<16xi1> to vector<16xi32>
          %add3A_622 = arith.addi %broadcast_in_dim3A_80, %convert_element_type3A_621 : vector<16xi32>
          %gt3A_623 = arith.cmpf ogt, %gather3A_438, %gather3A_616 : vector<16xf32>
          %eq3A_624 = arith.cmpf oeq, %gather3A_438, %gather3A_616 : vector<16xf32>
          %lt3A_625 = arith.cmpi slt, %add3A_8, %broadcast_in_dim3A_615 : vector<16xi32>
          %and3A_626 = arith.andi %eq3A_624, %lt3A_625 : vector<16xi1>
          %or3A_627 = arith.ori %gt3A_623, %and3A_626 : vector<16xi1>
          %convert_element_type3A_628 = arith.extui %or3A_627 : vector<16xi1> to vector<16xi32>
          %add3A_629 = arith.addi %add3A_622, %convert_element_type3A_628 : vector<16xi32>
          %gt3A_630 = arith.cmpf ogt, %gather3A_439, %gather3A_616 : vector<16xf32>
          %eq3A_631 = arith.cmpf oeq, %gather3A_439, %gather3A_616 : vector<16xf32>
          %lt3A_632 = arith.cmpi slt, %add3A_11, %broadcast_in_dim3A_615 : vector<16xi32>
          %and3A_633 = arith.andi %eq3A_631, %lt3A_632 : vector<16xi1>
          %or3A_634 = arith.ori %gt3A_630, %and3A_633 : vector<16xi1>
          %convert_element_type3A_635 = arith.extui %or3A_634 : vector<16xi1> to vector<16xi32>
          %add3A_636 = arith.addi %add3A_629, %convert_element_type3A_635 : vector<16xi32>
          %gt3A_637 = arith.cmpf ogt, %gather3A_440, %gather3A_616 : vector<16xf32>
          %eq3A_638 = arith.cmpf oeq, %gather3A_440, %gather3A_616 : vector<16xf32>
          %lt3A_639 = arith.cmpi slt, %add3A_14, %broadcast_in_dim3A_615 : vector<16xi32>
          %and3A_640 = arith.andi %eq3A_638, %lt3A_639 : vector<16xi1>
          %or3A_641 = arith.ori %gt3A_637, %and3A_640 : vector<16xi1>
          %convert_element_type3A_642 = arith.extui %or3A_641 : vector<16xi1> to vector<16xi32>
          %add3A_643 = arith.addi %add3A_636, %convert_element_type3A_642 : vector<16xi32>
          %gt3A_644 = arith.cmpf ogt, %gather3A_441, %gather3A_616 : vector<16xf32>
          %eq3A_645 = arith.cmpf oeq, %gather3A_441, %gather3A_616 : vector<16xf32>
          %lt3A_646 = arith.cmpi slt, %add3A_17, %broadcast_in_dim3A_615 : vector<16xi32>
          %and3A_647 = arith.andi %eq3A_645, %lt3A_646 : vector<16xi1>
          %or3A_648 = arith.ori %gt3A_644, %and3A_647 : vector<16xi1>
          %convert_element_type3A_649 = arith.extui %or3A_648 : vector<16xi1> to vector<16xi32>
          %add3A_650 = arith.addi %add3A_643, %convert_element_type3A_649 : vector<16xi32>
          %gt3A_651 = arith.cmpf ogt, %gather3A_442, %gather3A_616 : vector<16xf32>
          %eq3A_652 = arith.cmpf oeq, %gather3A_442, %gather3A_616 : vector<16xf32>
          %lt3A_653 = arith.cmpi slt, %add3A_20, %broadcast_in_dim3A_615 : vector<16xi32>
          %and3A_654 = arith.andi %eq3A_652, %lt3A_653 : vector<16xi1>
          %or3A_655 = arith.ori %gt3A_651, %and3A_654 : vector<16xi1>
          %convert_element_type3A_656 = arith.extui %or3A_655 : vector<16xi1> to vector<16xi32>
          %add3A_657 = arith.addi %add3A_650, %convert_element_type3A_656 : vector<16xi32>
          %gt3A_658 = arith.cmpf ogt, %gather3A_443, %gather3A_616 : vector<16xf32>
          %eq3A_659 = arith.cmpf oeq, %gather3A_443, %gather3A_616 : vector<16xf32>
          %lt3A_660 = arith.cmpi slt, %add3A_23, %broadcast_in_dim3A_615 : vector<16xi32>
          %and3A_661 = arith.andi %eq3A_659, %lt3A_660 : vector<16xi1>
          %or3A_662 = arith.ori %gt3A_658, %and3A_661 : vector<16xi1>
          %convert_element_type3A_663 = arith.extui %or3A_662 : vector<16xi1> to vector<16xi32>
          %add3A_664 = arith.addi %add3A_657, %convert_element_type3A_663 : vector<16xi32>
          %gt3A_665 = arith.cmpf ogt, %gather3A_444, %gather3A_616 : vector<16xf32>
          %eq3A_666 = arith.cmpf oeq, %gather3A_444, %gather3A_616 : vector<16xf32>
          %lt3A_667 = arith.cmpi slt, %add3A_26, %broadcast_in_dim3A_615 : vector<16xi32>
          %and3A_668 = arith.andi %eq3A_666, %lt3A_667 : vector<16xi1>
          %or3A_669 = arith.ori %gt3A_665, %and3A_668 : vector<16xi1>
          %convert_element_type3A_670 = arith.extui %or3A_669 : vector<16xi1> to vector<16xi32>
          %add3A_671 = arith.addi %add3A_664, %convert_element_type3A_670 : vector<16xi32>
          %gt3A_672 = arith.cmpf ogt, %gather3A_445, %gather3A_616 : vector<16xf32>
          %eq3A_673 = arith.cmpf oeq, %gather3A_445, %gather3A_616 : vector<16xf32>
          %lt3A_674 = arith.cmpi slt, %add3A_29, %broadcast_in_dim3A_615 : vector<16xi32>
          %and3A_675 = arith.andi %eq3A_673, %lt3A_674 : vector<16xi1>
          %or3A_676 = arith.ori %gt3A_672, %and3A_675 : vector<16xi1>
          %convert_element_type3A_677 = arith.extui %or3A_676 : vector<16xi1> to vector<16xi32>
          %add3A_678 = arith.addi %add3A_671, %convert_element_type3A_677 : vector<16xi32>
          %gt3A_679 = arith.cmpf ogt, %gather3A_446, %gather3A_616 : vector<16xf32>
          %eq3A_680 = arith.cmpf oeq, %gather3A_446, %gather3A_616 : vector<16xf32>
          %lt3A_681 = arith.cmpi slt, %add3A_32, %broadcast_in_dim3A_615 : vector<16xi32>
          %and3A_682 = arith.andi %eq3A_680, %lt3A_681 : vector<16xi1>
          %or3A_683 = arith.ori %gt3A_679, %and3A_682 : vector<16xi1>
          %convert_element_type3A_684 = arith.extui %or3A_683 : vector<16xi1> to vector<16xi32>
          %add3A_685 = arith.addi %add3A_678, %convert_element_type3A_684 : vector<16xi32>
          %gt3A_686 = arith.cmpf ogt, %gather3A_447, %gather3A_616 : vector<16xf32>
          %eq3A_687 = arith.cmpf oeq, %gather3A_447, %gather3A_616 : vector<16xf32>
          %lt3A_688 = arith.cmpi slt, %add3A_35, %broadcast_in_dim3A_615 : vector<16xi32>
          %and3A_689 = arith.andi %eq3A_687, %lt3A_688 : vector<16xi1>
          %or3A_690 = arith.ori %gt3A_686, %and3A_689 : vector<16xi1>
          %convert_element_type3A_691 = arith.extui %or3A_690 : vector<16xi1> to vector<16xi32>
          %add3A_692 = arith.addi %add3A_685, %convert_element_type3A_691 : vector<16xi32>
          %gt3A_693 = arith.cmpf ogt, %gather3A_448, %gather3A_616 : vector<16xf32>
          %eq3A_694 = arith.cmpf oeq, %gather3A_448, %gather3A_616 : vector<16xf32>
          %lt3A_695 = arith.cmpi slt, %add3A_38, %broadcast_in_dim3A_615 : vector<16xi32>
          %and3A_696 = arith.andi %eq3A_694, %lt3A_695 : vector<16xi1>
          %or3A_697 = arith.ori %gt3A_693, %and3A_696 : vector<16xi1>
          %convert_element_type3A_698 = arith.extui %or3A_697 : vector<16xi1> to vector<16xi32>
          %add3A_699 = arith.addi %add3A_692, %convert_element_type3A_698 : vector<16xi32>
          %gt3A_700 = arith.cmpf ogt, %select_n3A_455, %gather3A_616 : vector<16xf32>
          %eq3A_701 = arith.cmpf oeq, %select_n3A_455, %gather3A_616 : vector<16xf32>
          %lt3A_702 = arith.cmpi slt, %add3A_41, %broadcast_in_dim3A_615 : vector<16xi32>
          %and3A_703 = arith.andi %eq3A_701, %lt3A_702 : vector<16xi1>
          %or3A_704 = arith.ori %gt3A_700, %and3A_703 : vector<16xi1>
          %convert_element_type3A_705 = arith.extui %or3A_704 : vector<16xi1> to vector<16xi32>
          %add3A_706 = arith.addi %add3A_699, %convert_element_type3A_705 : vector<16xi32>
          %reduce_sum3A_707 = arith.constant true
          %reduce_sum3A_708 = vector.broadcast %reduce_sum3A_707 : i1 to vector<16xi1>
          %reduce_sum3A_709 = tpu.scan <sum>, %add3A_706 masked %reduce_sum3A_708 : vector<16xi32>, vector<16xi1> -> vector<16xi32>
          %reduce_sum3A_710 = vector.extract %reduce_sum3A_709[15] : i32 from vector<16xi32>
          %broadcast_in_dim3A_711 = vector.broadcast %reduce_sum3A_710 : i32 to vector<16xi32>
          %eq3A_712 = arith.cmpi eq, %broadcast_in_dim3A_711, %iota3A : vector<16xi32>
          %select_n3A_713 = arith.select %eq3A_712, %select_n3A_139, %broadcast_in_dim3A_82 : vector<16xi1>, vector<16xf32>
          %add3A_714 = arith.addf %while3A_613, %select_n3A_713 : vector<16xf32>
          %lt3A_715 = arith.constant 10 : i32
          %lt3A_716 = vector.broadcast %lt3A_715 : i32 to vector<16xi32>
          %lt3A_717 = arith.cmpi slt, %iota3A, %lt3A_716 : vector<16xi32>
          %and3A_718 = arith.andi %eq3A_712, %lt3A_717 : vector<16xi1>
          %convert_element_type3A_719 = arith.extui %and3A_718 : vector<16xi1> to vector<16xi32>
          %add3A_720 = arith.addi %while3A_614, %convert_element_type3A_719 : vector<16xi32>
          %eq3A_721 = arith.cmpi eq, %while3A_600, %broadcast_in_dim3A_615 : vector<16xi32>
          %jit3A_722 = arith.constant 1073741824 : i64
          %convert_element_type3A_723 = arith.trunci %jit3A_722 : i64 to i32
          %broadcast_in_dim3A_724 = vector.broadcast %convert_element_type3A_723 : i32 to vector<16xi32>
          %select_n3A_725 = arith.select %eq3A_721, %broadcast_in_dim3A_724, %while3A_600 : vector<16xi1>, vector<16xi32>
          %eq3A_726 = arith.cmpi eq, %while3A_601, %broadcast_in_dim3A_615 : vector<16xi32>
          %jit3A_727 = arith.constant 1073741824 : i64
          %convert_element_type3A_728 = arith.trunci %jit3A_727 : i64 to i32
          %broadcast_in_dim3A_729 = vector.broadcast %convert_element_type3A_728 : i32 to vector<16xi32>
          %select_n3A_730 = arith.select %eq3A_726, %broadcast_in_dim3A_729, %while3A_601 : vector<16xi1>, vector<16xi32>
          %eq3A_731 = arith.cmpi eq, %while3A_602, %broadcast_in_dim3A_615 : vector<16xi32>
          %jit3A_732 = arith.constant 1073741824 : i64
          %convert_element_type3A_733 = arith.trunci %jit3A_732 : i64 to i32
          %broadcast_in_dim3A_734 = vector.broadcast %convert_element_type3A_733 : i32 to vector<16xi32>
          %select_n3A_735 = arith.select %eq3A_731, %broadcast_in_dim3A_734, %while3A_602 : vector<16xi1>, vector<16xi32>
          %eq3A_736 = arith.cmpi eq, %while3A_603, %broadcast_in_dim3A_615 : vector<16xi32>
          %jit3A_737 = arith.constant 1073741824 : i64
          %convert_element_type3A_738 = arith.trunci %jit3A_737 : i64 to i32
          %broadcast_in_dim3A_739 = vector.broadcast %convert_element_type3A_738 : i32 to vector<16xi32>
          %select_n3A_740 = arith.select %eq3A_736, %broadcast_in_dim3A_739, %while3A_603 : vector<16xi1>, vector<16xi32>
          %eq3A_741 = arith.cmpi eq, %while3A_604, %broadcast_in_dim3A_615 : vector<16xi32>
          %jit3A_742 = arith.constant 1073741824 : i64
          %convert_element_type3A_743 = arith.trunci %jit3A_742 : i64 to i32
          %broadcast_in_dim3A_744 = vector.broadcast %convert_element_type3A_743 : i32 to vector<16xi32>
          %select_n3A_745 = arith.select %eq3A_741, %broadcast_in_dim3A_744, %while3A_604 : vector<16xi1>, vector<16xi32>
          %eq3A_746 = arith.cmpi eq, %while3A_605, %broadcast_in_dim3A_615 : vector<16xi32>
          %jit3A_747 = arith.constant 1073741824 : i64
          %convert_element_type3A_748 = arith.trunci %jit3A_747 : i64 to i32
          %broadcast_in_dim3A_749 = vector.broadcast %convert_element_type3A_748 : i32 to vector<16xi32>
          %select_n3A_750 = arith.select %eq3A_746, %broadcast_in_dim3A_749, %while3A_605 : vector<16xi1>, vector<16xi32>
          %eq3A_751 = arith.cmpi eq, %while3A_606, %broadcast_in_dim3A_615 : vector<16xi32>
          %jit3A_752 = arith.constant 1073741824 : i64
          %convert_element_type3A_753 = arith.trunci %jit3A_752 : i64 to i32
          %broadcast_in_dim3A_754 = vector.broadcast %convert_element_type3A_753 : i32 to vector<16xi32>
          %select_n3A_755 = arith.select %eq3A_751, %broadcast_in_dim3A_754, %while3A_606 : vector<16xi1>, vector<16xi32>
          %eq3A_756 = arith.cmpi eq, %while3A_607, %broadcast_in_dim3A_615 : vector<16xi32>
          %jit3A_757 = arith.constant 1073741824 : i64
          %convert_element_type3A_758 = arith.trunci %jit3A_757 : i64 to i32
          %broadcast_in_dim3A_759 = vector.broadcast %convert_element_type3A_758 : i32 to vector<16xi32>
          %select_n3A_760 = arith.select %eq3A_756, %broadcast_in_dim3A_759, %while3A_607 : vector<16xi1>, vector<16xi32>
          %eq3A_761 = arith.cmpi eq, %while3A_608, %broadcast_in_dim3A_615 : vector<16xi32>
          %jit3A_762 = arith.constant 1073741824 : i64
          %convert_element_type3A_763 = arith.trunci %jit3A_762 : i64 to i32
          %broadcast_in_dim3A_764 = vector.broadcast %convert_element_type3A_763 : i32 to vector<16xi32>
          %select_n3A_765 = arith.select %eq3A_761, %broadcast_in_dim3A_764, %while3A_608 : vector<16xi1>, vector<16xi32>
          %eq3A_766 = arith.cmpi eq, %while3A_609, %broadcast_in_dim3A_615 : vector<16xi32>
          %jit3A_767 = arith.constant 1073741824 : i64
          %convert_element_type3A_768 = arith.trunci %jit3A_767 : i64 to i32
          %broadcast_in_dim3A_769 = vector.broadcast %convert_element_type3A_768 : i32 to vector<16xi32>
          %select_n3A_770 = arith.select %eq3A_766, %broadcast_in_dim3A_769, %while3A_609 : vector<16xi1>, vector<16xi32>
          %eq3A_771 = arith.cmpi eq, %while3A_610, %broadcast_in_dim3A_615 : vector<16xi32>
          %jit3A_772 = arith.constant 1073741824 : i64
          %convert_element_type3A_773 = arith.trunci %jit3A_772 : i64 to i32
          %broadcast_in_dim3A_774 = vector.broadcast %convert_element_type3A_773 : i32 to vector<16xi32>
          %select_n3A_775 = arith.select %eq3A_771, %broadcast_in_dim3A_774, %while3A_610 : vector<16xi1>, vector<16xi32>
          %eq3A_776 = arith.cmpi eq, %while3A_611, %broadcast_in_dim3A_615 : vector<16xi32>
          %jit3A_777 = arith.constant 1073741824 : i64
          %convert_element_type3A_778 = arith.trunci %jit3A_777 : i64 to i32
          %broadcast_in_dim3A_779 = vector.broadcast %convert_element_type3A_778 : i32 to vector<16xi32>
          %select_n3A_780 = arith.select %eq3A_776, %broadcast_in_dim3A_779, %while3A_611 : vector<16xi1>, vector<16xi32>
          %eq3A_781 = arith.cmpi eq, %while3A_612, %broadcast_in_dim3A_615 : vector<16xi32>
          %jit3A_782 = arith.constant 1073741824 : i64
          %convert_element_type3A_783 = arith.trunci %jit3A_782 : i64 to i32
          %broadcast_in_dim3A_784 = vector.broadcast %convert_element_type3A_783 : i32 to vector<16xi32>
          %select_n3A_785 = arith.select %eq3A_781, %broadcast_in_dim3A_784, %while3A_612 : vector<16xi1>, vector<16xi32>
          %min3A_786 = arith.minsi %select_n3A_725, %select_n3A_730 : vector<16xi32>
          %min3A_787 = arith.minsi %select_n3A_735, %select_n3A_740 : vector<16xi32>
          %min3A_788 = arith.minsi %select_n3A_745, %select_n3A_750 : vector<16xi32>
          %min3A_789 = arith.minsi %select_n3A_755, %select_n3A_760 : vector<16xi32>
          %min3A_790 = arith.minsi %select_n3A_765, %select_n3A_770 : vector<16xi32>
          %min3A_791 = arith.minsi %select_n3A_775, %select_n3A_780 : vector<16xi32>
          %min3A_792 = arith.minsi %min3A_786, %min3A_787 : vector<16xi32>
          %min3A_793 = arith.minsi %min3A_788, %min3A_789 : vector<16xi32>
          %min3A_794 = arith.minsi %min3A_790, %min3A_791 : vector<16xi32>
          %min3A_795 = arith.minsi %min3A_792, %min3A_793 : vector<16xi32>
          %min3A_796 = arith.minsi %min3A_794, %select_n3A_785 : vector<16xi32>
          %min3A_797 = arith.minsi %min3A_795, %min3A_796 : vector<16xi32>
          %reduce_min3A_798 = arith.constant true
          %reduce_min3A_799 = vector.broadcast %reduce_min3A_798 : i1 to vector<16xi1>
          %reduce_min3A_800 = arith.constant -2147483648 : i32
          %reduce_min3A_801 = vector.broadcast %reduce_min3A_800 : i32 to vector<16xi32>
          %reduce_min3A_802 = arith.xori %min3A_797, %reduce_min3A_801 : vector<16xi32>
          %reduce_min3A_803 = tpu.scan <min>, %reduce_min3A_802 masked %reduce_min3A_799 : vector<16xi32>, vector<16xi1> -> vector<16xi32>
          %reduce_min3A_804 = arith.xori %reduce_min3A_803, %reduce_min3A_801 : vector<16xi32>
          %reduce_min3A_805 = vector.extract %reduce_min3A_804[15] : i32 from vector<16xi32>
          scf.yield %reduce_min3A_805, %select_n3A_725, %select_n3A_730, %select_n3A_735, %select_n3A_740, %select_n3A_745, %select_n3A_750, %select_n3A_755, %select_n3A_760, %select_n3A_765, %select_n3A_770, %select_n3A_775, %select_n3A_780, %select_n3A_785, %add3A_714, %add3A_720 : i32, vector<16xi32>, vector<16xi32>, vector<16xi32>, vector<16xi32>, vector<16xi32>, vector<16xi32>, vector<16xi32>, vector<16xi32>, vector<16xi32>, vector<16xi32>, vector<16xi32>, vector<16xi32>, vector<16xi32>, vector<16xf32>, vector<16xi32>
        }
        %broadcast_in_dim3A_476 = vector.broadcast %reduce_sum3A_310 : i32 to vector<16xi32>
        %reduce_sum3A_477 = arith.constant true
        %reduce_sum3A_478 = vector.broadcast %reduce_sum3A_477 : i1 to vector<16xi1>
        %reduce_sum3A_479 = tpu.scan <sum>, %while3A_475#14 masked %reduce_sum3A_478 : vector<16xf32>, vector<16xi1> -> vector<16xf32>
        %reduce_sum3A_480 = vector.extract %reduce_sum3A_479[15] : f32 from vector<16xf32>
        %broadcast_in_dim3A_481 = vector.broadcast %reduce_sum3A_480 : f32 to vector<16xf32>
        %reduce_sum3A_482 = arith.constant true
        %reduce_sum3A_483 = vector.broadcast %reduce_sum3A_482 : i1 to vector<16xi1>
        %reduce_sum3A_484 = tpu.scan <sum>, %while3A_475#15 masked %reduce_sum3A_483 : vector<16xi32>, vector<16xi1> -> vector<16xi32>
        %reduce_sum3A_485 = vector.extract %reduce_sum3A_484[15] : i32 from vector<16xi32>
        %broadcast_in_dim3A_486 = vector.broadcast %reduce_sum3A_485 : i32 to vector<16xi32>
        %gt3A_487 = arith.constant 0 : i32
        %gt3A_488 = vector.broadcast %gt3A_487 : i32 to vector<16xi32>
        %gt3A_489 = arith.cmpi sgt, %broadcast_in_dim3A_476, %gt3A_488 : vector<16xi32>
        %jit3A_490 = arith.constant 1.000000e+00 : f32
        %jit3A_491 = arith.constant 0.000000e+00 : f32
        %broadcast_in_dim3A_492 = vector.broadcast %jit3A_490 : f32 to vector<16xf32>
        %broadcast_in_dim3A_493 = vector.broadcast %jit3A_491 : f32 to vector<16xf32>
        %select_n3A_494 = arith.select %gt3A_489, %broadcast_in_dim3A_492, %broadcast_in_dim3A_493 : vector<16xi1>, vector<16xf32>
        %add3A_495 = arith.addf %broadcast_in_dim3A_82, %select_n3A_494 : vector<16xf32>
        %gt3A_496 = arith.constant 1 : i32
        %gt3A_497 = vector.broadcast %gt3A_496 : i32 to vector<16xi32>
        %gt3A_498 = arith.cmpi sgt, %broadcast_in_dim3A_476, %gt3A_497 : vector<16xi32>
        %jit3A_499 = arith.constant 0.630929768 : f32
        %jit3A_500 = arith.constant 0.000000e+00 : f32
        %broadcast_in_dim3A_501 = vector.broadcast %jit3A_499 : f32 to vector<16xf32>
        %broadcast_in_dim3A_502 = vector.broadcast %jit3A_500 : f32 to vector<16xf32>
        %select_n3A_503 = arith.select %gt3A_498, %broadcast_in_dim3A_501, %broadcast_in_dim3A_502 : vector<16xi1>, vector<16xf32>
        %add3A_504 = arith.addf %add3A_495, %select_n3A_503 : vector<16xf32>
        %gt3A_505 = arith.constant 2 : i32
        %gt3A_506 = vector.broadcast %gt3A_505 : i32 to vector<16xi32>
        %gt3A_507 = arith.cmpi sgt, %broadcast_in_dim3A_476, %gt3A_506 : vector<16xi32>
        %jit3A_508 = arith.constant 5.000000e-01 : f32
        %jit3A_509 = arith.constant 0.000000e+00 : f32
        %broadcast_in_dim3A_510 = vector.broadcast %jit3A_508 : f32 to vector<16xf32>
        %broadcast_in_dim3A_511 = vector.broadcast %jit3A_509 : f32 to vector<16xf32>
        %select_n3A_512 = arith.select %gt3A_507, %broadcast_in_dim3A_510, %broadcast_in_dim3A_511 : vector<16xi1>, vector<16xf32>
        %add3A_513 = arith.addf %add3A_504, %select_n3A_512 : vector<16xf32>
        %gt3A_514 = arith.constant 3 : i32
        %gt3A_515 = vector.broadcast %gt3A_514 : i32 to vector<16xi32>
        %gt3A_516 = arith.cmpi sgt, %broadcast_in_dim3A_476, %gt3A_515 : vector<16xi32>
        %jit3A_517 = arith.constant 0.43067655 : f32
        %jit3A_518 = arith.constant 0.000000e+00 : f32
        %broadcast_in_dim3A_519 = vector.broadcast %jit3A_517 : f32 to vector<16xf32>
        %broadcast_in_dim3A_520 = vector.broadcast %jit3A_518 : f32 to vector<16xf32>
        %select_n3A_521 = arith.select %gt3A_516, %broadcast_in_dim3A_519, %broadcast_in_dim3A_520 : vector<16xi1>, vector<16xf32>
        %add3A_522 = arith.addf %add3A_513, %select_n3A_521 : vector<16xf32>
        %gt3A_523 = arith.constant 4 : i32
        %gt3A_524 = vector.broadcast %gt3A_523 : i32 to vector<16xi32>
        %gt3A_525 = arith.cmpi sgt, %broadcast_in_dim3A_476, %gt3A_524 : vector<16xi32>
        %jit3A_526 = arith.constant 0.386852801 : f32
        %jit3A_527 = arith.constant 0.000000e+00 : f32
        %broadcast_in_dim3A_528 = vector.broadcast %jit3A_526 : f32 to vector<16xf32>
        %broadcast_in_dim3A_529 = vector.broadcast %jit3A_527 : f32 to vector<16xf32>
        %select_n3A_530 = arith.select %gt3A_525, %broadcast_in_dim3A_528, %broadcast_in_dim3A_529 : vector<16xi1>, vector<16xf32>
        %add3A_531 = arith.addf %add3A_522, %select_n3A_530 : vector<16xf32>
        %gt3A_532 = arith.constant 5 : i32
        %gt3A_533 = vector.broadcast %gt3A_532 : i32 to vector<16xi32>
        %gt3A_534 = arith.cmpi sgt, %broadcast_in_dim3A_476, %gt3A_533 : vector<16xi32>
        %jit3A_535 = arith.constant 0.356207192 : f32
        %jit3A_536 = arith.constant 0.000000e+00 : f32
        %broadcast_in_dim3A_537 = vector.broadcast %jit3A_535 : f32 to vector<16xf32>
        %broadcast_in_dim3A_538 = vector.broadcast %jit3A_536 : f32 to vector<16xf32>
        %select_n3A_539 = arith.select %gt3A_534, %broadcast_in_dim3A_537, %broadcast_in_dim3A_538 : vector<16xi1>, vector<16xf32>
        %add3A_540 = arith.addf %add3A_531, %select_n3A_539 : vector<16xf32>
        %gt3A_541 = arith.constant 6 : i32
        %gt3A_542 = vector.broadcast %gt3A_541 : i32 to vector<16xi32>
        %gt3A_543 = arith.cmpi sgt, %broadcast_in_dim3A_476, %gt3A_542 : vector<16xi32>
        %jit3A_544 = arith.constant 0.333333343 : f32
        %jit3A_545 = arith.constant 0.000000e+00 : f32
        %broadcast_in_dim3A_546 = vector.broadcast %jit3A_544 : f32 to vector<16xf32>
        %broadcast_in_dim3A_547 = vector.broadcast %jit3A_545 : f32 to vector<16xf32>
        %select_n3A_548 = arith.select %gt3A_543, %broadcast_in_dim3A_546, %broadcast_in_dim3A_547 : vector<16xi1>, vector<16xf32>
        %add3A_549 = arith.addf %add3A_540, %select_n3A_548 : vector<16xf32>
        %gt3A_550 = arith.constant 7 : i32
        %gt3A_551 = vector.broadcast %gt3A_550 : i32 to vector<16xi32>
        %gt3A_552 = arith.cmpi sgt, %broadcast_in_dim3A_476, %gt3A_551 : vector<16xi32>
        %jit3A_553 = arith.constant 0.315464884 : f32
        %jit3A_554 = arith.constant 0.000000e+00 : f32
        %broadcast_in_dim3A_555 = vector.broadcast %jit3A_553 : f32 to vector<16xf32>
        %broadcast_in_dim3A_556 = vector.broadcast %jit3A_554 : f32 to vector<16xf32>
        %select_n3A_557 = arith.select %gt3A_552, %broadcast_in_dim3A_555, %broadcast_in_dim3A_556 : vector<16xi1>, vector<16xf32>
        %add3A_558 = arith.addf %add3A_549, %select_n3A_557 : vector<16xf32>
        %gt3A_559 = arith.constant 8 : i32
        %gt3A_560 = vector.broadcast %gt3A_559 : i32 to vector<16xi32>
        %gt3A_561 = arith.cmpi sgt, %broadcast_in_dim3A_476, %gt3A_560 : vector<16xi32>
        %jit3A_562 = arith.constant 3.010300e-01 : f32
        %jit3A_563 = arith.constant 0.000000e+00 : f32
        %broadcast_in_dim3A_564 = vector.broadcast %jit3A_562 : f32 to vector<16xf32>
        %broadcast_in_dim3A_565 = vector.broadcast %jit3A_563 : f32 to vector<16xf32>
        %select_n3A_566 = arith.select %gt3A_561, %broadcast_in_dim3A_564, %broadcast_in_dim3A_565 : vector<16xi1>, vector<16xf32>
        %add3A_567 = arith.addf %add3A_558, %select_n3A_566 : vector<16xf32>
        %gt3A_568 = arith.constant 9 : i32
        %gt3A_569 = vector.broadcast %gt3A_568 : i32 to vector<16xi32>
        %gt3A_570 = arith.cmpi sgt, %broadcast_in_dim3A_476, %gt3A_569 : vector<16xi32>
        %jit3A_571 = arith.constant 0.289064825 : f32
        %jit3A_572 = arith.constant 0.000000e+00 : f32
        %broadcast_in_dim3A_573 = vector.broadcast %jit3A_571 : f32 to vector<16xf32>
        %broadcast_in_dim3A_574 = vector.broadcast %jit3A_572 : f32 to vector<16xf32>
        %select_n3A_575 = arith.select %gt3A_570, %broadcast_in_dim3A_573, %broadcast_in_dim3A_574 : vector<16xi1>, vector<16xf32>
        %add3A_576 = arith.addf %add3A_567, %select_n3A_575 : vector<16xf32>
        %eq3A_577 = arith.constant 0.000000e+00 : f32
        %eq3A_578 = vector.broadcast %eq3A_577 : f32 to vector<16xf32>
        %eq3A_579 = arith.cmpf oeq, %add3A_576, %eq3A_578 : vector<16xf32>
        %jit3A_580 = arith.constant 1.000000e+00 : f32
        %broadcast_in_dim3A_581 = vector.broadcast %jit3A_580 : f32 to vector<16xf32>
        %select_n3A_582 = arith.select %eq3A_579, %broadcast_in_dim3A_581, %add3A_576 : vector<16xi1>, vector<16xf32>
        %div3A = arith.divf %broadcast_in_dim3A_481, %select_n3A_582 : vector<16xf32>
        %min3A_583 = arith.constant 10 : i32
        %min3A_584 = vector.broadcast %min3A_583 : i32 to vector<16xi32>
        %min3A_585 = arith.minsi %broadcast_in_dim3A_476, %min3A_584 : vector<16xi32>
        %max3A = arith.constant 1 : i32
        %max3A_586 = vector.broadcast %max3A : i32 to vector<16xi32>
        %max3A_587 = arith.maxsi %min3A_585, %max3A_586 : vector<16xi32>
        %convert_element_type3A_588 = arith.sitofp %max3A_587 : vector<16xi32> to vector<16xf32>
        %convert_element_type3A_589 = arith.sitofp %broadcast_in_dim3A_486 : vector<16xi32> to vector<16xf32>
        %div3A_590 = arith.divf %convert_element_type3A_589, %convert_element_type3A_588 : vector<16xf32>
        %gt3A_591 = arith.constant 0 : i32
        %gt3A_592 = vector.broadcast %gt3A_591 : i32 to vector<16xi32>
        %gt3A_593 = arith.cmpi sgt, %broadcast_in_dim3A_486, %gt3A_592 : vector<16xi32>
        %convert_element_type3A_594 = arith.extui %gt3A_593 : vector<16xi1> to vector<16xi32>
        %convert_element_type3A_595 = arith.sitofp %convert_element_type3A_594 : vector<16xi32> to vector<16xf32>
        %add3A_596 = arith.addf %while3A_199, %div3A : vector<16xf32>
        %add3A_597 = arith.addf %while3A_200, %div3A_590 : vector<16xf32>
        %add3A_598 = arith.addf %while3A_201, %convert_element_type3A_595 : vector<16xf32>
        scf.yield %add3A_596, %add3A_597, %add3A_598 : vector<16xf32>, vector<16xf32>, vector<16xf32>
      } else {
        scf.yield %while3A_199, %while3A_200, %while3A_201 : vector<16xf32>, vector<16xf32>, vector<16xf32>
      }
      %add3A_315 = arith.constant 64 : i32
      %add3A_316 = arith.addi %while3A_198, %add3A_315 : i32
      %broadcast_in_dim3A_317 = vector.broadcast %add3A_316 : i32 to vector<16xi32>
      %gather3A_318 = tpu.vector_load_idx %arg8[%broadcast_in_dim3A_317] : memref<128xi32, #tpu.memory_space<vmem>>[vector<16xi32>], vector<16xi32>,
      %gather3A_319 = tpu.vector_load_idx %arg6[%broadcast_in_dim3A_317, %min3A_43] : memref<128x200xi32, #tpu.memory_space<vmem>>[vector<16xi32>, vector<16xi32>], vector<16xi32>,
      %eq3A_320 = arith.cmpi eq, %gather3A_319, %gather3A_318 : vector<16xi32>
      %convert_element_type3A_321 = arith.extui %eq3A_320 : vector<16xi1> to vector<16xi32>
      %add3A_322 = arith.addi %broadcast_in_dim3A_80, %convert_element_type3A_321 : vector<16xi32>
      %jit3A_323 = arith.constant 1073741824 : i64
      %convert_element_type3A_324 = arith.trunci %jit3A_323 : i64 to i32
      %broadcast_in_dim3A_325 = vector.broadcast %convert_element_type3A_324 : i32 to vector<16xi32>
      %select_n3A_326 = arith.select %eq3A_320, %add3A_5, %broadcast_in_dim3A_325 : vector<16xi1>, vector<16xi32>
      %gather3A_327 = tpu.vector_load_idx %arg6[%broadcast_in_dim3A_317, %min3A_46] : memref<128x200xi32, #tpu.memory_space<vmem>>[vector<16xi32>, vector<16xi32>], vector<16xi32>,
      %eq3A_328 = arith.cmpi eq, %gather3A_327, %gather3A_318 : vector<16xi32>
      %convert_element_type3A_329 = arith.extui %eq3A_328 : vector<16xi1> to vector<16xi32>
      %add3A_330 = arith.addi %add3A_322, %convert_element_type3A_329 : vector<16xi32>
      %jit3A_331 = arith.constant 1073741824 : i64
      %convert_element_type3A_332 = arith.trunci %jit3A_331 : i64 to i32
      %broadcast_in_dim3A_333 = vector.broadcast %convert_element_type3A_332 : i32 to vector<16xi32>
      %select_n3A_334 = arith.select %eq3A_328, %add3A_8, %broadcast_in_dim3A_333 : vector<16xi1>, vector<16xi32>
      %gather3A_335 = tpu.vector_load_idx %arg6[%broadcast_in_dim3A_317, %min3A_49] : memref<128x200xi32, #tpu.memory_space<vmem>>[vector<16xi32>, vector<16xi32>], vector<16xi32>,
      %eq3A_336 = arith.cmpi eq, %gather3A_335, %gather3A_318 : vector<16xi32>
      %convert_element_type3A_337 = arith.extui %eq3A_336 : vector<16xi1> to vector<16xi32>
      %add3A_338 = arith.addi %add3A_330, %convert_element_type3A_337 : vector<16xi32>
      %jit3A_339 = arith.constant 1073741824 : i64
      %convert_element_type3A_340 = arith.trunci %jit3A_339 : i64 to i32
      %broadcast_in_dim3A_341 = vector.broadcast %convert_element_type3A_340 : i32 to vector<16xi32>
      %select_n3A_342 = arith.select %eq3A_336, %add3A_11, %broadcast_in_dim3A_341 : vector<16xi1>, vector<16xi32>
      %gather3A_343 = tpu.vector_load_idx %arg6[%broadcast_in_dim3A_317, %min3A_52] : memref<128x200xi32, #tpu.memory_space<vmem>>[vector<16xi32>, vector<16xi32>], vector<16xi32>,
      %eq3A_344 = arith.cmpi eq, %gather3A_343, %gather3A_318 : vector<16xi32>
      %convert_element_type3A_345 = arith.extui %eq3A_344 : vector<16xi1> to vector<16xi32>
      %add3A_346 = arith.addi %add3A_338, %convert_element_type3A_345 : vector<16xi32>
      %jit3A_347 = arith.constant 1073741824 : i64
      %convert_element_type3A_348 = arith.trunci %jit3A_347 : i64 to i32
      %broadcast_in_dim3A_349 = vector.broadcast %convert_element_type3A_348 : i32 to vector<16xi32>
      %select_n3A_350 = arith.select %eq3A_344, %add3A_14, %broadcast_in_dim3A_349 : vector<16xi1>, vector<16xi32>
      %gather3A_351 = tpu.vector_load_idx %arg6[%broadcast_in_dim3A_317, %min3A_55] : memref<128x200xi32, #tpu.memory_space<vmem>>[vector<16xi32>, vector<16xi32>], vector<16xi32>,
      %eq3A_352 = arith.cmpi eq, %gather3A_351, %gather3A_318 : vector<16xi32>
      %convert_element_type3A_353 = arith.extui %eq3A_352 : vector<16xi1> to vector<16xi32>
      %add3A_354 = arith.addi %add3A_346, %convert_element_type3A_353 : vector<16xi32>
      %jit3A_355 = arith.constant 1073741824 : i64
      %convert_element_type3A_356 = arith.trunci %jit3A_355 : i64 to i32
      %broadcast_in_dim3A_357 = vector.broadcast %convert_element_type3A_356 : i32 to vector<16xi32>
      %select_n3A_358 = arith.select %eq3A_352, %add3A_17, %broadcast_in_dim3A_357 : vector<16xi1>, vector<16xi32>
      %gather3A_359 = tpu.vector_load_idx %arg6[%broadcast_in_dim3A_317, %min3A_58] : memref<128x200xi32, #tpu.memory_space<vmem>>[vector<16xi32>, vector<16xi32>], vector<16xi32>,
      %eq3A_360 = arith.cmpi eq, %gather3A_359, %gather3A_318 : vector<16xi32>
      %convert_element_type3A_361 = arith.extui %eq3A_360 : vector<16xi1> to vector<16xi32>
      %add3A_362 = arith.addi %add3A_354, %convert_element_type3A_361 : vector<16xi32>
      %jit3A_363 = arith.constant 1073741824 : i64
      %convert_element_type3A_364 = arith.trunci %jit3A_363 : i64 to i32
      %broadcast_in_dim3A_365 = vector.broadcast %convert_element_type3A_364 : i32 to vector<16xi32>
      %select_n3A_366 = arith.select %eq3A_360, %add3A_20, %broadcast_in_dim3A_365 : vector<16xi1>, vector<16xi32>
      %gather3A_367 = tpu.vector_load_idx %arg6[%broadcast_in_dim3A_317, %min3A_61] : memref<128x200xi32, #tpu.memory_space<vmem>>[vector<16xi32>, vector<16xi32>], vector<16xi32>,
      %eq3A_368 = arith.cmpi eq, %gather3A_367, %gather3A_318 : vector<16xi32>
      %convert_element_type3A_369 = arith.extui %eq3A_368 : vector<16xi1> to vector<16xi32>
      %add3A_370 = arith.addi %add3A_362, %convert_element_type3A_369 : vector<16xi32>
      %jit3A_371 = arith.constant 1073741824 : i64
      %convert_element_type3A_372 = arith.trunci %jit3A_371 : i64 to i32
      %broadcast_in_dim3A_373 = vector.broadcast %convert_element_type3A_372 : i32 to vector<16xi32>
      %select_n3A_374 = arith.select %eq3A_368, %add3A_23, %broadcast_in_dim3A_373 : vector<16xi1>, vector<16xi32>
      %gather3A_375 = tpu.vector_load_idx %arg6[%broadcast_in_dim3A_317, %min3A_64] : memref<128x200xi32, #tpu.memory_space<vmem>>[vector<16xi32>, vector<16xi32>], vector<16xi32>,
      %eq3A_376 = arith.cmpi eq, %gather3A_375, %gather3A_318 : vector<16xi32>
      %convert_element_type3A_377 = arith.extui %eq3A_376 : vector<16xi1> to vector<16xi32>
      %add3A_378 = arith.addi %add3A_370, %convert_element_type3A_377 : vector<16xi32>
      %jit3A_379 = arith.constant 1073741824 : i64
      %convert_element_type3A_380 = arith.trunci %jit3A_379 : i64 to i32
      %broadcast_in_dim3A_381 = vector.broadcast %convert_element_type3A_380 : i32 to vector<16xi32>
      %select_n3A_382 = arith.select %eq3A_376, %add3A_26, %broadcast_in_dim3A_381 : vector<16xi1>, vector<16xi32>
      %gather3A_383 = tpu.vector_load_idx %arg6[%broadcast_in_dim3A_317, %min3A_67] : memref<128x200xi32, #tpu.memory_space<vmem>>[vector<16xi32>, vector<16xi32>], vector<16xi32>,
      %eq3A_384 = arith.cmpi eq, %gather3A_383, %gather3A_318 : vector<16xi32>
      %convert_element_type3A_385 = arith.extui %eq3A_384 : vector<16xi1> to vector<16xi32>
      %add3A_386 = arith.addi %add3A_378, %convert_element_type3A_385 : vector<16xi32>
      %jit3A_387 = arith.constant 1073741824 : i64
      %convert_element_type3A_388 = arith.trunci %jit3A_387 : i64 to i32
      %broadcast_in_dim3A_389 = vector.broadcast %convert_element_type3A_388 : i32 to vector<16xi32>
      %select_n3A_390 = arith.select %eq3A_384, %add3A_29, %broadcast_in_dim3A_389 : vector<16xi1>, vector<16xi32>
      %gather3A_391 = tpu.vector_load_idx %arg6[%broadcast_in_dim3A_317, %min3A_70] : memref<128x200xi32, #tpu.memory_space<vmem>>[vector<16xi32>, vector<16xi32>], vector<16xi32>,
      %eq3A_392 = arith.cmpi eq, %gather3A_391, %gather3A_318 : vector<16xi32>
      %convert_element_type3A_393 = arith.extui %eq3A_392 : vector<16xi1> to vector<16xi32>
      %add3A_394 = arith.addi %add3A_386, %convert_element_type3A_393 : vector<16xi32>
      %jit3A_395 = arith.constant 1073741824 : i64
      %convert_element_type3A_396 = arith.trunci %jit3A_395 : i64 to i32
      %broadcast_in_dim3A_397 = vector.broadcast %convert_element_type3A_396 : i32 to vector<16xi32>
      %select_n3A_398 = arith.select %eq3A_392, %add3A_32, %broadcast_in_dim3A_397 : vector<16xi1>, vector<16xi32>
      %gather3A_399 = tpu.vector_load_idx %arg6[%broadcast_in_dim3A_317, %min3A_73] : memref<128x200xi32, #tpu.memory_space<vmem>>[vector<16xi32>, vector<16xi32>], vector<16xi32>,
      %eq3A_400 = arith.cmpi eq, %gather3A_399, %gather3A_318 : vector<16xi32>
      %convert_element_type3A_401 = arith.extui %eq3A_400 : vector<16xi1> to vector<16xi32>
      %add3A_402 = arith.addi %add3A_394, %convert_element_type3A_401 : vector<16xi32>
      %jit3A_403 = arith.constant 1073741824 : i64
      %convert_element_type3A_404 = arith.trunci %jit3A_403 : i64 to i32
      %broadcast_in_dim3A_405 = vector.broadcast %convert_element_type3A_404 : i32 to vector<16xi32>
      %select_n3A_406 = arith.select %eq3A_400, %add3A_35, %broadcast_in_dim3A_405 : vector<16xi1>, vector<16xi32>
      %gather3A_407 = tpu.vector_load_idx %arg6[%broadcast_in_dim3A_317, %min3A_76] : memref<128x200xi32, #tpu.memory_space<vmem>>[vector<16xi32>, vector<16xi32>], vector<16xi32>,
      %eq3A_408 = arith.cmpi eq, %gather3A_407, %gather3A_318 : vector<16xi32>
      %convert_element_type3A_409 = arith.extui %eq3A_408 : vector<16xi1> to vector<16xi32>
      %add3A_410 = arith.addi %add3A_402, %convert_element_type3A_409 : vector<16xi32>
      %jit3A_411 = arith.constant 1073741824 : i64
      %convert_element_type3A_412 = arith.trunci %jit3A_411 : i64 to i32
      %broadcast_in_dim3A_413 = vector.broadcast %convert_element_type3A_412 : i32 to vector<16xi32>
      %select_n3A_414 = arith.select %eq3A_408, %add3A_38, %broadcast_in_dim3A_413 : vector<16xi1>, vector<16xi32>
      %gather3A_415 = tpu.vector_load_idx %arg6[%broadcast_in_dim3A_317, %min3A_79] : memref<128x200xi32, #tpu.memory_space<vmem>>[vector<16xi32>, vector<16xi32>], vector<16xi32>,
      %eq3A_416 = arith.cmpi eq, %gather3A_415, %gather3A_318 : vector<16xi32>
      %lt3A_417 = arith.constant 200 : i32
      %lt3A_418 = vector.broadcast %lt3A_417 : i32 to vector<16xi32>
      %lt3A_419 = arith.cmpi slt, %add3A_41, %lt3A_418 : vector<16xi32>
      %and3A_420 = arith.andi %eq3A_416, %lt3A_419 : vector<16xi1>
      %convert_element_type3A_421 = arith.extui %and3A_420 : vector<16xi1> to vector<16xi32>
      %add3A_422 = arith.addi %add3A_410, %convert_element_type3A_421 : vector<16xi32>
      %jit3A_423 = arith.constant 1073741824 : i64
      %convert_element_type3A_424 = arith.trunci %jit3A_423 : i64 to i32
      %broadcast_in_dim3A_425 = vector.broadcast %convert_element_type3A_424 : i32 to vector<16xi32>
      %select_n3A_426 = arith.select %and3A_420, %add3A_41, %broadcast_in_dim3A_425 : vector<16xi1>, vector<16xi32>
      %reduce_sum3A_427 = arith.constant true
      %reduce_sum3A_428 = vector.broadcast %reduce_sum3A_427 : i1 to vector<16xi1>
      %reduce_sum3A_429 = tpu.scan <sum>, %add3A_422 masked %reduce_sum3A_428 : vector<16xi32>, vector<16xi1> -> vector<16xi32>
      %reduce_sum3A_430 = vector.extract %reduce_sum3A_429[15] : i32 from vector<16xi32>
      %gt3A_431 = arith.constant 0 : i32
      %gt3A_432 = arith.cmpi sgt, %reduce_sum3A_430, %gt3A_431 : i32
      %convert_element_type3A_433 = arith.extui %gt3A_432 : i1 to i32
      %cond3A_434 = arith.constant 0 : i32
      %cond3A_435 = arith.cmpi ne, %convert_element_type3A_433, %cond3A_434 : i32
      %cond3A_436:3 = scf.if %cond3A_435 -> (vector<16xf32>, vector<16xf32>, vector<16xf32>) {
        %gather3A_437 = tpu.vector_load_idx %arg7[%broadcast_in_dim3A_317, %min3A_43] : memref<128x200xf32, #tpu.memory_space<vmem>>[vector<16xi32>, vector<16xi32>], vector<16xf32>,
        %gather3A_438 = tpu.vector_load_idx %arg7[%broadcast_in_dim3A_317, %min3A_46] : memref<128x200xf32, #tpu.memory_space<vmem>>[vector<16xi32>, vector<16xi32>], vector<16xf32>,
        %gather3A_439 = tpu.vector_load_idx %arg7[%broadcast_in_dim3A_317, %min3A_49] : memref<128x200xf32, #tpu.memory_space<vmem>>[vector<16xi32>, vector<16xi32>], vector<16xf32>,
        %gather3A_440 = tpu.vector_load_idx %arg7[%broadcast_in_dim3A_317, %min3A_52] : memref<128x200xf32, #tpu.memory_space<vmem>>[vector<16xi32>, vector<16xi32>], vector<16xf32>,
        %gather3A_441 = tpu.vector_load_idx %arg7[%broadcast_in_dim3A_317, %min3A_55] : memref<128x200xf32, #tpu.memory_space<vmem>>[vector<16xi32>, vector<16xi32>], vector<16xf32>,
        %gather3A_442 = tpu.vector_load_idx %arg7[%broadcast_in_dim3A_317, %min3A_58] : memref<128x200xf32, #tpu.memory_space<vmem>>[vector<16xi32>, vector<16xi32>], vector<16xf32>,
        %gather3A_443 = tpu.vector_load_idx %arg7[%broadcast_in_dim3A_317, %min3A_61] : memref<128x200xf32, #tpu.memory_space<vmem>>[vector<16xi32>, vector<16xi32>], vector<16xf32>,
        %gather3A_444 = tpu.vector_load_idx %arg7[%broadcast_in_dim3A_317, %min3A_64] : memref<128x200xf32, #tpu.memory_space<vmem>>[vector<16xi32>, vector<16xi32>], vector<16xf32>,
        %gather3A_445 = tpu.vector_load_idx %arg7[%broadcast_in_dim3A_317, %min3A_67] : memref<128x200xf32, #tpu.memory_space<vmem>>[vector<16xi32>, vector<16xi32>], vector<16xf32>,
        %gather3A_446 = tpu.vector_load_idx %arg7[%broadcast_in_dim3A_317, %min3A_70] : memref<128x200xf32, #tpu.memory_space<vmem>>[vector<16xi32>, vector<16xi32>], vector<16xf32>,
        %gather3A_447 = tpu.vector_load_idx %arg7[%broadcast_in_dim3A_317, %min3A_73] : memref<128x200xf32, #tpu.memory_space<vmem>>[vector<16xi32>, vector<16xi32>], vector<16xf32>,
        %gather3A_448 = tpu.vector_load_idx %arg7[%broadcast_in_dim3A_317, %min3A_76] : memref<128x200xf32, #tpu.memory_space<vmem>>[vector<16xi32>, vector<16xi32>], vector<16xf32>,
        %gather3A_449 = tpu.vector_load_idx %arg7[%broadcast_in_dim3A_317, %min3A_79] : memref<128x200xf32, #tpu.memory_space<vmem>>[vector<16xi32>, vector<16xi32>], vector<16xf32>,
        %lt3A_450 = arith.constant 200 : i32
        %lt3A_451 = vector.broadcast %lt3A_450 : i32 to vector<16xi32>
        %lt3A_452 = arith.cmpi slt, %add3A_41, %lt3A_451 : vector<16xi32>
        %jit3A_453 = arith.constant 0xFF800000 : f32
        %broadcast_in_dim3A_454 = vector.broadcast %jit3A_453 : f32 to vector<16xf32>
        %select_n3A_455 = arith.select %lt3A_452, %gather3A_449, %broadcast_in_dim3A_454 : vector<16xi1>, vector<16xf32>
        %min3A_456 = arith.minsi %select_n3A_326, %select_n3A_334 : vector<16xi32>
        %min3A_457 = arith.minsi %select_n3A_342, %select_n3A_350 : vector<16xi32>
        %min3A_458 = arith.minsi %select_n3A_358, %select_n3A_366 : vector<16xi32>
        %min3A_459 = arith.minsi %select_n3A_374, %select_n3A_382 : vector<16xi32>
        %min3A_460 = arith.minsi %select_n3A_390, %select_n3A_398 : vector<16xi32>
        %min3A_461 = arith.minsi %select_n3A_406, %select_n3A_414 : vector<16xi32>
        %min3A_462 = arith.minsi %min3A_456, %min3A_457 : vector<16xi32>
        %min3A_463 = arith.minsi %min3A_458, %min3A_459 : vector<16xi32>
        %min3A_464 = arith.minsi %min3A_460, %min3A_461 : vector<16xi32>
        %min3A_465 = arith.minsi %min3A_462, %min3A_463 : vector<16xi32>
        %min3A_466 = arith.minsi %min3A_464, %select_n3A_426 : vector<16xi32>
        %min3A_467 = arith.minsi %min3A_465, %min3A_466 : vector<16xi32>
        %reduce_min3A = arith.constant true
        %reduce_min3A_468 = vector.broadcast %reduce_min3A : i1 to vector<16xi1>
        %reduce_min3A_469 = arith.constant -2147483648 : i32
        %reduce_min3A_470 = vector.broadcast %reduce_min3A_469 : i32 to vector<16xi32>
        %reduce_min3A_471 = arith.xori %min3A_467, %reduce_min3A_470 : vector<16xi32>
        %reduce_min3A_472 = tpu.scan <min>, %reduce_min3A_471 masked %reduce_min3A_468 : vector<16xi32>, vector<16xi1> -> vector<16xi32>
        %reduce_min3A_473 = arith.xori %reduce_min3A_472, %reduce_min3A_470 : vector<16xi32>
        %reduce_min3A_474 = vector.extract %reduce_min3A_473[15] : i32 from vector<16xi32>
        %while3A_475:16 = scf.while (%while3A_599 = %reduce_min3A_474, %while3A_600 = %select_n3A_326, %while3A_601 = %select_n3A_334, %while3A_602 = %select_n3A_342, %while3A_603 = %select_n3A_350, %while3A_604 = %select_n3A_358, %while3A_605 = %select_n3A_366, %while3A_606 = %select_n3A_374, %while3A_607 = %select_n3A_382, %while3A_608 = %select_n3A_390, %while3A_609 = %select_n3A_398, %while3A_610 = %select_n3A_406, %while3A_611 = %select_n3A_414, %while3A_612 = %select_n3A_426, %while3A_613 = %broadcast_in_dim3A_82, %while3A_614 = %broadcast_in_dim3A_80) : (i32, vector<16xi32>, vector<16xi32>, vector<16xi32>, vector<16xi32>, vector<16xi32>, vector<16xi32>, vector<16xi32>, vector<16xi32>, vector<16xi32>, vector<16xi32>, vector<16xi32>, vector<16xi32>, vector<16xi32>, vector<16xf32>, vector<16xi32>) -> (i32, vector<16xi32>, vector<16xi32>, vector<16xi32>, vector<16xi32>, vector<16xi32>, vector<16xi32>, vector<16xi32>, vector<16xi32>, vector<16xi32>, vector<16xi32>, vector<16xi32>, vector<16xi32>, vector<16xi32>, vector<16xf32>, vector<16xi32>) {
          %lt3A_615 = arith.constant 1073741824 : i32
          %lt3A_616 = arith.cmpi slt, %while3A_599, %lt3A_615 : i32
          scf.condition(%lt3A_616) %while3A_599, %while3A_600, %while3A_601, %while3A_602, %while3A_603, %while3A_604, %while3A_605, %while3A_606, %while3A_607, %while3A_608, %while3A_609, %while3A_610, %while3A_611, %while3A_612, %while3A_613, %while3A_614 : i32, vector<16xi32>, vector<16xi32>, vector<16xi32>, vector<16xi32>, vector<16xi32>, vector<16xi32>, vector<16xi32>, vector<16xi32>, vector<16xi32>, vector<16xi32>, vector<16xi32>, vector<16xi32>, vector<16xi32>, vector<16xf32>, vector<16xi32>
        } do {
        ^bb0(%while3A_599: i32, %while3A_600: vector<16xi32>, %while3A_601: vector<16xi32>, %while3A_602: vector<16xi32>, %while3A_603: vector<16xi32>, %while3A_604: vector<16xi32>, %while3A_605: vector<16xi32>, %while3A_606: vector<16xi32>, %while3A_607: vector<16xi32>, %while3A_608: vector<16xi32>, %while3A_609: vector<16xi32>, %while3A_610: vector<16xi32>, %while3A_611: vector<16xi32>, %while3A_612: vector<16xi32>, %while3A_613: vector<16xf32>, %while3A_614: vector<16xi32>):
          %broadcast_in_dim3A_615 = vector.broadcast %while3A_599 : i32 to vector<16xi32>
          %gather3A_616 = tpu.vector_load_idx %arg7[%broadcast_in_dim3A_317, %broadcast_in_dim3A_615] : memref<128x200xf32, #tpu.memory_space<vmem>>[vector<16xi32>, vector<16xi32>], vector<16xf32>,
          %gt3A_617 = arith.cmpf ogt, %gather3A_437, %gather3A_616 : vector<16xf32>
          %eq3A_618 = arith.cmpf oeq, %gather3A_437, %gather3A_616 : vector<16xf32>
          %lt3A_619 = arith.cmpi slt, %add3A_5, %broadcast_in_dim3A_615 : vector<16xi32>
          %and3A_620 = arith.andi %eq3A_618, %lt3A_619 : vector<16xi1>
          %or3A = arith.ori %gt3A_617, %and3A_620 : vector<16xi1>
          %convert_element_type3A_621 = arith.extui %or3A : vector<16xi1> to vector<16xi32>
          %add3A_622 = arith.addi %broadcast_in_dim3A_80, %convert_element_type3A_621 : vector<16xi32>
          %gt3A_623 = arith.cmpf ogt, %gather3A_438, %gather3A_616 : vector<16xf32>
          %eq3A_624 = arith.cmpf oeq, %gather3A_438, %gather3A_616 : vector<16xf32>
          %lt3A_625 = arith.cmpi slt, %add3A_8, %broadcast_in_dim3A_615 : vector<16xi32>
          %and3A_626 = arith.andi %eq3A_624, %lt3A_625 : vector<16xi1>
          %or3A_627 = arith.ori %gt3A_623, %and3A_626 : vector<16xi1>
          %convert_element_type3A_628 = arith.extui %or3A_627 : vector<16xi1> to vector<16xi32>
          %add3A_629 = arith.addi %add3A_622, %convert_element_type3A_628 : vector<16xi32>
          %gt3A_630 = arith.cmpf ogt, %gather3A_439, %gather3A_616 : vector<16xf32>
          %eq3A_631 = arith.cmpf oeq, %gather3A_439, %gather3A_616 : vector<16xf32>
          %lt3A_632 = arith.cmpi slt, %add3A_11, %broadcast_in_dim3A_615 : vector<16xi32>
          %and3A_633 = arith.andi %eq3A_631, %lt3A_632 : vector<16xi1>
          %or3A_634 = arith.ori %gt3A_630, %and3A_633 : vector<16xi1>
          %convert_element_type3A_635 = arith.extui %or3A_634 : vector<16xi1> to vector<16xi32>
          %add3A_636 = arith.addi %add3A_629, %convert_element_type3A_635 : vector<16xi32>
          %gt3A_637 = arith.cmpf ogt, %gather3A_440, %gather3A_616 : vector<16xf32>
          %eq3A_638 = arith.cmpf oeq, %gather3A_440, %gather3A_616 : vector<16xf32>
          %lt3A_639 = arith.cmpi slt, %add3A_14, %broadcast_in_dim3A_615 : vector<16xi32>
          %and3A_640 = arith.andi %eq3A_638, %lt3A_639 : vector<16xi1>
          %or3A_641 = arith.ori %gt3A_637, %and3A_640 : vector<16xi1>
          %convert_element_type3A_642 = arith.extui %or3A_641 : vector<16xi1> to vector<16xi32>
          %add3A_643 = arith.addi %add3A_636, %convert_element_type3A_642 : vector<16xi32>
          %gt3A_644 = arith.cmpf ogt, %gather3A_441, %gather3A_616 : vector<16xf32>
          %eq3A_645 = arith.cmpf oeq, %gather3A_441, %gather3A_616 : vector<16xf32>
          %lt3A_646 = arith.cmpi slt, %add3A_17, %broadcast_in_dim3A_615 : vector<16xi32>
          %and3A_647 = arith.andi %eq3A_645, %lt3A_646 : vector<16xi1>
          %or3A_648 = arith.ori %gt3A_644, %and3A_647 : vector<16xi1>
          %convert_element_type3A_649 = arith.extui %or3A_648 : vector<16xi1> to vector<16xi32>
          %add3A_650 = arith.addi %add3A_643, %convert_element_type3A_649 : vector<16xi32>
          %gt3A_651 = arith.cmpf ogt, %gather3A_442, %gather3A_616 : vector<16xf32>
          %eq3A_652 = arith.cmpf oeq, %gather3A_442, %gather3A_616 : vector<16xf32>
          %lt3A_653 = arith.cmpi slt, %add3A_20, %broadcast_in_dim3A_615 : vector<16xi32>
          %and3A_654 = arith.andi %eq3A_652, %lt3A_653 : vector<16xi1>
          %or3A_655 = arith.ori %gt3A_651, %and3A_654 : vector<16xi1>
          %convert_element_type3A_656 = arith.extui %or3A_655 : vector<16xi1> to vector<16xi32>
          %add3A_657 = arith.addi %add3A_650, %convert_element_type3A_656 : vector<16xi32>
          %gt3A_658 = arith.cmpf ogt, %gather3A_443, %gather3A_616 : vector<16xf32>
          %eq3A_659 = arith.cmpf oeq, %gather3A_443, %gather3A_616 : vector<16xf32>
          %lt3A_660 = arith.cmpi slt, %add3A_23, %broadcast_in_dim3A_615 : vector<16xi32>
          %and3A_661 = arith.andi %eq3A_659, %lt3A_660 : vector<16xi1>
          %or3A_662 = arith.ori %gt3A_658, %and3A_661 : vector<16xi1>
          %convert_element_type3A_663 = arith.extui %or3A_662 : vector<16xi1> to vector<16xi32>
          %add3A_664 = arith.addi %add3A_657, %convert_element_type3A_663 : vector<16xi32>
          %gt3A_665 = arith.cmpf ogt, %gather3A_444, %gather3A_616 : vector<16xf32>
          %eq3A_666 = arith.cmpf oeq, %gather3A_444, %gather3A_616 : vector<16xf32>
          %lt3A_667 = arith.cmpi slt, %add3A_26, %broadcast_in_dim3A_615 : vector<16xi32>
          %and3A_668 = arith.andi %eq3A_666, %lt3A_667 : vector<16xi1>
          %or3A_669 = arith.ori %gt3A_665, %and3A_668 : vector<16xi1>
          %convert_element_type3A_670 = arith.extui %or3A_669 : vector<16xi1> to vector<16xi32>
          %add3A_671 = arith.addi %add3A_664, %convert_element_type3A_670 : vector<16xi32>
          %gt3A_672 = arith.cmpf ogt, %gather3A_445, %gather3A_616 : vector<16xf32>
          %eq3A_673 = arith.cmpf oeq, %gather3A_445, %gather3A_616 : vector<16xf32>
          %lt3A_674 = arith.cmpi slt, %add3A_29, %broadcast_in_dim3A_615 : vector<16xi32>
          %and3A_675 = arith.andi %eq3A_673, %lt3A_674 : vector<16xi1>
          %or3A_676 = arith.ori %gt3A_672, %and3A_675 : vector<16xi1>
          %convert_element_type3A_677 = arith.extui %or3A_676 : vector<16xi1> to vector<16xi32>
          %add3A_678 = arith.addi %add3A_671, %convert_element_type3A_677 : vector<16xi32>
          %gt3A_679 = arith.cmpf ogt, %gather3A_446, %gather3A_616 : vector<16xf32>
          %eq3A_680 = arith.cmpf oeq, %gather3A_446, %gather3A_616 : vector<16xf32>
          %lt3A_681 = arith.cmpi slt, %add3A_32, %broadcast_in_dim3A_615 : vector<16xi32>
          %and3A_682 = arith.andi %eq3A_680, %lt3A_681 : vector<16xi1>
          %or3A_683 = arith.ori %gt3A_679, %and3A_682 : vector<16xi1>
          %convert_element_type3A_684 = arith.extui %or3A_683 : vector<16xi1> to vector<16xi32>
          %add3A_685 = arith.addi %add3A_678, %convert_element_type3A_684 : vector<16xi32>
          %gt3A_686 = arith.cmpf ogt, %gather3A_447, %gather3A_616 : vector<16xf32>
          %eq3A_687 = arith.cmpf oeq, %gather3A_447, %gather3A_616 : vector<16xf32>
          %lt3A_688 = arith.cmpi slt, %add3A_35, %broadcast_in_dim3A_615 : vector<16xi32>
          %and3A_689 = arith.andi %eq3A_687, %lt3A_688 : vector<16xi1>
          %or3A_690 = arith.ori %gt3A_686, %and3A_689 : vector<16xi1>
          %convert_element_type3A_691 = arith.extui %or3A_690 : vector<16xi1> to vector<16xi32>
          %add3A_692 = arith.addi %add3A_685, %convert_element_type3A_691 : vector<16xi32>
          %gt3A_693 = arith.cmpf ogt, %gather3A_448, %gather3A_616 : vector<16xf32>
          %eq3A_694 = arith.cmpf oeq, %gather3A_448, %gather3A_616 : vector<16xf32>
          %lt3A_695 = arith.cmpi slt, %add3A_38, %broadcast_in_dim3A_615 : vector<16xi32>
          %and3A_696 = arith.andi %eq3A_694, %lt3A_695 : vector<16xi1>
          %or3A_697 = arith.ori %gt3A_693, %and3A_696 : vector<16xi1>
          %convert_element_type3A_698 = arith.extui %or3A_697 : vector<16xi1> to vector<16xi32>
          %add3A_699 = arith.addi %add3A_692, %convert_element_type3A_698 : vector<16xi32>
          %gt3A_700 = arith.cmpf ogt, %select_n3A_455, %gather3A_616 : vector<16xf32>
          %eq3A_701 = arith.cmpf oeq, %select_n3A_455, %gather3A_616 : vector<16xf32>
          %lt3A_702 = arith.cmpi slt, %add3A_41, %broadcast_in_dim3A_615 : vector<16xi32>
          %and3A_703 = arith.andi %eq3A_701, %lt3A_702 : vector<16xi1>
          %or3A_704 = arith.ori %gt3A_700, %and3A_703 : vector<16xi1>
          %convert_element_type3A_705 = arith.extui %or3A_704 : vector<16xi1> to vector<16xi32>
          %add3A_706 = arith.addi %add3A_699, %convert_element_type3A_705 : vector<16xi32>
          %reduce_sum3A_707 = arith.constant true
          %reduce_sum3A_708 = vector.broadcast %reduce_sum3A_707 : i1 to vector<16xi1>
          %reduce_sum3A_709 = tpu.scan <sum>, %add3A_706 masked %reduce_sum3A_708 : vector<16xi32>, vector<16xi1> -> vector<16xi32>
          %reduce_sum3A_710 = vector.extract %reduce_sum3A_709[15] : i32 from vector<16xi32>
          %broadcast_in_dim3A_711 = vector.broadcast %reduce_sum3A_710 : i32 to vector<16xi32>
          %eq3A_712 = arith.cmpi eq, %broadcast_in_dim3A_711, %iota3A : vector<16xi32>
          %select_n3A_713 = arith.select %eq3A_712, %select_n3A_139, %broadcast_in_dim3A_82 : vector<16xi1>, vector<16xf32>
          %add3A_714 = arith.addf %while3A_613, %select_n3A_713 : vector<16xf32>
          %lt3A_715 = arith.constant 10 : i32
          %lt3A_716 = vector.broadcast %lt3A_715 : i32 to vector<16xi32>
          %lt3A_717 = arith.cmpi slt, %iota3A, %lt3A_716 : vector<16xi32>
          %and3A_718 = arith.andi %eq3A_712, %lt3A_717 : vector<16xi1>
          %convert_element_type3A_719 = arith.extui %and3A_718 : vector<16xi1> to vector<16xi32>
          %add3A_720 = arith.addi %while3A_614, %convert_element_type3A_719 : vector<16xi32>
          %eq3A_721 = arith.cmpi eq, %while3A_600, %broadcast_in_dim3A_615 : vector<16xi32>
          %jit3A_722 = arith.constant 1073741824 : i64
          %convert_element_type3A_723 = arith.trunci %jit3A_722 : i64 to i32
          %broadcast_in_dim3A_724 = vector.broadcast %convert_element_type3A_723 : i32 to vector<16xi32>
          %select_n3A_725 = arith.select %eq3A_721, %broadcast_in_dim3A_724, %while3A_600 : vector<16xi1>, vector<16xi32>
          %eq3A_726 = arith.cmpi eq, %while3A_601, %broadcast_in_dim3A_615 : vector<16xi32>
          %jit3A_727 = arith.constant 1073741824 : i64
          %convert_element_type3A_728 = arith.trunci %jit3A_727 : i64 to i32
          %broadcast_in_dim3A_729 = vector.broadcast %convert_element_type3A_728 : i32 to vector<16xi32>
          %select_n3A_730 = arith.select %eq3A_726, %broadcast_in_dim3A_729, %while3A_601 : vector<16xi1>, vector<16xi32>
          %eq3A_731 = arith.cmpi eq, %while3A_602, %broadcast_in_dim3A_615 : vector<16xi32>
          %jit3A_732 = arith.constant 1073741824 : i64
          %convert_element_type3A_733 = arith.trunci %jit3A_732 : i64 to i32
          %broadcast_in_dim3A_734 = vector.broadcast %convert_element_type3A_733 : i32 to vector<16xi32>
          %select_n3A_735 = arith.select %eq3A_731, %broadcast_in_dim3A_734, %while3A_602 : vector<16xi1>, vector<16xi32>
          %eq3A_736 = arith.cmpi eq, %while3A_603, %broadcast_in_dim3A_615 : vector<16xi32>
          %jit3A_737 = arith.constant 1073741824 : i64
          %convert_element_type3A_738 = arith.trunci %jit3A_737 : i64 to i32
          %broadcast_in_dim3A_739 = vector.broadcast %convert_element_type3A_738 : i32 to vector<16xi32>
          %select_n3A_740 = arith.select %eq3A_736, %broadcast_in_dim3A_739, %while3A_603 : vector<16xi1>, vector<16xi32>
          %eq3A_741 = arith.cmpi eq, %while3A_604, %broadcast_in_dim3A_615 : vector<16xi32>
          %jit3A_742 = arith.constant 1073741824 : i64
          %convert_element_type3A_743 = arith.trunci %jit3A_742 : i64 to i32
          %broadcast_in_dim3A_744 = vector.broadcast %convert_element_type3A_743 : i32 to vector<16xi32>
          %select_n3A_745 = arith.select %eq3A_741, %broadcast_in_dim3A_744, %while3A_604 : vector<16xi1>, vector<16xi32>
          %eq3A_746 = arith.cmpi eq, %while3A_605, %broadcast_in_dim3A_615 : vector<16xi32>
          %jit3A_747 = arith.constant 1073741824 : i64
          %convert_element_type3A_748 = arith.trunci %jit3A_747 : i64 to i32
          %broadcast_in_dim3A_749 = vector.broadcast %convert_element_type3A_748 : i32 to vector<16xi32>
          %select_n3A_750 = arith.select %eq3A_746, %broadcast_in_dim3A_749, %while3A_605 : vector<16xi1>, vector<16xi32>
          %eq3A_751 = arith.cmpi eq, %while3A_606, %broadcast_in_dim3A_615 : vector<16xi32>
          %jit3A_752 = arith.constant 1073741824 : i64
          %convert_element_type3A_753 = arith.trunci %jit3A_752 : i64 to i32
          %broadcast_in_dim3A_754 = vector.broadcast %convert_element_type3A_753 : i32 to vector<16xi32>
          %select_n3A_755 = arith.select %eq3A_751, %broadcast_in_dim3A_754, %while3A_606 : vector<16xi1>, vector<16xi32>
          %eq3A_756 = arith.cmpi eq, %while3A_607, %broadcast_in_dim3A_615 : vector<16xi32>
          %jit3A_757 = arith.constant 1073741824 : i64
          %convert_element_type3A_758 = arith.trunci %jit3A_757 : i64 to i32
          %broadcast_in_dim3A_759 = vector.broadcast %convert_element_type3A_758 : i32 to vector<16xi32>
          %select_n3A_760 = arith.select %eq3A_756, %broadcast_in_dim3A_759, %while3A_607 : vector<16xi1>, vector<16xi32>
          %eq3A_761 = arith.cmpi eq, %while3A_608, %broadcast_in_dim3A_615 : vector<16xi32>
          %jit3A_762 = arith.constant 1073741824 : i64
          %convert_element_type3A_763 = arith.trunci %jit3A_762 : i64 to i32
          %broadcast_in_dim3A_764 = vector.broadcast %convert_element_type3A_763 : i32 to vector<16xi32>
          %select_n3A_765 = arith.select %eq3A_761, %broadcast_in_dim3A_764, %while3A_608 : vector<16xi1>, vector<16xi32>
          %eq3A_766 = arith.cmpi eq, %while3A_609, %broadcast_in_dim3A_615 : vector<16xi32>
          %jit3A_767 = arith.constant 1073741824 : i64
          %convert_element_type3A_768 = arith.trunci %jit3A_767 : i64 to i32
          %broadcast_in_dim3A_769 = vector.broadcast %convert_element_type3A_768 : i32 to vector<16xi32>
          %select_n3A_770 = arith.select %eq3A_766, %broadcast_in_dim3A_769, %while3A_609 : vector<16xi1>, vector<16xi32>
          %eq3A_771 = arith.cmpi eq, %while3A_610, %broadcast_in_dim3A_615 : vector<16xi32>
          %jit3A_772 = arith.constant 1073741824 : i64
          %convert_element_type3A_773 = arith.trunci %jit3A_772 : i64 to i32
          %broadcast_in_dim3A_774 = vector.broadcast %convert_element_type3A_773 : i32 to vector<16xi32>
          %select_n3A_775 = arith.select %eq3A_771, %broadcast_in_dim3A_774, %while3A_610 : vector<16xi1>, vector<16xi32>
          %eq3A_776 = arith.cmpi eq, %while3A_611, %broadcast_in_dim3A_615 : vector<16xi32>
          %jit3A_777 = arith.constant 1073741824 : i64
          %convert_element_type3A_778 = arith.trunci %jit3A_777 : i64 to i32
          %broadcast_in_dim3A_779 = vector.broadcast %convert_element_type3A_778 : i32 to vector<16xi32>
          %select_n3A_780 = arith.select %eq3A_776, %broadcast_in_dim3A_779, %while3A_611 : vector<16xi1>, vector<16xi32>
          %eq3A_781 = arith.cmpi eq, %while3A_612, %broadcast_in_dim3A_615 : vector<16xi32>
          %jit3A_782 = arith.constant 1073741824 : i64
          %convert_element_type3A_783 = arith.trunci %jit3A_782 : i64 to i32
          %broadcast_in_dim3A_784 = vector.broadcast %convert_element_type3A_783 : i32 to vector<16xi32>
          %select_n3A_785 = arith.select %eq3A_781, %broadcast_in_dim3A_784, %while3A_612 : vector<16xi1>, vector<16xi32>
          %min3A_786 = arith.minsi %select_n3A_725, %select_n3A_730 : vector<16xi32>
          %min3A_787 = arith.minsi %select_n3A_735, %select_n3A_740 : vector<16xi32>
          %min3A_788 = arith.minsi %select_n3A_745, %select_n3A_750 : vector<16xi32>
          %min3A_789 = arith.minsi %select_n3A_755, %select_n3A_760 : vector<16xi32>
          %min3A_790 = arith.minsi %select_n3A_765, %select_n3A_770 : vector<16xi32>
          %min3A_791 = arith.minsi %select_n3A_775, %select_n3A_780 : vector<16xi32>
          %min3A_792 = arith.minsi %min3A_786, %min3A_787 : vector<16xi32>
          %min3A_793 = arith.minsi %min3A_788, %min3A_789 : vector<16xi32>
          %min3A_794 = arith.minsi %min3A_790, %min3A_791 : vector<16xi32>
          %min3A_795 = arith.minsi %min3A_792, %min3A_793 : vector<16xi32>
          %min3A_796 = arith.minsi %min3A_794, %select_n3A_785 : vector<16xi32>
          %min3A_797 = arith.minsi %min3A_795, %min3A_796 : vector<16xi32>
          %reduce_min3A_798 = arith.constant true
          %reduce_min3A_799 = vector.broadcast %reduce_min3A_798 : i1 to vector<16xi1>
          %reduce_min3A_800 = arith.constant -2147483648 : i32
          %reduce_min3A_801 = vector.broadcast %reduce_min3A_800 : i32 to vector<16xi32>
          %reduce_min3A_802 = arith.xori %min3A_797, %reduce_min3A_801 : vector<16xi32>
          %reduce_min3A_803 = tpu.scan <min>, %reduce_min3A_802 masked %reduce_min3A_799 : vector<16xi32>, vector<16xi1> -> vector<16xi32>
          %reduce_min3A_804 = arith.xori %reduce_min3A_803, %reduce_min3A_801 : vector<16xi32>
          %reduce_min3A_805 = vector.extract %reduce_min3A_804[15] : i32 from vector<16xi32>
          scf.yield %reduce_min3A_805, %select_n3A_725, %select_n3A_730, %select_n3A_735, %select_n3A_740, %select_n3A_745, %select_n3A_750, %select_n3A_755, %select_n3A_760, %select_n3A_765, %select_n3A_770, %select_n3A_775, %select_n3A_780, %select_n3A_785, %add3A_714, %add3A_720 : i32, vector<16xi32>, vector<16xi32>, vector<16xi32>, vector<16xi32>, vector<16xi32>, vector<16xi32>, vector<16xi32>, vector<16xi32>, vector<16xi32>, vector<16xi32>, vector<16xi32>, vector<16xi32>, vector<16xi32>, vector<16xf32>, vector<16xi32>
        }
        %broadcast_in_dim3A_476 = vector.broadcast %reduce_sum3A_430 : i32 to vector<16xi32>
        %reduce_sum3A_477 = arith.constant true
        %reduce_sum3A_478 = vector.broadcast %reduce_sum3A_477 : i1 to vector<16xi1>
        %reduce_sum3A_479 = tpu.scan <sum>, %while3A_475#14 masked %reduce_sum3A_478 : vector<16xf32>, vector<16xi1> -> vector<16xf32>
        %reduce_sum3A_480 = vector.extract %reduce_sum3A_479[15] : f32 from vector<16xf32>
        %broadcast_in_dim3A_481 = vector.broadcast %reduce_sum3A_480 : f32 to vector<16xf32>
        %reduce_sum3A_482 = arith.constant true
        %reduce_sum3A_483 = vector.broadcast %reduce_sum3A_482 : i1 to vector<16xi1>
        %reduce_sum3A_484 = tpu.scan <sum>, %while3A_475#15 masked %reduce_sum3A_483 : vector<16xi32>, vector<16xi1> -> vector<16xi32>
        %reduce_sum3A_485 = vector.extract %reduce_sum3A_484[15] : i32 from vector<16xi32>
        %broadcast_in_dim3A_486 = vector.broadcast %reduce_sum3A_485 : i32 to vector<16xi32>
        %gt3A_487 = arith.constant 0 : i32
        %gt3A_488 = vector.broadcast %gt3A_487 : i32 to vector<16xi32>
        %gt3A_489 = arith.cmpi sgt, %broadcast_in_dim3A_476, %gt3A_488 : vector<16xi32>
        %jit3A_490 = arith.constant 1.000000e+00 : f32
        %jit3A_491 = arith.constant 0.000000e+00 : f32
        %broadcast_in_dim3A_492 = vector.broadcast %jit3A_490 : f32 to vector<16xf32>
        %broadcast_in_dim3A_493 = vector.broadcast %jit3A_491 : f32 to vector<16xf32>
        %select_n3A_494 = arith.select %gt3A_489, %broadcast_in_dim3A_492, %broadcast_in_dim3A_493 : vector<16xi1>, vector<16xf32>
        %add3A_495 = arith.addf %broadcast_in_dim3A_82, %select_n3A_494 : vector<16xf32>
        %gt3A_496 = arith.constant 1 : i32
        %gt3A_497 = vector.broadcast %gt3A_496 : i32 to vector<16xi32>
        %gt3A_498 = arith.cmpi sgt, %broadcast_in_dim3A_476, %gt3A_497 : vector<16xi32>
        %jit3A_499 = arith.constant 0.630929768 : f32
        %jit3A_500 = arith.constant 0.000000e+00 : f32
        %broadcast_in_dim3A_501 = vector.broadcast %jit3A_499 : f32 to vector<16xf32>
        %broadcast_in_dim3A_502 = vector.broadcast %jit3A_500 : f32 to vector<16xf32>
        %select_n3A_503 = arith.select %gt3A_498, %broadcast_in_dim3A_501, %broadcast_in_dim3A_502 : vector<16xi1>, vector<16xf32>
        %add3A_504 = arith.addf %add3A_495, %select_n3A_503 : vector<16xf32>
        %gt3A_505 = arith.constant 2 : i32
        %gt3A_506 = vector.broadcast %gt3A_505 : i32 to vector<16xi32>
        %gt3A_507 = arith.cmpi sgt, %broadcast_in_dim3A_476, %gt3A_506 : vector<16xi32>
        %jit3A_508 = arith.constant 5.000000e-01 : f32
        %jit3A_509 = arith.constant 0.000000e+00 : f32
        %broadcast_in_dim3A_510 = vector.broadcast %jit3A_508 : f32 to vector<16xf32>
        %broadcast_in_dim3A_511 = vector.broadcast %jit3A_509 : f32 to vector<16xf32>
        %select_n3A_512 = arith.select %gt3A_507, %broadcast_in_dim3A_510, %broadcast_in_dim3A_511 : vector<16xi1>, vector<16xf32>
        %add3A_513 = arith.addf %add3A_504, %select_n3A_512 : vector<16xf32>
        %gt3A_514 = arith.constant 3 : i32
        %gt3A_515 = vector.broadcast %gt3A_514 : i32 to vector<16xi32>
        %gt3A_516 = arith.cmpi sgt, %broadcast_in_dim3A_476, %gt3A_515 : vector<16xi32>
        %jit3A_517 = arith.constant 0.43067655 : f32
        %jit3A_518 = arith.constant 0.000000e+00 : f32
        %broadcast_in_dim3A_519 = vector.broadcast %jit3A_517 : f32 to vector<16xf32>
        %broadcast_in_dim3A_520 = vector.broadcast %jit3A_518 : f32 to vector<16xf32>
        %select_n3A_521 = arith.select %gt3A_516, %broadcast_in_dim3A_519, %broadcast_in_dim3A_520 : vector<16xi1>, vector<16xf32>
        %add3A_522 = arith.addf %add3A_513, %select_n3A_521 : vector<16xf32>
        %gt3A_523 = arith.constant 4 : i32
        %gt3A_524 = vector.broadcast %gt3A_523 : i32 to vector<16xi32>
        %gt3A_525 = arith.cmpi sgt, %broadcast_in_dim3A_476, %gt3A_524 : vector<16xi32>
        %jit3A_526 = arith.constant 0.386852801 : f32
        %jit3A_527 = arith.constant 0.000000e+00 : f32
        %broadcast_in_dim3A_528 = vector.broadcast %jit3A_526 : f32 to vector<16xf32>
        %broadcast_in_dim3A_529 = vector.broadcast %jit3A_527 : f32 to vector<16xf32>
        %select_n3A_530 = arith.select %gt3A_525, %broadcast_in_dim3A_528, %broadcast_in_dim3A_529 : vector<16xi1>, vector<16xf32>
        %add3A_531 = arith.addf %add3A_522, %select_n3A_530 : vector<16xf32>
        %gt3A_532 = arith.constant 5 : i32
        %gt3A_533 = vector.broadcast %gt3A_532 : i32 to vector<16xi32>
        %gt3A_534 = arith.cmpi sgt, %broadcast_in_dim3A_476, %gt3A_533 : vector<16xi32>
        %jit3A_535 = arith.constant 0.356207192 : f32
        %jit3A_536 = arith.constant 0.000000e+00 : f32
        %broadcast_in_dim3A_537 = vector.broadcast %jit3A_535 : f32 to vector<16xf32>
        %broadcast_in_dim3A_538 = vector.broadcast %jit3A_536 : f32 to vector<16xf32>
        %select_n3A_539 = arith.select %gt3A_534, %broadcast_in_dim3A_537, %broadcast_in_dim3A_538 : vector<16xi1>, vector<16xf32>
        %add3A_540 = arith.addf %add3A_531, %select_n3A_539 : vector<16xf32>
        %gt3A_541 = arith.constant 6 : i32
        %gt3A_542 = vector.broadcast %gt3A_541 : i32 to vector<16xi32>
        %gt3A_543 = arith.cmpi sgt, %broadcast_in_dim3A_476, %gt3A_542 : vector<16xi32>
        %jit3A_544 = arith.constant 0.333333343 : f32
        %jit3A_545 = arith.constant 0.000000e+00 : f32
        %broadcast_in_dim3A_546 = vector.broadcast %jit3A_544 : f32 to vector<16xf32>
        %broadcast_in_dim3A_547 = vector.broadcast %jit3A_545 : f32 to vector<16xf32>
        %select_n3A_548 = arith.select %gt3A_543, %broadcast_in_dim3A_546, %broadcast_in_dim3A_547 : vector<16xi1>, vector<16xf32>
        %add3A_549 = arith.addf %add3A_540, %select_n3A_548 : vector<16xf32>
        %gt3A_550 = arith.constant 7 : i32
        %gt3A_551 = vector.broadcast %gt3A_550 : i32 to vector<16xi32>
        %gt3A_552 = arith.cmpi sgt, %broadcast_in_dim3A_476, %gt3A_551 : vector<16xi32>
        %jit3A_553 = arith.constant 0.315464884 : f32
        %jit3A_554 = arith.constant 0.000000e+00 : f32
        %broadcast_in_dim3A_555 = vector.broadcast %jit3A_553 : f32 to vector<16xf32>
        %broadcast_in_dim3A_556 = vector.broadcast %jit3A_554 : f32 to vector<16xf32>
        %select_n3A_557 = arith.select %gt3A_552, %broadcast_in_dim3A_555, %broadcast_in_dim3A_556 : vector<16xi1>, vector<16xf32>
        %add3A_558 = arith.addf %add3A_549, %select_n3A_557 : vector<16xf32>
        %gt3A_559 = arith.constant 8 : i32
        %gt3A_560 = vector.broadcast %gt3A_559 : i32 to vector<16xi32>
        %gt3A_561 = arith.cmpi sgt, %broadcast_in_dim3A_476, %gt3A_560 : vector<16xi32>
        %jit3A_562 = arith.constant 3.010300e-01 : f32
        %jit3A_563 = arith.constant 0.000000e+00 : f32
        %broadcast_in_dim3A_564 = vector.broadcast %jit3A_562 : f32 to vector<16xf32>
        %broadcast_in_dim3A_565 = vector.broadcast %jit3A_563 : f32 to vector<16xf32>
        %select_n3A_566 = arith.select %gt3A_561, %broadcast_in_dim3A_564, %broadcast_in_dim3A_565 : vector<16xi1>, vector<16xf32>
        %add3A_567 = arith.addf %add3A_558, %select_n3A_566 : vector<16xf32>
        %gt3A_568 = arith.constant 9 : i32
        %gt3A_569 = vector.broadcast %gt3A_568 : i32 to vector<16xi32>
        %gt3A_570 = arith.cmpi sgt, %broadcast_in_dim3A_476, %gt3A_569 : vector<16xi32>
        %jit3A_571 = arith.constant 0.289064825 : f32
        %jit3A_572 = arith.constant 0.000000e+00 : f32
        %broadcast_in_dim3A_573 = vector.broadcast %jit3A_571 : f32 to vector<16xf32>
        %broadcast_in_dim3A_574 = vector.broadcast %jit3A_572 : f32 to vector<16xf32>
        %select_n3A_575 = arith.select %gt3A_570, %broadcast_in_dim3A_573, %broadcast_in_dim3A_574 : vector<16xi1>, vector<16xf32>
        %add3A_576 = arith.addf %add3A_567, %select_n3A_575 : vector<16xf32>
        %eq3A_577 = arith.constant 0.000000e+00 : f32
        %eq3A_578 = vector.broadcast %eq3A_577 : f32 to vector<16xf32>
        %eq3A_579 = arith.cmpf oeq, %add3A_576, %eq3A_578 : vector<16xf32>
        %jit3A_580 = arith.constant 1.000000e+00 : f32
        %broadcast_in_dim3A_581 = vector.broadcast %jit3A_580 : f32 to vector<16xf32>
        %select_n3A_582 = arith.select %eq3A_579, %broadcast_in_dim3A_581, %add3A_576 : vector<16xi1>, vector<16xf32>
        %div3A = arith.divf %broadcast_in_dim3A_481, %select_n3A_582 : vector<16xf32>
        %min3A_583 = arith.constant 10 : i32
        %min3A_584 = vector.broadcast %min3A_583 : i32 to vector<16xi32>
        %min3A_585 = arith.minsi %broadcast_in_dim3A_476, %min3A_584 : vector<16xi32>
        %max3A = arith.constant 1 : i32
        %max3A_586 = vector.broadcast %max3A : i32 to vector<16xi32>
        %max3A_587 = arith.maxsi %min3A_585, %max3A_586 : vector<16xi32>
        %convert_element_type3A_588 = arith.sitofp %max3A_587 : vector<16xi32> to vector<16xf32>
        %convert_element_type3A_589 = arith.sitofp %broadcast_in_dim3A_486 : vector<16xi32> to vector<16xf32>
        %div3A_590 = arith.divf %convert_element_type3A_589, %convert_element_type3A_588 : vector<16xf32>
        %gt3A_591 = arith.constant 0 : i32
        %gt3A_592 = vector.broadcast %gt3A_591 : i32 to vector<16xi32>
        %gt3A_593 = arith.cmpi sgt, %broadcast_in_dim3A_486, %gt3A_592 : vector<16xi32>
        %convert_element_type3A_594 = arith.extui %gt3A_593 : vector<16xi1> to vector<16xi32>
        %convert_element_type3A_595 = arith.sitofp %convert_element_type3A_594 : vector<16xi32> to vector<16xf32>
        %add3A_596 = arith.addf %cond3A_314#0, %div3A : vector<16xf32>
        %add3A_597 = arith.addf %cond3A_314#1, %div3A_590 : vector<16xf32>
        %add3A_598 = arith.addf %cond3A_314#2, %convert_element_type3A_595 : vector<16xf32>
        scf.yield %add3A_596, %add3A_597, %add3A_598 : vector<16xf32>, vector<16xf32>, vector<16xf32>
      } else {
        scf.yield %cond3A_314#0, %cond3A_314#1, %cond3A_314#2 : vector<16xf32>, vector<16xf32>, vector<16xf32>
      }
      scf.yield %cond3A_436#0, %cond3A_436#1, %cond3A_436#2 : vector<16xf32>, vector<16xf32>, vector<16xf32>
    }
    %reduce_max3A = arith.constant true
    %reduce_max3A_169 = vector.broadcast %reduce_max3A : i1 to vector<16xi1>
    %reduce_max3A_170 = tpu.scan <max>, %while3A_168#0 masked %reduce_max3A_169 : vector<16xf32>, vector<16xi1> -> vector<16xf32>
    %reduce_max3A_171 = vector.extract %reduce_max3A_170[15] : f32 from vector<16xf32>
    %reduce_max3A_172 = arith.constant true
    %reduce_max3A_173 = vector.broadcast %reduce_max3A_172 : i1 to vector<16xi1>
    %reduce_max3A_174 = tpu.scan <max>, %while3A_168#1 masked %reduce_max3A_173 : vector<16xf32>, vector<16xi1> -> vector<16xf32>
    %reduce_max3A_175 = vector.extract %reduce_max3A_174[15] : f32 from vector<16xf32>
    %reduce_max3A_176 = arith.constant true
    %reduce_max3A_177 = vector.broadcast %reduce_max3A_176 : i1 to vector<16xi1>
    %reduce_max3A_178 = tpu.scan <max>, %while3A_168#2 masked %reduce_max3A_177 : vector<16xf32>, vector<16xi1> -> vector<16xf32>
    %reduce_max3A_179 = vector.extract %reduce_max3A_178[15] : f32 from vector<16xf32>
    %eq3A_180 = arith.constant 0 : i32
    %eq3A_181 = vector.broadcast %eq3A_180 : i32 to vector<16xi32>
    %eq3A_182 = arith.cmpi eq, %iota3A, %eq3A_181 : vector<16xi32>
    %eq3A_183 = arith.constant 1 : i32
    %eq3A_184 = vector.broadcast %eq3A_183 : i32 to vector<16xi32>
    %eq3A_185 = arith.cmpi eq, %iota3A, %eq3A_184 : vector<16xi32>
    %eq3A_186 = arith.constant 2 : i32
    %eq3A_187 = vector.broadcast %eq3A_186 : i32 to vector<16xi32>
    %eq3A_188 = arith.cmpi eq, %iota3A, %eq3A_187 : vector<16xi32>
    %jit3A_189 = arith.constant 0.000000e+00 : f32
    %broadcast_in_dim3A_190 = vector.broadcast %reduce_max3A_179 : f32 to vector<16xf32>
    %broadcast_in_dim3A_191 = vector.broadcast %jit3A_189 : f32 to vector<16xf32>
    %select_n3A_192 = arith.select %eq3A_188, %broadcast_in_dim3A_190, %broadcast_in_dim3A_191 : vector<16xi1>, vector<16xf32>
    %broadcast_in_dim3A_193 = vector.broadcast %reduce_max3A_175 : f32 to vector<16xf32>
    %select_n3A_194 = arith.select %eq3A_185, %broadcast_in_dim3A_193, %select_n3A_192 : vector<16xi1>, vector<16xf32>
    %broadcast_in_dim3A_195 = vector.broadcast %reduce_max3A_171 : f32 to vector<16xf32>
    %select_n3A_196 = arith.select %eq3A_182, %broadcast_in_dim3A_195, %select_n3A_194 : vector<16xi1>, vector<16xf32>
    %swap3A = arith.constant 0 : index
    %swap3A_197 = tpu.vector_load %arg9[%swap3A] {strides = array<i32>} : memref<16xf32, #tpu.memory_space<vmem>>, vector<16xf32>,
    tpu.vector_store %arg9[%swap3A], %select_n3A_196 {strides = array<i32>} : memref<16xf32, #tpu.memory_space<vmem>>, vector<16xf32>,
    "tpu.region"() ({
      %run_scoped3A = tpu.sem_alloc : memref<!tpu.dma_semaphore, #tpu.memory_space<semaphore_mem>>
      %dma_start3A_198 = arith.constant 0 : i32
      %dma_start3A_199 = tpu.memref_slice %arg5[%add3A, %dma_start3A_198] : memref<32x16xf32, #tpu.memory_space<hbm>> -> memref<1x16xf32, #tpu.memory_space<hbm>>
      %dma_start3A_200 = tpu.memref_squeeze %dma_start3A_199 : memref<1x16xf32, #tpu.memory_space<hbm>> -> memref<16xf32, #tpu.memory_space<hbm>>
      %dma_start3A_201 = arith.constant 0 : i32
      %dma_start3A_202 = tpu.memref_slice %arg5[%add3A, %dma_start3A_201] : memref<32x16xf32, #tpu.memory_space<hbm>> -> memref<1x16xf32, #tpu.memory_space<hbm>>
      %dma_start3A_203 = tpu.memref_squeeze %dma_start3A_202 : memref<1x16xf32, #tpu.memory_space<hbm>> -> memref<16xf32, #tpu.memory_space<hbm>>
      tpu.enqueue_dma source(%arg9 : memref<16xf32, #tpu.memory_space<vmem>>) target(%dma_start3A_203 : memref<16xf32, #tpu.memory_space<hbm>>) target_semaphore(%run_scoped3A : memref<!tpu.dma_semaphore, #tpu.memory_space<semaphore_mem>>)
      %dma_wait3A_204 = arith.constant 0 : i32
      %dma_wait3A_205 = tpu.memref_slice %arg5[%add3A, %dma_wait3A_204] : memref<32x16xf32, #tpu.memory_space<hbm>> -> memref<1x16xf32, #tpu.memory_space<hbm>>
      %dma_wait3A_206 = tpu.memref_squeeze %dma_wait3A_205 : memref<1x16xf32, #tpu.memory_space<hbm>> -> memref<16xf32, #tpu.memory_space<hbm>>
      %dma_wait3A_207 = arith.constant 0 : i32
      %dma_wait3A_208 = tpu.memref_slice %arg5[%add3A, %dma_wait3A_207] : memref<32x16xf32, #tpu.memory_space<hbm>> -> memref<1x16xf32, #tpu.memory_space<hbm>>
      %dma_wait3A_209 = tpu.memref_squeeze %dma_wait3A_208 : memref<1x16xf32, #tpu.memory_space<hbm>> -> memref<16xf32, #tpu.memory_space<hbm>>
      tpu.wait_dma2 semaphore(%run_scoped3A : memref<!tpu.dma_semaphore, #tpu.memory_space<semaphore_mem>>) src(%arg9 : memref<16xf32, #tpu.memory_space<vmem>>) dst(%dma_wait3A_209 : memref<16xf32, #tpu.memory_space<hbm>>)
      tpu.yield
    }) : () -> ()
    return
  }
}

</mosaic_0001>

<sc_bundles>
// kernel: kernel.3.cloned.1.call-start
scs
__scs_entry_jumppad:
0x0: {  	(pc) =	sbr.rel $0x88, $3  }
0x1: {  	(tag) =	ssettag $0x0;
	lr =	simm.s32 $0x1  }
0x2: {  	[smem:$0x3F9E] =	sst lr;
	_ =	strace $0xD0000000  }
0x3: {  	_ = 	snop  }
0x4: {  	_ = 	snop  }
0x5: {  	_ = 	snop  }
0x6: {  	_ = 	snop  }
0x7: {  	_ = 	snop  }
__scs_overlays_trampoline_lowered:
0x8: {  	[smem:$0x3FAD] =	sst s0  }
0x9: {  	[smem:$0x3FAE] =	sst s1  }
0xa: {  	[smem:$0x3FAF] =	sst s2  }
0xb: {  	[smem:$0x3FB0] =	sst s3  }
0xc: {  	[smem:$0x3FB1] =	sst s4  }
0xd: {  	[smem:$0x3FB2] =	sst s5  }
0xe: {  	[smem:$0x3FB3] =	sst s6  }
0xf: {  	[smem:$0x3FB4] =	sst s7  }
0x10: {  	[smem:$0x3FB5] =	sst s8  }
0x11: {  	[smem:$0x3FB6] =	sst s9;
	s0 =	simm.s32 @!p0 $0x0  }
0x12: {  	s1 =	sld [smem:$0x3F9C];
	s0 =	simm.s32 @p0 $0x1  }
0x13: {  	[smem:$0x3FB7] =	sst s0;
	s0 =	simm.s32 @!p1 $0x0  }
0x14: {  	s2 =	sld [smem:$0x3F9B];
	s0 =	simm.s32 @p1 $0x1  }
0x15: {  	[smem:$0x3FB8] =	sst s0;
	s0 =	simm.s32 @!p2 $0x0  }
0x16: {  	s3 =	sld [smem:$0x3FDB];
	s0 =	simm.s32 @p2 $0x1  }
0x17: {  	s4 =	simm.s32 $0x1BF5;
	[smem:$0x3FBA] =	sst s0  }
0x18: {  	s0 =	sld [smem:$0x3F9D];
	_ =	swait.ge [sflag:s4], $0x0  }
0x19: {  	s7 =	sld [smem:$0x3F9E]  }
0x1a: {  	s8 =	sadd.s32 $0xFFFFE003, lr  }
0x1b: {  	s9 =	sadd.s32 $0xFFFFFEF7, lr;
	s5 =	simm.s32 $0xFFFFFFFF;
	p2 =	slt.u32 s8, $0xFFFFF086  }
0x1c: {  	p1 =	slt.u32 s9, $0xF7A;
	s5 =	simm.s32 @!p2 $0x0  }
0x1d: {  	s5 =	simm.s32 @p1 $0x1;
	p0 =	seq.s32 s7, s2  }
0x1e: {  	s7 =	smul.u32 @!p0 $0xF7A, s2;
	p2 =	seq.s32 @!p0 s5, $0x0  }
0x1f: {  	s9 =	smul.u32 $0xF7A, s1;
	s8 =	simm.s32 @!p0 $0x1BF5;
	p2 =	por !p2, p0  }
0x20: {  	[sflag:s8] =	ssyncset.s32 @!p0 $0xFFFFF086;
	s6 =	sadd.s32 @!p0 s3, s7;
	s7 =	simm.s32 @!p0 $0x108  }
0x21: {  	s3 =	sadd.s32 s3, s9;
	s6 =	sadd.s32 @!p0 $0x88, s6;
	s7 =	simm.s32 @p2 $0x1082  }
0x22: {  	[simem:s7], [sflag:s8] =	dma.local @!p0 [hbm:s6], $0xF7A  }
0x23: {  	s9 =	sor.u32 $0xD0000000, s2;
	s6 =	simm.s32 $0x108;
	_ =	swait.ge @!p0 [sflag:s8], $0x0  }
0x24: {  	s3 =	sadd.s32 $0x88, s3;
	s6 =	simm.s32 @!p1 $0x1082;
	[sflag:s4] =	ssyncset.s32 $0xFFFFF086  }
0x25: {  	[simem:s6], [sflag:s4] =	dma.local [hbm:s3], $0xF7A  }
0x26: {  	[smem:$0x3F9E] =	sst s1;
	(tag) =	ssettag s2;
	_ =	strace s9  }
0x27: {  	s1 =	sld [smem:$0x3FAE]  }
0x28: {  	s2 =	sld [smem:$0x3FAF]  }
0x29: {  	s4 =	sld [smem:$0x3FB1]  }
0x2a: {  	p0 =	seq.s32 s5, $0x0;
	s5 =	sld [smem:$0x3FB2]  }
0x2b: {  	s6 =	sld [smem:$0x3FB3]  }
0x2c: {  	s7 =	sld [smem:$0x3FB4]  }
0x2d: {  	s3 =	simm.s32 $0x108;
	s8 =	sld [smem:$0x3FB5]  }
0x2e: {  	s3 =	simm.s32 @!p0 $0x1082;
	s9 =	sld [smem:$0x3FB6]  }
0x2f: {  	lr =	sadd.s32 s0, s3;
	s0 =	sld [smem:$0x3FAD]  }
0x30: {  	s3 =	sld [smem:$0x3FB0]  }
0x31: {  	[smem:$0x3FB9] =	sst s10  }
0x32: {  	s10 =	sld [smem:$0x3FB7];
	_ =	sdelay $0x3  }
0x33: {  	p0 =	seq.s32 s10, $0x1;
	s10 =	sld [smem:$0x3FB9];
	_ =	sdelay $0x3  }
0x34: {  	[smem:$0x3FB9] =	sst s10  }
0x35: {  	s10 =	sld [smem:$0x3FB8];
	_ =	sdelay $0x3  }
0x36: {  	p1 =	seq.s32 s10, $0x1;
	s10 =	sld [smem:$0x3FB9];
	_ =	sdelay $0x3  }
0x37: {  	[smem:$0x3FB9] =	sst s10  }
0x38: {  	s10 =	sld [smem:$0x3FBA]  }
0x39: {  	_ = 	snop;
	(pc) =	sbr.ind lr, $3  }
0x3a: {  	_ = 	snop  }
0x3b: {  	_ = 	snop  }
0x3c: {  	p2 =	seq.s32 s10, $0x1;
	s10 =	sld [smem:$0x3FB9]  }
0x3d: {  	_ =	shalt  }
0x3e: {  	_ =	shalt  }
0x3f: {  	_ =	shalt  }
0x40: {  	_ =	shalt  }
0x41: {  	_ =	shalt  }
0x42: {  	_ =	shalt  }
0x43: {  	_ =	shalt  }
0x44: {  	_ =	shalt  }
0x45: {  	_ =	shalt  }
0x46: {  	_ =	shalt  }
0x47: {  	_ =	shalt  }
0x48: {  	_ =	shalt  }
0x49: {  	_ =	shalt  }
0x4a: {  	_ =	shalt  }
0x4b: {  	_ =	shalt  }
0x4c: {  	_ =	shalt  }
0x4d: {  	_ =	shalt  }
0x4e: {  	_ =	shalt  }
0x4f: {  	_ =	shalt  }
0x50: {  	_ =	shalt  }
0x51: {  	_ =	shalt  }
0x52: {  	_ =	shalt  }
0x53: {  	_ =	shalt  }
0x54: {  	_ =	shalt  }
0x55: {  	_ =	shalt  }
0x56: {  	_ =	shalt  }
0x57: {  	_ =	shalt  }
0x58: {  	_ =	shalt  }
0x59: {  	_ =	shalt  }
0x5a: {  	_ =	shalt  }
0x5b: {  	_ =	shalt  }
0x5c: {  	_ =	shalt  }
0x5d: {  	_ =	shalt  }
0x5e: {  	_ =	shalt  }
0x5f: {  	_ =	shalt  }
0x60: {  	_ =	shalt  }
0x61: {  	_ =	shalt  }
0x62: {  	_ =	shalt  }
0x63: {  	_ =	shalt  }
0x64: {  	_ =	shalt  }
0x65: {  	_ =	shalt  }
0x66: {  	_ =	shalt  }
0x67: {  	_ =	shalt  }
0x68: {  	_ =	shalt  }
0x69: {  	_ =	shalt  }
0x6a: {  	_ =	shalt  }
0x6b: {  	_ =	shalt  }
0x6c: {  	_ =	shalt  }
0x6d: {  	_ =	shalt  }
0x6e: {  	_ =	shalt  }
0x6f: {  	_ =	shalt  }
0x70: {  	_ =	shalt  }
0x71: {  	_ =	shalt  }
0x72: {  	_ =	shalt  }
0x73: {  	_ =	shalt  }
0x74: {  	_ =	shalt  }
0x75: {  	_ =	shalt  }
0x76: {  	_ =	shalt  }
0x77: {  	_ =	shalt  }
0x78: {  	_ =	shalt  }
0x79: {  	_ =	shalt  }
0x7a: {  	_ =	shalt  }
0x7b: {  	_ =	shalt  }
0x7c: {  	_ =	shalt  }
0x7d: {  	_ =	shalt  }
0x7e: {  	_ =	shalt  }
0x7f: {  	_ =	shalt  }
0x80: {  	_ =	shalt  }
0x81: {  	_ =	shalt  }
0x82: {  	_ =	shalt  }
0x83: {  	_ =	shalt  }
0x84: {  	_ =	shalt  }
0x85: {  	_ =	shalt  }
0x86: {  	_ =	shalt  }
0x87: {  	_ =	shalt  }
.Lfunc_end0:
.L_simem_size_0:
called_computation_lowered:
.L_overlay_start_0:
0x88: {  	s2 =	sld [smem:$0x3FD9]  }
0x89: {  	s3 =	sld [smem:$0x3FFE];
	_ =	sdelay $0x1  }
0x8a: {  	s1 =	srdreg.scid  }
0x8b: {  	s0 =	sand.u32 $0x1, s1  }
0x8c: {  	s16 =	sshll.u32 s0, $0xA;
	s2 =	sadd.s32 s3, s2  }
0x8d: {  	s2 =	sadd.s32 s2, s16  }
0x8e: {  	[smem:$0x3FC5] =	sst s2  }
0x8f: {  	_ = 	snop  }
0x90: {  	(tm) =	ssettm $0x1  }
0x91: {  	s17 =	sld [smem:$0x3FFB];
	_ =	sdelay $0x3  }
0x92: {  	_ =	strace s17  }
0x93: {  	s2 =	sld [smem:$0x3FFC];
	_ =	sdelay $0x3  }
0x94: {  	_ =	strace s2  }
0x95: {  	s2 =	sld [smem:$0x3FFD];
	_ =	sdelay $0x3  }
0x96: {  	_ =	strace s2  }
0x97: {  	_ =	strace $0x8FFFFFFF  }
0x98: {  	s18 =	sld [smem:$0x3FDB];
	_ =	sdelay $0x1  }
0x99: {  	s19 =	simm.s32 $_scs_section_size  }
0x9a: {  	s4 =	simm.s32 $_size__tile_overlayer_lowered;
	s5 =	simm.s32 $_tile_overlayer_lowered  }
0x9b: {  	s22 =	simm.s32 $0x1BFF;
	s21 =	sshll.u32 s5, $0x1;
	s2 =	sadd.s32 s19, s18  }
0x9c: {  	s6 =	simm.s32 $0x0;
	s20 =	sshll.u32 s4, $0x1;
	s4 =	sadd.s32 s21, s2  }
0x9d: {  	[timem:s6], [sflag:s22] =	dma.local [hbm:s4], s20  }
0x9e: {  	_ =	swait.ge [sflag:s22], s20  }
0x9f: {  	s3 =	ssub.s32 $0x0, s20;
	[sflag:s22] =	ssyncset.done $0x0  }
0xa0: {  	[sflag:s22] =	ssyncadd.s32 s3;
	_ =	sdelay $0x1  }
0xa1: {  	s23 =	simm.s32 $0x1B8B  }
0xa2: {  	_ =	swait.ge [sflag:s23], $0x1  }
0xa3: {  	[sflag:s23] =	ssyncset.done $0x0  }
0xa4: {  	s25 =	simm.s32 $0x1B8E;
	s24 =	sld [smem:$0x3FFE];
	[sflag:s23] =	ssyncadd.s32 $0xFFFFFFFF  }
0xa5: {  	s26 =	simm.s32 $execute0_lowered;
	[smem:$0x3FD2] =	sst s25  }
0xa6: {  	s4 =	sshll.u32 s26, $0x1;
	_ =	strace $0x80000046;
	[dreg:$0x1] =	wrdreg $0xFFFFFFFF  }
0xa7: {  	s28 =	simm.s32 $_size_execute0_lowered;
	s2 =	sadd.s32 s2, s4;
	[dreg:$0x0] =	wrdreg $0x0  }
0xa8: {  	s4 =	sshll.u32 s28, $0x1;
	[dreg:$0x2] =	wrdreg s2  }
0xa9: {  	[dreg:$0x3] =	wrdreg s4  }
0xaa: {  	[dreg:$0x4] =	wrdreg $0xC0  }
0xab: {  	_ =	task [dreg:s6], $0x5FFFF  }
0xac: {  	[dreg:$0x1] =	wrdreg $0xFFFFFFFF  }
0xad: {  	[dreg:$0x0] =	wrdreg $0x60  }
0xae: {  	[dreg:$0x2] =	wrdreg s24  }
0xaf: {  	[dreg:$0x3] =	wrdreg $0x9  }
0xb0: {  	_ =	task.clear_ibuf [dreg:s6], $0x4FFFF;
	_ =	strace $0x90000046  }
0xb1: {  	s29 =	simm.s32 $0x9;
	_ =	strace $0x80000048  }
0xb2: {  	_ =	swait.ge [sflag:s29], $0x1  }
0xb3: {  	[sflag:s29] =	ssyncadd.s32 $0xFFFFFFFF  }
0xb4: {  	_ =	strace $0x90000048  }
0xb5: {  	_ =	sfence  }
0xb6: {  	s30 =	sld [smem:$0x0];
	_ =	sdelay $0x2  }
0xb7: {  	s31 =	sshll.u32 s1, $0xD;
	s1 =	sshrl.u32 s1, $0x2  }
0xb8: {  	s3 =	sand.u32 $0x4000, s31;
	s1 =	sadd.s32 s1, s30  }
0xb9: {  	s0 =	sor.u32 s3, s0;
	s1 =	sshll.u32 s1, $0x11  }
0xba: {  	s0 =	sor.u32 s1, s0  }
0xbb: {  	s0 =	sadd.s32 $0x8F2B, s0  }
0xbc: {  	[sflag:s0] =	ssyncadd.remote.s32 $0x1  }
0xbd: {  	_ =	sfence.sel $0xFFFF  }
0xbe: {  	[dreg:$0x0] =	wrdreg $0xFFFFFFFF;
	(pc) =	sbr.abs _section_cstart, $3  }
0xbf: {  	[dreg:$0x1] =	wrdreg $0xFFFFFFFF  }
0xc0: {  	_ =	task.clear_ibuf [dreg:s6], $0x2FFFF;
	_ =	strace $0x9FFFFFFF  }
0xc1: {  	(tm) =	ssettm $0x7FFFFFFF  }
tec
execute0_lowered:
.L_overlay_start_1:
0x0: {  	(tag) =	ssettag $0x1  }
0x1: {  	v0 =	vlaneseq.u32  }
0x2: {  	v1 =	vimm.s32 $0x0;
	v8 =	vimm.s32 $0x447;
	vm0 =	vcmask $0x300  }
0x3: {  	vm1 =	vcmask $0x704;
	vm6 =	vcmask $0xB08;
	vm4 =	vcmask $0xF0C  }
0x4: {  	vm5 =	vcmask $0x1310;
	vm2 =	vcmask $0x1714;
	v13 =	vimm.s32 $0xC3C2C1C0  }
0x5: {  	vm3 =	vcmask $0x1B18;
	v17 =	vimm.s32 $0xC7C6C5C4;
	v9 =	vsel vm0, $0x440, v8  }
0x6: {  	v2 =	vor.u32 $0x10, v0;
	v3 =	vor.u32 $0x20, v0;
	v10 =	vsel vm1, $0x441, v9  }
0x7: {  	v4 =	vor.u32 $0x30, v0;
	v5 =	vor.u32 $0x40, v0;
	v11 =	vsel vm6, $0x442, v10  }
0x8: {  	v6 =	vor.u32 $0x50, v0;
	v7 =	vor.u32 $0x60, v0;
	v12 =	vsel vm4, $0x443, v11  }
0x9: {  	v8 =	vor.u32 $0x70, v0;
	v15 =	vunpack.c.0.s8.s32 v13;
	v12 =	vsel vm5, $0x444, v12  }
0xa: {  	v13 =	vor.u32 $0x430, v0;
	v14 =	vsel vm2, $0x445, v12;
	v12 =	vimm.f32 $0.0e+00  }
0xb: {  	s4 =	rddreg [dreg:$0x0];
	v17 =	vunpack.c.0.s8.s32 v17;
	v19 =	vor.u32 $0x80, v0;
	v16 =	vsel vm0, $0x3F800000, v12  }
0xc: {  	s0 =	rddreg [dreg:$0x1];
	s2 =	simm.s32 $0x0;
	s3 =	srdreg.scid;
	v9 =	vor.u32 $0x400, v0;
	v10 =	vor.u32 $0x410, v0;
	v16 =	vsel vm1, $0x3F21849D, v16  }
0xd: {  	s1 =	stileid.u32;
	s9 =	simm.s32 $0x10000;
	s10 =	simm.s32 $0x1;
	v15 =	vand.u32 $0xFF, v15;
	v17 =	vand.u32 $0xFF, v17;
	v16 =	vsel vm6, $0x3F000000, v16  }
0xe: {  	s11 =	simm.s32 $0x10080;
	s3 =	sand.u32 $0x1, s3;
	s5 =	sshll.u32 s1, $0x1;
	v11 =	vor.u32 $0x420, v0;
	v14 =	vsel vm3, $0x446, v14;
	v16 =	vsel vm4, $0x3EDC81A3, v16  }
0xf: {  	s12 =	simm.s32 $0x2;
	[smem:$0x7FF] =	sst s2;
	s5 =	sor.u32 s3, s5;
	[tilespmem:$0x1FFE0] =	vst v9;
	vm0 =	vcmask $0xF00;
	vm1 =	vmmov $0xff;
	v16 =	vsel vm5, $0x3EC61192, v16  }
.Ltmp0:
0x10: {  	s6 =	ssub.s32 $0x2, s3;
	s31 =	sshll.u32 s5, $0xC;
	v15 =	vnsel vm0, $0x40000000, v15;
	vm0 =	vcmask $0x1F10;
	v16 =	vsel vm2, $0x3EB660CA, v16;
	(pc) =	sbr.rel .LBB2_1-.Ltmp0, $4  }
0x11: {  	s5 =	sshll.u32 s5, $0x4;
	_ =	strace $0x80000047;
	s3 =	sadd.s32 s4, s31;
	v9 =	vsel vm0, v17, v15;
	vm0 =	vcmask $0x1F1C;
	v17 =	vsel vm3, $0x3EAAAAAB, v16  }
0x12: {  	s7 =	sshrl.u32 s6, $0x1;
	s8 =	sadd.s32 s5, s4;
	s4 =	sadd.s32 $0x20000, s3;
	vm2 =	vmmov $0x3ff;
	v18 =	vsel vm0, $0x3EA1849D, v17;
	vm0 =	vcmask $0x2320  }
0x13: {  	s7 =	ssub.s32 s6, s7;
	s5 =	sadd.s32 $0x40000, s8;
	s6 =	sadd.s32 $0x40200, s8;
	v16 =	vor.u32 $0xB0, v0;
	v20 =	vsel vm0, $0x3E9A209B, v18;
	vm0 =	vcmask $0x2724  }
0x14: {  	s13 =	simm.s32 $0x0;
	s7 =	smax.u32 s7, $0x1;
	s8 =	simm.s32 $0x8000;
	[tilespmem:$0x1FFF0] =	vst v9;
	v17 =	vor.u32 $0xA0, v0;
	v18 =	vor.u32 $0x90, v0;
	v20 =	vsel vm0, $0x3E94004E, v20  }
.LBB2_13:
0x15: {  	(xrf0) =	vmax.scan.msk.f32 $0xffff, v23  }
0x16: {  	(xrf0) =	vmax.scan.msk.f32 $0xffff, v22  }
0x17: {  	(xrf0) =	vmax.scan.msk.f32 $0xffff, v21;
	_ =	sdelay $0x3  }
0x18: {  	v9, _, _ =	vpop (xrf0)  }
0x19: {  	v15, _, _ =	vpop (xrf0)  }
0x1a: {  	v21, _, _ =	vpop (xrf0)  }
0x1b: {  	v21 =	vbroadcast v21, $0xF  }
0x1c: {  	vm0 =	vcmask $0xB08;
	v15 =	vbroadcast v15, $0xF  }
0x1d: {  	v9 =	vbroadcast v9, $0xF;
	v21 =	vnsel vm0, $0x0, v21;
	vm0 =	vcmask $0x3F08  }
0x1e: {  	s13 =	sadd.s32 $0x1, s13;
	v15 =	vsel vm0, v21, v15;
	vm0 =	vcmask $0x3F04  }
0x1f: {  	p0 =	sne.s32 s13, s7;
	v9 =	vsel vm0, v15, v9  }
.Ltmp1:
0x20: {  	[tilespmem:$0x10080] =	vst v9;
	(pc) =	sbr.rel @!p0 .LBB2_14-.Ltmp1, $4  }
0x21: {  	[hbm4b:s6+s2] =	stream.linear.scatter [tilespmem:s11], [sflag:$0x2], $0x80, $0x38;
	[tilespmem:$0x10100] =	vst v63  }
0x22: {  	_ =	swait.ge [sflag:s12], $0x80  }
0x23: {  	[sflag:s12] =	ssyncset.done $0x0  }
0x24: {  	[sflag:s12] =	ssyncadd.s32 $0xFFFFFF80  }
.LBB2_1:
0x25: {  	[tilespmem:s2], [sflag:$0x1] =	stream.linear.gather [hbm4b:s3+s2], $0x8000, $0x38;
	[tilespmem:$0x10100] =	vst v63  }
0x26: {  	_ = 	snop  }
0x27: {  	[tilespmem:s8], [sflag:$0x1] =	stream.linear.gather [hbm4b:s4+s2], $0x8000, $0x38;
	[tilespmem:$0x10100] =	vst v63  }
0x28: {  	_ = 	snop  }
0x29: {  	[tilespmem:s9], [sflag:$0x1] =	stream.linear.gather [hbm4b:s5+s2], $0x80, $0x38;
	[tilespmem:$0x10100] =	vst v63  }
0x2a: {  	_ =	swait.ge [sflag:s10], $0x8000  }
0x2b: {  	[sflag:s10] =	ssyncset.done $0x0  }
0x2c: {  	[sflag:s10] =	ssyncadd.s32 $0xFFFF8000  }
0x2d: {  	_ =	swait.ge [sflag:s10], $0x8000  }
.Ltmp2:
0x2e: {  	[sflag:s10] =	ssyncset.done $0x0;
	(pc) =	sbr.rel .LBB2_2-.Ltmp2, $4  }
0x2f: {  	[sflag:s10] =	ssyncadd.s32 $0xFFFF8000  }
0x30: {  	_ =	swait.ge [sflag:s10], $0x80  }
0x31: {  	[sflag:s10] =	ssyncset.done $0x0  }
0x32: {  	v21 =	vimm.f32 $0.0e+00;
	v22 =	vimm.f32 $0.0e+00;
	v23 =	vimm.f32 $0.0e+00;
	s14 =	simm.s32 $0x0;
	[sflag:s10] =	ssyncadd.s32 $0xFFFFFF80  }
.LBB2_11:
0x33: {  	v9 =	vbroadcast v26, $0xF;
	_ =	sdelay $0x1  }
0x34: {  	vm0 =	vgt.s32 v9, $0x0;
	vm3 =	vgt.s32 v9, $0x1  }
0x35: {  	v15 =	vsel vm0, $0x3F800000, v12;
	v24 =	vsel vm3, $0x3F21849D, v12  }
0x36: {  	vm0 =	vgt.s32 v9, $0x2;
	v15 =	vadd.f32 v24, v15  }
0x37: {  	v54 =	vsel vm0, $0x3F000000, v12  }
0x38: {  	vm0 =	vgt.s32 v9, $0x3;
	v15 =	vadd.f32 v15, v54  }
0x39: {  	v55 =	vsel vm0, $0x3EDC81A3, v12  }
0x3a: {  	vm0 =	vgt.s32 v9, $0x4;
	v15 =	vadd.f32 v15, v55  }
0x3b: {  	v56 =	vsel vm0, $0x3EC61192, v12  }
0x3c: {  	vm0 =	vgt.s32 v9, $0x5;
	v15 =	vadd.f32 v15, v56  }
0x3d: {  	v57 =	vsel vm0, $0x3EB660CA, v12  }
0x3e: {  	vm0 =	vgt.s32 v9, $0x6;
	v15 =	vadd.f32 v15, v57  }
0x3f: {  	v58 =	vsel vm0, $0x3EAAAAAB, v12  }
0x40: {  	vm0 =	vgt.s32 v9, $0x7;
	v15 =	vadd.f32 v15, v58  }
0x41: {  	v59 =	vsel vm0, $0x3EA1849D, v12  }
0x42: {  	vm0 =	vgt.s32 v9, $0x8;
	v15 =	vadd.f32 v15, v59  }
0x43: {  	v60 =	vsel vm0, $0x3E9A209B, v12  }
0x44: {  	vm0 =	vgt.s32 v9, $0x9;
	v15 =	vadd.f32 v15, v60  }
0x45: {  	v61 =	vsel vm0, $0x3E94004E, v12  }
0x46: {  	v15 =	vadd.f32 v15, v61  }
0x47: {  	(xrf2) =	vadd.scan.msk.f32 $0xffff, v40;
	v9 =	vnsel vm3, $0x1, v9  }
0x48: {  	v9 =	vmin.u32 v9, $0xA;
	vm0 =	veq.f32 v15, $0.0e+00  }
0x49: {  	v9 =	vcvt.s32.f32 v9;
	v15 =	vsel vm0, $0x3F800000, v15  }
0x4a: {  	(xrf0) =	vadd.scan.msk.s32 $0xffff, v34;
	(erf) = vrcp.f32 v15  }
0x4b: {  	(erf) = vrcp.f32 v9;
	_ =	sdelay $0x4  }
0x4c: {  	v9, _, _ =	vpop (xrf0)  }
0x4d: {  	v15, _, _ =	vpop (xrf2);
	v9 =	vbroadcast v9, $0xF  }
0x4e: {  	v15 =	vbroadcast v15, $0xF  }
0x4f: {  	v25 =	vcvt.s32.f32 v9;
	v62 =	vpop (erf)  }
0x50: {  	v15 =	vmul.f32 v15, v62;
	v63 =	vpop (erf)  }
0x51: {  	vm0 =	vgt.s32 v9, $0x0;
	v24 =	vmul.f32 v25, v63  }
0x52: {  	v9 =	vsel vm0, $0x3F800000, v1;
	v23 =	vadd.f32 v15, v23  }
0x53: {  	v21 =	vadd.f32 v9, v21;
	v22 =	vadd.f32 v24, v22  }
.LBB2_12:
0x54: {  	s14 =	sadd.s32 $0x1, s14  }
0x55: {  	p0 =	sne.s32 s14, $0x40  }
.Ltmp3:
0x56: {  	_ = 	snop;
	(pc) =	sbr.rel @!p0 .LBB2_13-.Ltmp3, $1  }
0x57: {  	_ =	sdelay $0x3  }
.LBB2_2:
0x58: {  	v26 =	vmov s14  }
0x59: {  	v24 =	vshll.u32 v26, $0x8;
	v25 =	vshll.u32 v26, $0x7  }
0x5a: {  	v24 =	vand.u32 $0x3800, v24;
	v25 =	vand.u32 $0x380, v25  }
0x5b: {  	v27 =	vor.u32 v25, v24  }
0x5c: {  	v34 =	vor.u32 v0, v27  }
0x5d: {  	v40 =	vor.u32 v2, v27  }
0x5e: {  	v44 =	vor.u32 v3, v27  }
0x5f: {  	v9 =	vld [tilespmem:$0x1FFE0];
	v45 =	vor.u32 v4, v27  }
0x60: {  	v46 =	vor.u32 v5, v27;
	v26 =	vld.idx.msk [tilespmem:v26+s9+$0x0], $0xffff  }
0x61: {  	v47 =	vor.u32 v6, v27;
	v28 =	vld.idx.msk [tilespmem:v34+s2+$0x0], $0xffff  }
0x62: {  	v48 =	vor.u32 v7, v27;
	v29 =	vld.idx.msk [tilespmem:v40+s2+$0x0], $0xffff  }
0x63: {  	v49 =	vor.u32 v8, v27;
	v30 =	vld.idx.msk [tilespmem:v44+s2+$0x0], $0xffff  }
0x64: {  	v51 =	vor.u32 v10, v27;
	v31 =	vld.idx.msk [tilespmem:v45+s2+$0x0], $0xffff  }
0x65: {  	v50 =	vor.u32 v9, v27;
	v32 =	vld.idx.msk [tilespmem:v46+s2+$0x0], $0xffff  }
0x66: {  	v52 =	vor.u32 v11, v27;
	v36 =	vld.idx.msk [tilespmem:v47+s2+$0x0], $0xffff  }
0x67: {  	v53 =	vor.u32 v13, v27;
	v54 =	vor.u32 v14, v27;
	v37 =	vld.idx.msk [tilespmem:v48+s2+$0x0], $0xffff  }
0x68: {  	v38 =	vld.idx.msk [tilespmem:v49+s2+$0x0], $0xffff;
	vm5 =	veq.s32 v28, v26;
	vm6 =	veq.s32 v29, v26;
	vm7 =	veq.s32 v30, v26  }
0x69: {  	v43 =	vld.idx.msk [tilespmem:v51+s2+$0x0], $0xffff;
	vm8 =	veq.s32 v31, v26;
	v33 =	vsel vm5, $0x1, v1;
	v35 =	vsel vm6, $0x1, v1  }
0x6a: {  	v41 =	vld.idx.msk [tilespmem:v50+s2+$0x0], $0xffff;
	vm9 =	veq.s32 v32, v26;
	v39 =	vsel vm7, $0x1, v1;
	v27 =	vadd.s32 v33, v35  }
0x6b: {  	v56 =	vld.idx.msk [tilespmem:v52+s2+$0x0], $0xffff;
	vm10 =	veq.s32 v36, v26;
	v42 =	vsel vm8, $0x1, v1;
	v27 =	vadd.s32 v39, v27  }
0x6c: {  	v58 =	vld.idx.msk [tilespmem:v53+s2+$0x0], $0xffff;
	vm11 =	veq.s32 v37, v26;
	v55 =	vsel vm9, $0x1, v1;
	v27 =	vadd.s32 v42, v27  }
0x6d: {  	v60 =	vld.idx.msk [tilespmem:v54+s2+$0x0], $0xffff;
	vm12 =	veq.s32 v38, v26;
	v57 =	vsel vm10, $0x1, v1;
	v27 =	vadd.s32 v55, v27  }
0x6e: {  	vm14 =	veq.s32 v43, v26;
	v59 =	vsel vm11, $0x1, v1;
	v27 =	vadd.s32 v57, v27  }
0x6f: {  	vm13 =	veq.s32 v41, v26;
	v61 =	vsel vm12, $0x1, v1;
	v27 =	vadd.s32 v59, v27  }
0x70: {  	vm15 =	veq.s32 v56, v26;
	v62 =	vsel vm13, $0x1, v1;
	v27 =	vadd.s32 v61, v27  }
0x71: {  	vm0 =	veq.s32 v58, v26;
	v63 =	vsel vm14, $0x1, v1;
	v27 =	vadd.s32 v62, v27  }
0x72: {  	vm3 =	veq.s32 v60, v26;
	v26 =	vsel vm15, $0x1, v1;
	v27 =	vadd.s32 v63, v27  }
0x73: {  	vm4 =	vmand vm3, vm1;
	v26 =	vadd.s32 v26, v27;
	v27 =	vsel vm0, $0x1, v1  }
0x74: {  	v26 =	vadd.s32 v27, v26;
	v27 =	vsel vm4, $0x1, v1  }
0x75: {  	v26 =	vadd.s32 v27, v26  }
0x76: {  	(xrf0) =	vadd.scan.msk.s32 $0xffff, v26;
	_ =	sdelay $0x5  }
0x77: {  	v26, _, _ =	vpop (xrf0)  }
0x78: {  	(v2sf) =	vpush v26, $0xF;
	_ =	sdelay $0xe  }
0x79: {  	s15 =	spop (v2sf)  }
0x7a: {  	p0 =	slt.s32 s15, $0x1  }
.Ltmp4:
0x7b: {  	_ = 	snop;
	(pc) =	sbr.rel @p0 .LBB2_7-.Ltmp4, $1  }
0x7c: {  	_ =	sdelay $0x3  }
0x7d: {  	v28 =	vnsel vm0, $0x40000000, v16  }
0x7e: {  	v29 =	vnsel vm15, $0x40000000, v17;
	v30 =	vnsel vm14, $0x40000000, v18;
	v31 =	vnsel vm13, $0x40000000, v19  }
0x7f: {  	v9 =	vld [tilespmem:$0x1FFF0];
	v32 =	vnsel vm12, $0x40000000, v8;
	v33 =	vnsel vm11, $0x40000000, v7;
	v35 =	vnsel vm10, $0x40000000, v6  }
0x80: {  	v36 =	vnsel vm9, $0x40000000, v5;
	v39 =	vnsel vm6, $0x40000000, v2;
	v41 =	vnsel vm5, $0x40000000, v0  }
0x81: {  	v37 =	vnsel vm8, $0x40000000, v4;
	v38 =	vnsel vm7, $0x40000000, v3;
	v42 =	vmin.u32 v41, v39  }
0x82: {  	v43 =	vmin.u32 v38, v37;
	v55 =	vmin.u32 v36, v35;
	v56 =	vmin.u32 v33, v32  }
0x83: {  	v57 =	vmin.u32 v31, v30;
	v58 =	vmin.u32 v29, v28;
	v42 =	vmin.u32 v42, v43  }
0x84: {  	v61 =	vmin.u32 v55, v56;
	v62 =	vmin.u32 v57, v58;
	v27 =	vnsel vm3, $0x40000000, v9  }
0x85: {  	v42 =	vmin.u32 v42, v61;
	v63 =	vmin.u32 v62, v27  }
0x86: {  	v42 =	vmin.u32 v42, v63  }
0x87: {  	v42 =	vor.u32 $0x80000000, v42  }
0x88: {  	(xrf0) =	vmin.scan.msk.u32 $0xffff, v42;
	_ =	sdelay $0x5  }
0x89: {  	v42, _, _ =	vpop (xrf0)  }
0x8a: {  	(v2sf) =	vpush v42, $0xF;
	_ =	sdelay $0x9  }
0x8b: {  	v44 =	vld.idx.msk [tilespmem:v44+s8+$0x0], $0xffff  }
0x8c: {  	v45 =	vld.idx.msk [tilespmem:v45+s8+$0x0], $0xffff  }
0x8d: {  	v46 =	vld.idx.msk [tilespmem:v46+s8+$0x0], $0xffff  }
0x8e: {  	v47 =	vld.idx.msk [tilespmem:v47+s8+$0x0], $0xffff  }
0x8f: {  	v48 =	vld.idx.msk [tilespmem:v48+s8+$0x0], $0xffff  }
0x90: {  	v49 =	vld.idx.msk [tilespmem:v49+s8+$0x0], $0xffff;
	s15 =	spop (v2sf)  }
0x91: {  	v50 =	vld.idx.msk [tilespmem:v50+s8+$0x0], $0xffff;
	s15 =	sxor.u32 $0x80000000, s15  }
0x92: {  	v51 =	vld.idx.msk [tilespmem:v51+s8+$0x0], $0xffff;
	p0 =	sgt.s32 s15, $0x3FFFFFFF  }
.Ltmp5:
0x93: {  	v52 =	vld.idx.msk [tilespmem:v52+s8+$0x0], $0xffff;
	(pc) =	sbr.rel @p0 .LBB2_6-.Ltmp5, $4  }
0x94: {  	v53 =	vld.idx.msk [tilespmem:v53+s8+$0x0], $0xffff  }
0x95: {  	v54 =	vld.idx.msk [tilespmem:v54+s8+$0x0], $0xffff  }
0x96: {  	v43 =	vld.idx.msk [tilespmem:v40+s8+$0x0], $0xffff  }
0x97: {  	v40 =	vimm.f32 $0.0e+00;
	v42 =	vld.idx.msk [tilespmem:v34+s8+$0x0], $0xffff;
	v34 =	vimm.s32 $0x0  }
0x98: {  	_ =	sdelay $0x1  }
0x99: {  	v54 =	vnsel vm1, $0xFF800000, v54  }
.LBB2_5:
0x9a: {  	v56 =	vmov s15  }
0x9b: {  	v55 =	vshll.u32 v56, $0x3  }
0x9c: {  	v55 =	vand.u32 $0xFFFFFC00, v55  }
0x9d: {  	v57 =	vand.u32 $0x7F, v56;
	v55 =	vadd.s32 v24, v55  }
0x9e: {  	v55 =	vor.u32 v57, v55  }
0x9f: {  	v55 =	vor.u32 v25, v55;
	_ =	sdelay $0x4  }
0xa0: {  	v55 =	vld.idx.msk [tilespmem:v55+s8+$0x0], $0xffff;
	_ =	sdelay $0x2  }
0xa1: {  	vm3 =	vgt.s32 v56, v0  }
0xa2: {  	vm9 =	vgt.s32 v56, v2;
	vm10 =	vgt.s32 v56, v3;
	vm11 =	vgt.s32 v56, v4  }
0xa3: {  	vm12 =	vgt.s32 v56, v5;
	vm13 =	vgt.s32 v56, v6;
	vm0 =	veq.f32 v42, v55  }
0xa4: {  	vm14 =	vgt.s32 v56, v7;
	vm4 =	vgt.f32 v42, v55;
	vm0 =	vmand vm3, vm0  }
0xa5: {  	vm15 =	vgt.s32 v56, v8;
	vm3 =	veq.f32 v43, v55;
	vm0 =	vmor vm4, vm0  }
0xa6: {  	vm3 =	vmand vm9, vm3;
	v57 =	vsel vm0, $0x1, v1;
	vm0 =	vgt.f32 v43, v55  }
0xa7: {  	vm8 =	veq.f32 v51, v55;
	vm0 =	vmor vm0, vm3;
	vm3 =	veq.f32 v44, v55  }
0xa8: {  	v58 =	vsel vm0, $0x1, v1;
	vm0 =	vgt.f32 v44, v55;
	vm3 =	vmand vm10, vm3  }
0xa9: {  	vm9 =	vgt.s32 v56, v17;
	vm0 =	vmor vm0, vm3;
	vm3 =	veq.f32 v45, v55  }
0xaa: {  	v59 =	vsel vm0, $0x1, v1;
	vm0 =	vgt.f32 v45, v55;
	vm3 =	vmand vm11, vm3  }
0xab: {  	vm11 =	vgt.f32 v52, v55;
	vm0 =	vmor vm0, vm3;
	vm3 =	veq.f32 v46, v55  }
0xac: {  	v60 =	vsel vm0, $0x1, v1;
	vm0 =	vgt.f32 v46, v55;
	vm3 =	vmand vm12, vm3  }
0xad: {  	vm12 =	vgt.s32 v56, v16;
	vm0 =	vmor vm0, vm3;
	vm3 =	veq.f32 v47, v55  }
0xae: {  	v61 =	vsel vm0, $0x1, v1;
	vm0 =	vgt.f32 v47, v55;
	vm3 =	vmand vm13, vm3  }
0xaf: {  	vm13 =	vgt.f32 v53, v55;
	vm0 =	vmor vm0, vm3;
	vm3 =	veq.f32 v48, v55  }
0xb0: {  	v62 =	vsel vm0, $0x1, v1;
	vm0 =	vgt.f32 v48, v55;
	vm3 =	vmand vm14, vm3  }
0xb1: {  	vm14 =	veq.s32 v27, s15;
	vm0 =	vmor vm0, vm3;
	vm3 =	veq.f32 v49, v55  }
0xb2: {  	v63 =	vsel vm0, $0x1, v1;
	vm0 =	vgt.f32 v49, v55;
	vm3 =	vmand vm15, vm3  }
0xb3: {  	vm5 =	vmor vm0, vm3;
	vm0 =	veq.f32 v50, v55;
	vm3 =	vgt.s32 v56, v19  }
0xb4: {  	v27 =	vsel vm14, $0x40000000, v27;
	vm6 =	vmand vm3, vm0;
	vm0 =	veq.s32 v41, s15  }
0xb5: {  	vm3 =	veq.s32 v39, s15;
	v41 =	vsel vm0, $0x40000000, v41;
	vm0 =	veq.s32 v38, s15  }
0xb6: {  	v39 =	vsel vm3, $0x40000000, v39;
	v38 =	vsel vm0, $0x40000000, v38;
	vm0 =	veq.s32 v37, s15  }
0xb7: {  	vm3 =	veq.s32 v36, s15;
	v37 =	vsel vm0, $0x40000000, v37;
	vm0 =	veq.s32 v35, s15  }
0xb8: {  	v36 =	vsel vm3, $0x40000000, v36;
	v35 =	vsel vm0, $0x40000000, v35;
	vm0 =	veq.s32 v33, s15  }
0xb9: {  	vm3 =	veq.s32 v32, s15;
	v33 =	vsel vm0, $0x40000000, v33;
	vm0 =	veq.s32 v31, s15  }
0xba: {  	v32 =	vsel vm3, $0x40000000, v32;
	v31 =	vsel vm0, $0x40000000, v31;
	vm0 =	vlt.s32 v41, v39  }
0xbb: {  	vm3 =	vlt.s32 v38, v37;
	v15 =	vsel vm0, v41, v39;
	vm0 =	veq.s32 v30, s15  }
0xbc: {  	v9 =	vsel vm3, v38, v37;
	v30 =	vsel vm0, $0x40000000, v30;
	vm0 =	veq.s32 v29, s15  }
0xbd: {  	vm3 =	vlt.s32 v15, v9;
	v29 =	vsel vm0, $0x40000000, v29;
	vm0 =	veq.s32 v28, s15  }
0xbe: {  	v9 =	vsel vm3, v15, v9;
	v28 =	vsel vm0, $0x40000000, v28;
	vm0 =	vlt.s32 v36, v35  }
0xbf: {  	v15 =	vadd.s32 v58, v57;
	v57 =	vsel vm0, v36, v35;
	vm0 =	vlt.s32 v33, v32  }
0xc0: {  	vm15 =	vgt.f32 v54, v55;
	v58 =	vsel vm0, v33, v32;
	vm0 =	vlt.s32 v31, v30  }
0xc1: {  	v15 =	vadd.s32 v59, v15;
	v59 =	vsel vm0, v31, v30;
	vm0 =	vlt.s32 v29, v28  }
0xc2: {  	v15 =	vadd.s32 v60, v15;
	v60 =	vsel vm0, v29, v28;
	vm0 =	vlt.s32 v57, v58  }
0xc3: {  	v57 =	vsel vm0, v57, v58;
	vm0 =	vgt.f32 v50, v55;
	vm3 =	vlt.s32 v59, v60  }
0xc4: {  	vm0 =	vmor vm0, vm6;
	v59 =	vsel vm3, v59, v60;
	vm3 =	vgt.s32 v56, v18  }
0xc5: {  	v60 =	vsel vm0, $0x1, v1;
	vm0 =	vgt.f32 v51, v55;
	vm3 =	vmand vm3, vm8  }
0xc6: {  	v15 =	vadd.s32 v61, v15;
	vm0 =	vmor vm0, vm3;
	vm3 =	veq.f32 v52, v55  }
0xc7: {  	v61 =	vor.u32 $0xC0, v0;
	v15 =	vadd.s32 v62, v15;
	vm3 =	vmand vm9, vm3  }
0xc8: {  	v15 =	vadd.s32 v63, v15;
	v58 =	vsel vm5, $0x1, v1;
	vm3 =	vmor vm11, vm3  }
0xc9: {  	vm10 =	vlt.s32 v9, v57;
	v63 =	vsel vm3, $0x1, v1;
	vm3 =	veq.f32 v53, v55  }
0xca: {  	v15 =	vadd.s32 v58, v15;
	v9 =	vsel vm10, v9, v57;
	vm3 =	vmand vm12, vm3  }
0xcb: {  	v15 =	vadd.s32 v60, v15;
	v62 =	vsel vm0, $0x1, v1;
	vm3 =	vmor vm13, vm3  }
0xcc: {  	vm0 =	vgt.s32 v56, v61;
	v61 =	vsel vm3, $0x1, v1;
	vm3 =	veq.f32 v54, v55  }
0xcd: {  	v15 =	vadd.s32 v62, v15;
	vm0 =	vmand vm0, vm3;
	vm3 =	vlt.s32 v59, v27  }
0xce: {  	v15 =	vadd.s32 v63, v15;
	vm0 =	vmor vm15, vm0;
	v62 =	vsel vm3, v59, v27  }
0xcf: {  	v15 =	vadd.s32 v61, v15;
	v63 =	vsel vm0, $0x1, v1;
	vm0 =	vlt.s32 v9, v62  }
0xd0: {  	v15 =	vadd.s32 v63, v15;
	v9 =	vsel vm0, v9, v62  }
0xd1: {  	(xrf0) =	vadd.scan.msk.s32 $0xffff, v15;
	v9 =	vxor.u32 $0x80000000, v9  }
0xd2: {  	(xrf0) =	vmin.scan.msk.u32 $0xffff, v9;
	_ =	sdelay $0x4  }
0xd3: {  	v9, _, _ =	vpop (xrf0)  }
0xd4: {  	v15, _, _ =	vpop (xrf0)  }
0xd5: {  	(v2sf) =	vpush v15, $0xF;
	_ =	sdelay $0xe  }
0xd6: {  	s31 =	spop (v2sf)  }
0xd7: {  	s15 =	sxor.u32 $0x80000000, s31  }
0xd8: {  	v9 =	vbroadcast v9, $0xF;
	p0 =	slt.s32 s15, $0x40000000  }
.Ltmp6:
0xd9: {  	_ = 	snop;
	(pc) =	sbr.rel @p0 .LBB2_5-.Ltmp6, $4  }
0xda: {  	vm0 =	veq.s32 v9, v0  }
0xdb: {  	vm3 =	vmand vm0, vm2  }
0xdc: {  	v9 =	vnsel vm0, $0x0, v20;
	v15 =	vsel vm3, $0x1, v1  }
0xdd: {  	v40 =	vadd.f32 v9, v40;
	v34 =	vadd.s32 v15, v34  }
.LBB2_6:
0xde: {  	v9 =	vbroadcast v26, $0xF;
	_ =	sdelay $0x1  }
0xdf: {  	vm0 =	vgt.s32 v9, $0x0;
	vm3 =	vgt.s32 v9, $0x1  }
0xe0: {  	v15 =	vsel vm0, $0x3F800000, v12;
	v24 =	vsel vm3, $0x3F21849D, v12  }
0xe1: {  	vm0 =	vgt.s32 v9, $0x2;
	v15 =	vadd.f32 v24, v15  }
0xe2: {  	v54 =	vsel vm0, $0x3F000000, v12  }
0xe3: {  	vm0 =	vgt.s32 v9, $0x3;
	v15 =	vadd.f32 v15, v54  }
0xe4: {  	v55 =	vsel vm0, $0x3EDC81A3, v12  }
0xe5: {  	vm0 =	vgt.s32 v9, $0x4;
	v15 =	vadd.f32 v15, v55  }
0xe6: {  	v56 =	vsel vm0, $0x3EC61192, v12  }
0xe7: {  	vm0 =	vgt.s32 v9, $0x5;
	v15 =	vadd.f32 v15, v56  }
0xe8: {  	v57 =	vsel vm0, $0x3EB660CA, v12  }
0xe9: {  	vm0 =	vgt.s32 v9, $0x6;
	v15 =	vadd.f32 v15, v57  }
0xea: {  	v58 =	vsel vm0, $0x3EAAAAAB, v12  }
0xeb: {  	vm0 =	vgt.s32 v9, $0x7;
	v15 =	vadd.f32 v15, v58  }
0xec: {  	v59 =	vsel vm0, $0x3EA1849D, v12  }
0xed: {  	vm0 =	vgt.s32 v9, $0x8;
	v15 =	vadd.f32 v15, v59  }
0xee: {  	v60 =	vsel vm0, $0x3E9A209B, v12  }
0xef: {  	vm0 =	vgt.s32 v9, $0x9;
	v15 =	vadd.f32 v15, v60  }
0xf0: {  	v61 =	vsel vm0, $0x3E94004E, v12  }
0xf1: {  	v15 =	vadd.f32 v15, v61  }
0xf2: {  	(xrf2) =	vadd.scan.msk.f32 $0xffff, v40;
	v9 =	vnsel vm3, $0x1, v9  }
0xf3: {  	v9 =	vmin.u32 v9, $0xA;
	vm0 =	veq.f32 v15, $0.0e+00  }
0xf4: {  	v9 =	vcvt.s32.f32 v9;
	v15 =	vsel vm0, $0x3F800000, v15  }
0xf5: {  	(xrf0) =	vadd.scan.msk.s32 $0xffff, v34;
	(erf) = vrcp.f32 v15  }
0xf6: {  	(erf) = vrcp.f32 v9;
	_ =	sdelay $0x4  }
0xf7: {  	v9, _, _ =	vpop (xrf0)  }
0xf8: {  	v15, _, _ =	vpop (xrf2);
	v9 =	vbroadcast v9, $0xF  }
0xf9: {  	v15 =	vbroadcast v15, $0xF  }
0xfa: {  	v25 =	vcvt.s32.f32 v9;
	v62 =	vpop (erf)  }
0xfb: {  	v15 =	vmul.f32 v15, v62;
	v63 =	vpop (erf)  }
0xfc: {  	vm0 =	vgt.s32 v9, $0x0;
	v24 =	vmul.f32 v25, v63  }
0xfd: {  	v9 =	vsel vm0, $0x3F800000, v1;
	v23 =	vadd.f32 v15, v23  }
0xfe: {  	v21 =	vadd.f32 v9, v21;
	v22 =	vadd.f32 v24, v22  }
.LBB2_7:
0xff: {  	s15 =	sor.u32 $0x40, s14  }
0x100: {  	v9 =	vmov s15  }
0x101: {  	v15 =	vshll.u32 v9, $0x8;
	v25 =	vshll.u32 v9, $0x7  }
0x102: {  	v24 =	vand.u32 $0x7800, v15;
	v25 =	vand.u32 $0x380, v25  }
0x103: {  	v15 =	vor.u32 v25, v24  }
0x104: {  	v34 =	vor.u32 v0, v15  }
0x105: {  	v40 =	vor.u32 v2, v15  }
0x106: {  	v44 =	vor.u32 v3, v15  }
0x107: {  	v30 =	vld [tilespmem:$0x1FFE0];
	v45 =	vor.u32 v4, v15  }
0x108: {  	v46 =	vor.u32 v5, v15;
	v9 =	vld.idx.msk [tilespmem:v9+s9+$0x0], $0xffff  }
0x109: {  	v49 =	vor.u32 v8, v15;
	v26 =	vld.idx.msk [tilespmem:v34+s2+$0x0], $0xffff  }
0x10a: {  	v47 =	vor.u32 v6, v15;
	v27 =	vld.idx.msk [tilespmem:v40+s2+$0x0], $0xffff  }
0x10b: {  	v48 =	vor.u32 v7, v15;
	v28 =	vld.idx.msk [tilespmem:v44+s2+$0x0], $0xffff  }
0x10c: {  	v50 =	vor.u32 v30, v15;
	v29 =	vld.idx.msk [tilespmem:v45+s2+$0x0], $0xffff  }
0x10d: {  	v51 =	vor.u32 v10, v15;
	v39 =	vld.idx.msk [tilespmem:v46+s2+$0x0], $0xffff  }
0x10e: {  	v54 =	vor.u32 v14, v15;
	v41 =	vld.idx.msk [tilespmem:v49+s2+$0x0], $0xffff  }
0x10f: {  	v52 =	vor.u32 v11, v15;
	vm5 =	veq.s32 v26, v9;
	v26 =	vld.idx.msk [tilespmem:v47+s2+$0x0], $0xffff  }
0x110: {  	v53 =	vor.u32 v13, v15;
	vm6 =	veq.s32 v27, v9;
	v27 =	vld.idx.msk [tilespmem:v48+s2+$0x0], $0xffff;
	vm7 =	veq.s32 v28, v9  }
0x111: {  	v43 =	vld.idx.msk [tilespmem:v50+s2+$0x0], $0xffff;
	vm8 =	veq.s32 v29, v9;
	v31 =	vsel vm5, $0x1, v1;
	v32 =	vsel vm6, $0x1, v1  }
0x112: {  	v56 =	vld.idx.msk [tilespmem:v51+s2+$0x0], $0xffff;
	vm9 =	veq.s32 v39, v9;
	v42 =	vsel vm7, $0x1, v1;
	v15 =	vadd.s32 v31, v32  }
0x113: {  	v60 =	vld.idx.msk [tilespmem:v54+s2+$0x0], $0xffff;
	vm12 =	veq.s32 v41, v9;
	v55 =	vsel vm8, $0x1, v1;
	v15 =	vadd.s32 v42, v15  }
0x114: {  	v57 =	vsel vm9, $0x1, v1;
	v15 =	vadd.s32 v55, v15;
	vm10 =	veq.s32 v26, v9;
	v26 =	vld.idx.msk [tilespmem:v52+s2+$0x0], $0xffff  }
0x115: {  	v15 =	vadd.s32 v57, v15;
	vm11 =	veq.s32 v27, v9;
	v27 =	vld.idx.msk [tilespmem:v53+s2+$0x0], $0xffff;
	v58 =	vsel vm10, $0x1, v1  }
0x116: {  	vm13 =	veq.s32 v43, v9;
	v59 =	vsel vm11, $0x1, v1;
	v15 =	vadd.s32 v58, v15  }
0x117: {  	vm14 =	veq.s32 v56, v9;
	v61 =	vsel vm12, $0x1, v1;
	v15 =	vadd.s32 v59, v15  }
0x118: {  	vm3 =	veq.s32 v60, v9;
	v62 =	vsel vm13, $0x1, v1;
	v15 =	vadd.s32 v61, v15  }
0x119: {  	v63 =	vsel vm14, $0x1, v1;
	v15 =	vadd.s32 v62, v15;
	vm15 =	veq.s32 v26, v9  }
0x11a: {  	vm0 =	veq.s32 v27, v9;
	v15 =	vadd.s32 v63, v15;
	v9 =	vsel vm15, $0x1, v1  }
0x11b: {  	vm4 =	vmand vm3, vm1;
	v9 =	vadd.s32 v9, v15;
	v15 =	vsel vm0, $0x1, v1  }
0x11c: {  	v9 =	vadd.s32 v15, v9;
	v15 =	vsel vm4, $0x1, v1  }
0x11d: {  	v9 =	vadd.s32 v15, v9  }
0x11e: {  	(xrf0) =	vadd.scan.msk.s32 $0xffff, v9;
	_ =	sdelay $0x5  }
0x11f: {  	v26, _, _ =	vpop (xrf0)  }
0x120: {  	(v2sf) =	vpush v26, $0xF;
	_ =	sdelay $0xe  }
0x121: {  	s31 =	spop (v2sf)  }
0x122: {  	p0 =	slt.s32 s31, $0x1  }
.Ltmp7:
0x123: {  	_ = 	snop;
	(pc) =	sbr.rel @p0 .LBB2_12-.Ltmp7, $1  }
0x124: {  	_ =	sdelay $0x3  }
0x125: {  	v28 =	vnsel vm0, $0x40000000, v16  }
0x126: {  	v9 =	vld [tilespmem:$0x1FFF0];
	v29 =	vnsel vm15, $0x40000000, v17;
	v30 =	vnsel vm14, $0x40000000, v18;
	v31 =	vnsel vm13, $0x40000000, v19  }
0x127: {  	v32 =	vnsel vm12, $0x40000000, v8;
	v33 =	vnsel vm11, $0x40000000, v7;
	v35 =	vnsel vm10, $0x40000000, v6  }
0x128: {  	v36 =	vnsel vm9, $0x40000000, v5;
	v37 =	vnsel vm8, $0x40000000, v4;
	v38 =	vnsel vm7, $0x40000000, v3  }
0x129: {  	v39 =	vnsel vm6, $0x40000000, v2;
	v41 =	vnsel vm5, $0x40000000, v0;
	v15 =	vmin.u32 v38, v37  }
0x12a: {  	v42 =	vmin.u32 v36, v35;
	v43 =	vmin.u32 v33, v32;
	v55 =	vmin.u32 v31, v30  }
0x12b: {  	v56 =	vmin.u32 v29, v28;
	v27 =	vnsel vm3, $0x40000000, v9;
	v9 =	vmin.u32 v41, v39  }
0x12c: {  	v63 =	vmin.u32 v55, v56;
	v9 =	vmin.u32 v9, v15;
	v15 =	vmin.u32 v42, v43  }
0x12d: {  	v9 =	vmin.u32 v9, v15;
	v15 =	vmin.u32 v63, v27  }
0x12e: {  	v9 =	vmin.u32 v9, v15  }
0x12f: {  	v9 =	vor.u32 $0x80000000, v9  }
0x130: {  	(xrf0) =	vmin.scan.msk.u32 $0xffff, v9;
	_ =	sdelay $0x5  }
0x131: {  	v9, _, _ =	vpop (xrf0)  }
0x132: {  	(v2sf) =	vpush v9, $0xF;
	_ =	sdelay $0x9  }
0x133: {  	v44 =	vld.idx.msk [tilespmem:v44+s8+$0x0], $0xffff  }
0x134: {  	v45 =	vld.idx.msk [tilespmem:v45+s8+$0x0], $0xffff  }
0x135: {  	v46 =	vld.idx.msk [tilespmem:v46+s8+$0x0], $0xffff  }
0x136: {  	v47 =	vld.idx.msk [tilespmem:v47+s8+$0x0], $0xffff  }
0x137: {  	v48 =	vld.idx.msk [tilespmem:v48+s8+$0x0], $0xffff  }
0x138: {  	v49 =	vld.idx.msk [tilespmem:v49+s8+$0x0], $0xffff;
	s15 =	spop (v2sf)  }
0x139: {  	v50 =	vld.idx.msk [tilespmem:v50+s8+$0x0], $0xffff;
	s15 =	sxor.u32 $0x80000000, s15  }
0x13a: {  	v51 =	vld.idx.msk [tilespmem:v51+s8+$0x0], $0xffff;
	p0 =	sgt.s32 s15, $0x3FFFFFFF  }
.Ltmp8:
0x13b: {  	v52 =	vld.idx.msk [tilespmem:v52+s8+$0x0], $0xffff;
	(pc) =	sbr.rel @p0 .LBB2_11-.Ltmp8, $4  }
0x13c: {  	v53 =	vld.idx.msk [tilespmem:v53+s8+$0x0], $0xffff  }
0x13d: {  	v54 =	vld.idx.msk [tilespmem:v54+s8+$0x0], $0xffff  }
0x13e: {  	v42 =	vld.idx.msk [tilespmem:v34+s8+$0x0], $0xffff  }
0x13f: {  	v43 =	vld.idx.msk [tilespmem:v40+s8+$0x0], $0xffff;
	v40 =	vimm.f32 $0.0e+00;
	v34 =	vimm.s32 $0x0  }
0x140: {  	_ =	sdelay $0x1  }
0x141: {  	v54 =	vnsel vm1, $0xFF800000, v54  }
.LBB2_10:
0x142: {  	v9 =	vmov s15  }
0x143: {  	v15 =	vshll.u32 v9, $0x3  }
0x144: {  	v15 =	vand.u32 $0xFFFFFC00, v15  }
0x145: {  	v55 =	vand.u32 $0x7F, v9;
	v15 =	vadd.s32 v24, v15  }
0x146: {  	v15 =	vor.u32 v55, v15  }
0x147: {  	v15 =	vor.u32 v25, v15;
	_ =	sdelay $0x4  }
0x148: {  	v55 =	vld.idx.msk [tilespmem:v15+s8+$0x0], $0xffff;
	_ =	sdelay $0x2  }
0x149: {  	vm3 =	vgt.s32 v9, v0  }
0x14a: {  	vm9 =	vgt.s32 v9, v2;
	vm10 =	vgt.s32 v9, v3;
	vm11 =	vgt.s32 v9, v4  }
0x14b: {  	vm12 =	vgt.s32 v9, v5;
	vm13 =	vgt.s32 v9, v6;
	vm0 =	veq.f32 v42, v55  }
0x14c: {  	vm14 =	vgt.s32 v9, v7;
	vm4 =	vgt.f32 v42, v55;
	vm0 =	vmand vm3, vm0  }
0x14d: {  	vm15 =	vgt.s32 v9, v8;
	vm3 =	veq.f32 v43, v55;
	vm0 =	vmor vm4, vm0  }
0x14e: {  	vm3 =	vmand vm9, vm3;
	v15 =	vsel vm0, $0x1, v1;
	vm0 =	vgt.f32 v43, v55  }
0x14f: {  	vm8 =	veq.f32 v51, v55;
	vm0 =	vmor vm0, vm3;
	vm3 =	veq.f32 v44, v55  }
0x150: {  	v56 =	vsel vm0, $0x1, v1;
	vm0 =	vgt.f32 v44, v55;
	vm3 =	vmand vm10, vm3  }
0x151: {  	vm9 =	vgt.s32 v9, v17;
	vm0 =	vmor vm0, vm3;
	vm3 =	veq.f32 v45, v55  }
0x152: {  	v57 =	vsel vm0, $0x1, v1;
	vm0 =	vgt.f32 v45, v55;
	vm3 =	vmand vm11, vm3  }
0x153: {  	v15 =	vadd.s32 v56, v15;
	vm0 =	vmor vm0, vm3;
	vm3 =	veq.f32 v46, v55  }
0x154: {  	v58 =	vsel vm0, $0x1, v1;
	vm0 =	vgt.f32 v46, v55;
	vm3 =	vmand vm12, vm3  }
0x155: {  	vm11 =	vgt.f32 v52, v55;
	vm0 =	vmor vm0, vm3;
	vm3 =	veq.f32 v47, v55  }
0x156: {  	v59 =	vsel vm0, $0x1, v1;
	vm0 =	vgt.f32 v47, v55;
	vm3 =	vmand vm13, vm3  }
0x157: {  	v15 =	vadd.s32 v57, v15;
	vm0 =	vmor vm0, vm3;
	vm3 =	veq.f32 v48, v55  }
0x158: {  	v60 =	vsel vm0, $0x1, v1;
	vm0 =	vgt.f32 v48, v55;
	vm3 =	vmand vm14, vm3  }
0x159: {  	vm12 =	vgt.s32 v9, v16;
	vm0 =	vmor vm0, vm3;
	vm3 =	veq.f32 v49, v55  }
0x15a: {  	v61 =	vsel vm0, $0x1, v1;
	vm0 =	vgt.f32 v49, v55;
	vm3 =	vmand vm15, vm3  }
0x15b: {  	vm5 =	vmor vm0, vm3;
	vm0 =	veq.f32 v50, v55;
	vm3 =	vgt.s32 v9, v19  }
0x15c: {  	v15 =	vadd.s32 v58, v15;
	vm6 =	vmand vm3, vm0;
	vm0 =	veq.s32 v41, s15  }
0x15d: {  	vm13 =	vgt.f32 v53, v55;
	v41 =	vsel vm0, $0x40000000, v41;
	vm0 =	veq.s32 v38, s15  }
0x15e: {  	v15 =	vadd.s32 v59, v15;
	v38 =	vsel vm0, $0x40000000, v38;
	vm0 =	veq.s32 v37, s15  }
0x15f: {  	vm14 =	veq.s32 v27, s15;
	v37 =	vsel vm0, $0x40000000, v37;
	vm0 =	veq.s32 v35, s15  }
0x160: {  	vm3 =	veq.s32 v39, s15;
	v35 =	vsel vm0, $0x40000000, v35;
	vm0 =	veq.s32 v33, s15  }
0x161: {  	v39 =	vsel vm3, $0x40000000, v39;
	v33 =	vsel vm0, $0x40000000, v33;
	vm0 =	veq.s32 v31, s15  }
0x162: {  	vm3 =	veq.s32 v36, s15;
	v31 =	vsel vm0, $0x40000000, v31;
	vm0 =	vlt.s32 v41, v39  }
0x163: {  	v36 =	vsel vm3, $0x40000000, v36;
	v62 =	vsel vm0, v41, v39;
	vm0 =	veq.s32 v30, s15  }
0x164: {  	vm3 =	veq.s32 v32, s15;
	v30 =	vsel vm0, $0x40000000, v30;
	vm0 =	veq.s32 v29, s15  }
0x165: {  	v32 =	vsel vm3, $0x40000000, v32;
	v29 =	vsel vm0, $0x40000000, v29;
	vm0 =	veq.s32 v28, s15  }
0x166: {  	vm3 =	vlt.s32 v38, v37;
	v28 =	vsel vm0, $0x40000000, v28;
	vm0 =	vlt.s32 v36, v35  }
0x167: {  	v63 =	vsel vm3, v38, v37;
	v56 =	vsel vm0, v36, v35;
	vm0 =	vlt.s32 v33, v32  }
0x168: {  	vm3 =	vlt.s32 v62, v63;
	v57 =	vsel vm0, v33, v32;
	vm0 =	vlt.s32 v31, v30  }
0x169: {  	v62 =	vsel vm3, v62, v63;
	v63 =	vsel vm0, v31, v30;
	vm0 =	vlt.s32 v29, v28  }
0x16a: {  	v15 =	vadd.s32 v60, v15;
	v60 =	vsel vm0, v29, v28;
	vm0 =	vlt.s32 v56, v57  }
0x16b: {  	v56 =	vsel vm0, v56, v57;
	vm0 =	vgt.f32 v50, v55;
	vm3 =	vlt.s32 v63, v60  }
0x16c: {  	vm0 =	vmor vm0, vm6;
	v58 =	vsel vm3, v63, v60;
	vm3 =	vgt.s32 v9, v18  }
0x16d: {  	v59 =	vsel vm0, $0x1, v1;
	vm0 =	vgt.f32 v51, v55;
	vm3 =	vmand vm3, vm8  }
0x16e: {  	v27 =	vsel vm14, $0x40000000, v27;
	vm0 =	vmor vm0, vm3;
	vm3 =	veq.f32 v52, v55  }
0x16f: {  	vm15 =	vgt.f32 v54, v55;
	v15 =	vadd.s32 v61, v15;
	vm3 =	vmand vm9, vm3  }
0x170: {  	v57 =	vor.u32 $0xC0, v0;
	v60 =	vsel vm0, $0x1, v1;
	vm3 =	vmor vm11, vm3  }
0x171: {  	vm0 =	vgt.s32 v9, v57;
	v9 =	vsel vm3, $0x1, v1;
	vm3 =	veq.f32 v53, v55  }
0x172: {  	v61 =	vsel vm5, $0x1, v1;
	vm10 =	vlt.s32 v62, v56;
	vm3 =	vmand vm12, vm3  }
0x173: {  	v15 =	vadd.s32 v61, v15;
	v56 =	vsel vm10, v62, v56;
	vm3 =	vmor vm13, vm3  }
0x174: {  	v15 =	vadd.s32 v59, v15;
	v62 =	vsel vm3, $0x1, v1;
	vm3 =	veq.f32 v54, v55  }
0x175: {  	v15 =	vadd.s32 v60, v15;
	vm0 =	vmand vm0, vm3;
	vm3 =	vlt.s32 v58, v27  }
0x176: {  	v9 =	vadd.s32 v9, v15;
	vm0 =	vmor vm15, vm0;
	v15 =	vsel vm3, v58, v27  }
0x177: {  	v9 =	vadd.s32 v62, v9;
	v63 =	vsel vm0, $0x1, v1;
	vm0 =	vlt.s32 v56, v15  }
0x178: {  	v9 =	vadd.s32 v63, v9;
	v15 =	vsel vm0, v56, v15  }
0x179: {  	(xrf0) =	vadd.scan.msk.s32 $0xffff, v9;
	v9 =	vxor.u32 $0x80000000, v15  }
0x17a: {  	(xrf0) =	vmin.scan.msk.u32 $0xffff, v9;
	_ =	sdelay $0x4  }
0x17b: {  	v9, _, _ =	vpop (xrf0)  }
0x17c: {  	v15, _, _ =	vpop (xrf0)  }
0x17d: {  	(v2sf) =	vpush v15, $0xF;
	_ =	sdelay $0xe  }
0x17e: {  	s31 =	spop (v2sf)  }
0x17f: {  	s15 =	sxor.u32 $0x80000000, s31  }
0x180: {  	v9 =	vbroadcast v9, $0xF;
	p0 =	slt.s32 s15, $0x40000000  }
.Ltmp9:
0x181: {  	_ = 	snop;
	(pc) =	sbr.rel @p0 .LBB2_10-.Ltmp9, $4  }
0x182: {  	vm0 =	veq.s32 v9, v0  }
0x183: {  	vm3 =	vmand vm0, vm2  }
0x184: {  	v9 =	vnsel vm0, $0x0, v20;
	v15 =	vsel vm3, $0x1, v1  }
0x185: {  	v40 =	vadd.f32 v9, v40;
	v34 =	vadd.s32 v15, v34  }
.Ltmp10:
0x186: {  	_ = 	snop;
	(pc) =	sbr.rel .LBB2_11-.Ltmp10, $1  }
0x187: {  	_ =	sdelay $0x3  }
.LBB2_14:
0x188: {  	_ =	sfence.sel $0x180000  }
0x189: {  	[bflag:$0x0] =	sbarrier.arrive $0xFFFF  }
0x18a: {  	p0 =	sne.s32 s1, $0x0;
	_ =	strace $0x90000047  }
0x18b: {  	s0 =	sadd.s32 @!p0 $0x100000, s0;
	[bflag:$0x2] =	sbarrier.arrive $0xFFFF  }
0x18c: {  	[sflag:s0] =	ssyncadd.tile.s32 @!p0 $0x1;
	_ =	shalt  }
.Lfunc_end2:
_tile_overlayer_lowered:
.L_overlay_start_2:
0x18d: {  	(tag) =	ssettag $0x2  }
0x18e: {  	s0 =	rddreg [dreg:$0x0];
	s2 =	stileid.u32  }
0x18f: {  	s1 =	rddreg [dreg:$0x1];
	p0 =	sne.s32 s2, $0x0  }
0x190: {  	s3 =	rddreg [dreg:$0x2];
	[bflag:$0x3] =	sbarrier.arrive $0xFFFF;
	s2 =	simm.s32 @!p0 $0x1C02  }
0x191: {  	[timem:s3], [sflag:s2] =	dma.local @!p0 [hbm:s0], s1  }
0x192: {  	s0 =	simm.s32 @!p0 $0x2  }
0x193: {  	_ =	swait.ge @!p0 [sflag:s0], s1  }
0x194: {  	s1 =	ssub.s32 @!p0 $0x0, s1;
	[sflag:s0] =	ssyncset.done @!p0 $0x0  }
0x195: {  	[sflag:s0] =	ssyncadd.s32 @!p0 s1  }
0x196: {  	[bflag:$0x3] =	sbarrier.arrive $0xFFFF  }
0x197: {  	_ =	shalt  }

</sc_bundles>
